<compile_context>
chip_gen: v7x
topology: tpu7x:2x2x1
jax: 0.10.2.dev20260603
libtpu: 0.0.44.dev20260713+nightly
codegen_flags: <defaults>
</compile_context>

<pallas_src>
import functools

import jax
import jax.numpy as jnp
from jax import lax
from jax.experimental import pallas as pl
from jax.experimental.pallas import tpu as pltpu
from jax.experimental.pallas import tpu_sc as plsc

NC = 2
NS = 16
NW = NC * NS
L = 16

_SENT = jnp.iinfo(jnp.int32).max


def _unpool_one(src, idx, n_out, c_i, b_rows, nb, npad):
    m, d = src.shape
    r = n_out // NW
    assert n_out % NW == 0
    nblk = (r + b_rows - 1) // b_rows
    tail = r - (nblk - 1) * b_rows
    r16 = nblk * b_rows
    steps = m.bit_length()
    full = nblk - 1
    assert full % nb == 0
    groups = full // nb

    m_pad = ((m + c_i + 16 + 15) // 16) * 16
    idx_pad = jnp.concatenate([idx, jnp.full((m_pad - m,), _SENT, jnp.int32)])
    src_pad = jnp.concatenate([src, jnp.zeros((npad, d), src.dtype)])

    mesh = plsc.VectorSubcoreMesh(core_axis_name="c", subcore_axis_name="s")

    @functools.partial(
        pl.kernel,
        out_type=jax.ShapeDtypeStruct((n_out, d), jnp.float32),
        mesh=mesh,
        scratch_types=[
            pltpu.VMEM((r16,), jnp.int32),
            pltpu.VMEM((c_i + 16,), jnp.int32),
            pltpu.VMEM((16,), jnp.int32),
            pltpu.VMEM((16,), jnp.int32),
        ] + [pltpu.VMEM((b_rows, d), jnp.float32) for _ in range(nb)]
          + [pltpu.SemaphoreType.DMA for _ in range(2 * nb + 1)],
        compiler_params=pltpu.CompilerParams(needs_layout_passes=False,
                                             use_tc_tiling_on_sc=False),
    )
    def k(src_hbm, idx_hbm, out_hbm, srcmap, idxbuf, sbuf, qbuf, *bufsem):
        rowbufs = bufsem[:nb]
        gsems = bufsem[nb:2 * nb]
        wsems = bufsem[2 * nb:3 * nb]
        sem = bufsem[3 * nb]
        wid = lax.axis_index("s") * NC + lax.axis_index("c")
        r0 = wid * r
        lanes = lax.iota(jnp.int32, 16)

        target = jnp.where(lanes == 0, r0, r0 + r)
        lo = jnp.zeros((16,), jnp.int32)
        hi = jnp.full((16,), m, jnp.int32)
        for _ in range(steps):
            mid = lax.div(lo + hi, 2)
            qbuf[...] = mid
            pltpu.async_copy(idx_hbm.at[qbuf], sbuf, sem).wait()
            val = sbuf[...]
            go = lo < hi
            lo = jnp.where(go & (val < target), mid + 1, lo)
            hi = jnp.where(go & (val >= target), mid, hi)
        s = lo[0]
        e = lo[1]

        sent = m + wid * (npad // NW)
        def init_body(ii, _):
            srcmap[pl.ds(ii * 16, 16)] = jnp.full((16,), 0, jnp.int32) + sent
            return 0
        lax.fori_loop(0, r16 // 16, init_body, 0)

        a0 = lax.div(s, 8) * 8
        nchunks = jnp.maximum(lax.div(e - a0 + (c_i - 1), c_i), 0)

        def chunk_body(ci, _):
            base = a0 + ci * c_i
            pltpu.sync_copy(idx_hbm.at[pl.ds(base, c_i + 16)], idxbuf)

            def vec_body(j, _):
                cur = idxbuf[pl.ds(j * 16, 16)]
                nxt = idxbuf[pl.ds(j * 16 + 1, 16)]
                kpos = base + j * 16 + lanes
                valid = (kpos >= s) & (kpos < e) & (cur != nxt)
                local = jnp.where(valid, cur - r0, 0)
                plsc.store_scatter(srcmap, [local], kpos, mask=valid)
                return 0
            lax.fori_loop(0, c_i // 16, vec_body, 0)
            return 0
        lax.fori_loop(0, nchunks, chunk_body, 0)

        def g_start(off, b):
            pltpu.async_copy(
                src_hbm.at[srcmap.at[pl.ds(off, b_rows)]], rowbufs[b], gsems[b])

        def g_wait(off, b):
            pltpu.make_async_copy(
                src_hbm.at[srcmap.at[pl.ds(off, b_rows)]], rowbufs[b],
                gsems[b]).wait()

        def w_start(off, b):
            pltpu.async_copy(
                rowbufs[b], out_hbm.at[pl.ds(r0 + off, b_rows), :], wsems[b])

        def w_wait(off, b):
            pltpu.make_async_copy(
                rowbufs[b], out_hbm.at[pl.ds(r0 + off, b_rows), :],
                wsems[b]).wait()

        for b in range(nb):
            g_start(b * b_rows, b)

        def group(i, _):
            base = i * nb * b_rows
            for b in range(nb):
                off = base + b * b_rows
                g_wait(off, b)
                w_start(off, b)

            @pl.when(i < groups - 1)
            def _():
                for b in range(nb):
                    off = base + b * b_rows
                    w_wait(off, b)
                    g_start(off + nb * b_rows, b)
            return 0
        lax.fori_loop(0, groups, group, 0)
        last_base = (groups - 1) * nb * b_rows
        for b in range(nb):
            w_wait(last_base + b * b_rows, b)

        off = full * b_rows
        pltpu.async_copy(
            src_hbm.at[srcmap.at[pl.ds(off, b_rows)]], rowbufs[0],
            gsems[0]).wait()
        pltpu.sync_copy(rowbufs[0].at[pl.ds(0, tail), :],
                        out_hbm.at[pl.ds(r0 + off, tail), :])

    return k(src_pad, idx_pad)


def kernel(x, edge_attr, i, pool_indices, pool_edges, unpooled_edge_index,
           n_nodes):
    new_x = _unpool_one(x, pool_indices, 100000, c_i=2048, b_rows=128, nb=4,
                        npad=1024)
    new_edge_attr = _unpool_one(edge_attr, pool_edges,
                                unpooled_edge_index.shape[1],
                                c_i=4096, b_rows=128, nb=6, npad=4096)
    return new_x, new_edge_attr

# --- scband reference (transcript-rebuilt; emitter-appended) ---
"""Pipeline reference for scband-unpool-90374701842963 (READ-ONLY COPY).

The authoritative reference and input builder live on the scoring server;
editing this copy changes nothing except your own understanding.
"""

import jax, jax.numpy as jnp
import numpy as np

N_NODES = 100000
N_POOLED = 50000
N_EDGES = 1600000
N_POOLED_EDGES = 800000
D_FEAT = 128
D_EDGE = 16


def setup_inputs(seed: int = 0) -> dict:
    key = jax.random.key(seed)
    k1, k2, k3, k4, k5 = jax.random.split(key, 5)
    x = jax.random.normal(k1, (N_POOLED, D_FEAT), dtype=jnp.float32)
    edge_attr = jax.random.normal(k2, (N_POOLED_EDGES, D_EDGE), dtype=jnp.float32)
    pool_indices = jnp.sort(jax.random.randint(k3, (N_POOLED,), 0, N_NODES, dtype=jnp.int32))
    pool_edges = jnp.sort(jax.random.randint(k4, (N_POOLED_EDGES,), 0, N_EDGES, dtype=jnp.int32))
    unpooled_edge_index = jax.random.randint(k5, (2, N_EDGES), 0, N_NODES, dtype=jnp.int32)
    return {
        "x": x,
        "edge_attr": edge_attr,
        "i": 0,
        "pool_indices": pool_indices,
        "pool_edges": pool_edges,
        "unpooled_edge_index": unpooled_edge_index,
        "n_nodes": N_NODES,
    }


def reference(x, edge_attr, i, pool_indices, pool_edges, unpooled_edge_index, n_nodes):
    # new_x = zeros[n_nodes, hidden]; new_x[pool_indices] = x  (scatter-overwrite)
    new_x = jnp.zeros((N_NODES, x.shape[1]), dtype=x.dtype).at[pool_indices + (n_nodes - N_NODES)].set(x)
    # new_edge_attr = zeros[n_edges, d_edge]; new_edge_attr[pool_edges] = edge_attr
    new_edge_attr = jnp.zeros((unpooled_edge_index.shape[1], edge_attr.shape[1]), dtype=edge_attr.dtype).at[pool_edges].set(edge_attr)
    return new_x, new_edge_attr

if __name__ == "__main__":
    import jax
    _d = setup_inputs()
    print(jax.jit(kernel)(*tuple(_d.values())))

</pallas_src>

<mosaic_0001>
#map = affine_map<(d0, d1) -> (0, 0)>
#map1 = affine_map<(d0, d1) -> (0)>
module attributes {stable_mosaic.version = 14 : i64} {
  func.func @k(%arg0: i32, %arg1: i32, %arg2: memref<804096x16xf32, #tpu.memory_space<hbm>>, %arg3: memref<804112xi32, #tpu.memory_space<hbm>>, %arg4: memref<1600000x16xf32, #tpu.memory_space<hbm>>, %arg5: memref<50048xi32, #tpu.memory_space<vmem>>, %arg6: memref<4112xi32, #tpu.memory_space<vmem>>, %arg7: memref<16xi32, #tpu.memory_space<vmem>>, %arg8: memref<16xi32, #tpu.memory_space<vmem>>, %arg9: memref<128x16xf32, #tpu.memory_space<vmem>>, %arg10: memref<128x16xf32, #tpu.memory_space<vmem>>, %arg11: memref<128x16xf32, #tpu.memory_space<vmem>>, %arg12: memref<128x16xf32, #tpu.memory_space<vmem>>, %arg13: memref<128x16xf32, #tpu.memory_space<vmem>>, %arg14: memref<128x16xf32, #tpu.memory_space<vmem>>, %arg15: memref<!tpu.dma_semaphore, #tpu.memory_space<semaphore_mem>>, %arg16: memref<!tpu.dma_semaphore, #tpu.memory_space<semaphore_mem>>, %arg17: memref<!tpu.dma_semaphore, #tpu.memory_space<semaphore_mem>>, %arg18: memref<!tpu.dma_semaphore, #tpu.memory_space<semaphore_mem>>, %arg19: memref<!tpu.dma_semaphore, #tpu.memory_space<semaphore_mem>>, %arg20: memref<!tpu.dma_semaphore, #tpu.memory_space<semaphore_mem>>, %arg21: memref<!tpu.dma_semaphore, #tpu.memory_space<semaphore_mem>>, %arg22: memref<!tpu.dma_semaphore, #tpu.memory_space<semaphore_mem>>, %arg23: memref<!tpu.dma_semaphore, #tpu.memory_space<semaphore_mem>>, %arg24: memref<!tpu.dma_semaphore, #tpu.memory_space<semaphore_mem>>, %arg25: memref<!tpu.dma_semaphore, #tpu.memory_space<semaphore_mem>>, %arg26: memref<!tpu.dma_semaphore, #tpu.memory_space<semaphore_mem>>, %arg27: memref<!tpu.dma_semaphore, #tpu.memory_space<semaphore_mem>>) attributes {dimension_semantics = [#tpu.dimension_semantics<core_parallel>, #tpu.dimension_semantics<subcore_parallel>], iteration_bounds = array<i64: 2, 16>, scalar_prefetch = 0 : i64, scratch_operands = 23 : i64, tpu.core_type = #tpu.core_type<sc_vector_subcore>, window_params = [{transform_indices = #map}, {transform_indices = #map1}, {transform_indices = #map}]} {
    %mul3A = arith.constant 2 : i32
    %mul3A_0 = arith.muli %arg1, %mul3A : i32
    %add3A = arith.addi %mul3A_0, %arg0 : i32
    %mul3A_1 = arith.constant 50000 : i32
    %mul3A_2 = arith.muli %add3A, %mul3A_1 : i32
    %iota3A = tpu.iota {dimensions = array<i32: 0>} : vector<16xi32>
    %eq3A = arith.constant 0 : i32
    %eq3A_3 = vector.broadcast %eq3A : i32 to vector<16xi32>
    %eq3A_4 = arith.cmpi eq, %iota3A, %eq3A_3 : vector<16xi32>
    %add3A_5 = arith.constant 50000 : i32
    %add3A_6 = arith.addi %mul3A_2, %add3A_5 : i32
    %broadcast_in_dim3A = vector.broadcast %mul3A_2 : i32 to vector<16xi32>
    %broadcast_in_dim3A_7 = vector.broadcast %add3A_6 : i32 to vector<16xi32>
    %select_n3A = arith.select %eq3A_4, %broadcast_in_dim3A, %broadcast_in_dim3A_7 : vector<16xi1>, vector<16xi32>
    %broadcast_in_dim3A_8 = arith.constant 0 : i32
    %broadcast_in_dim3A_9 = vector.broadcast %broadcast_in_dim3A_8 : i32 to vector<16xi32>
    %broadcast_in_dim3A_10 = arith.constant 800000 : i32
    %broadcast_in_dim3A_11 = vector.broadcast %broadcast_in_dim3A_10 : i32 to vector<16xi32>
    %add3A_12 = arith.addi %broadcast_in_dim3A_9, %broadcast_in_dim3A_11 : vector<16xi32>
    %div3A = arith.constant 2 : i32
    %div3A_13 = vector.broadcast %div3A : i32 to vector<16xi32>
    %div3A_14 = arith.divsi %add3A_12, %div3A_13 : vector<16xi32>
    %swap3A = arith.constant 0 : index
    %swap3A_15 = tpu.vector_load %arg8[%swap3A] {strides = array<i32>} : memref<16xi32, #tpu.memory_space<vmem>>, vector<16xi32>,
    tpu.vector_store %arg8[%swap3A], %div3A_14 {strides = array<i32>} : memref<16xi32, #tpu.memory_space<vmem>>, vector<16xi32>,
    %dma_start3A = arith.constant 0 : i32
    %dma_start3A_16 = tpu.memref_slice %arg3[%dma_start3A] : memref<804112xi32, #tpu.memory_space<hbm>> -> memref<804112xi32, #tpu.memory_space<hbm>>
    tpu.enqueue_indirect_dma source(%dma_start3A_16 : memref<804112xi32, #tpu.memory_space<hbm>>) target(%arg7 : memref<16xi32, #tpu.memory_space<vmem>>) offsets(%arg8 : memref<16xi32, #tpu.memory_space<vmem>>) semaphore(%arg27 : memref<!tpu.dma_semaphore, #tpu.memory_space<semaphore_mem>>)
    %dma_wait3A = arith.constant 0 : i32
    %dma_wait3A_17 = tpu.memref_slice %arg3[%dma_wait3A] : memref<804112xi32, #tpu.memory_space<hbm>> -> memref<804112xi32, #tpu.memory_space<hbm>>
    tpu.wait_indirect_dma semaphore(%arg27 : memref<!tpu.dma_semaphore, #tpu.memory_space<semaphore_mem>>) src(%dma_wait3A_17 : memref<804112xi32, #tpu.memory_space<hbm>>) dst(%arg7 : memref<16xi32, #tpu.memory_space<vmem>>)
    %get3A = arith.constant 0 : index
    %get3A_18 = tpu.vector_load %arg7[%get3A] {strides = array<i32>} : memref<16xi32, #tpu.memory_space<vmem>>, vector<16xi32>,
    %lt3A = arith.cmpi slt, %broadcast_in_dim3A_9, %broadcast_in_dim3A_11 : vector<16xi32>
    %lt3A_19 = arith.cmpi slt, %get3A_18, %select_n3A : vector<16xi32>
    %and3A = arith.andi %lt3A, %lt3A_19 : vector<16xi1>
    %add3A_20 = arith.constant 1 : i32
    %add3A_21 = vector.broadcast %add3A_20 : i32 to vector<16xi32>
    %add3A_22 = arith.addi %div3A_14, %add3A_21 : vector<16xi32>
    %select_n3A_23 = arith.select %and3A, %add3A_22, %broadcast_in_dim3A_9 : vector<16xi1>, vector<16xi32>
    %ge3A = arith.cmpi sge, %get3A_18, %select_n3A : vector<16xi32>
    %and3A_24 = arith.andi %lt3A, %ge3A : vector<16xi1>
    %select_n3A_25 = arith.select %and3A_24, %div3A_14, %broadcast_in_dim3A_11 : vector<16xi1>, vector<16xi32>
    %add3A_26 = arith.addi %select_n3A_23, %select_n3A_25 : vector<16xi32>
    %div3A_27 = arith.constant 2 : i32
    %div3A_28 = vector.broadcast %div3A_27 : i32 to vector<16xi32>
    %div3A_29 = arith.divsi %add3A_26, %div3A_28 : vector<16xi32>
    %swap3A_30 = arith.constant 0 : index
    %swap3A_31 = tpu.vector_load %arg8[%swap3A_30] {strides = array<i32>} : memref<16xi32, #tpu.memory_space<vmem>>, vector<16xi32>,
    tpu.vector_store %arg8[%swap3A_30], %div3A_29 {strides = array<i32>} : memref<16xi32, #tpu.memory_space<vmem>>, vector<16xi32>,
    %dma_start3A_32 = arith.constant 0 : i32
    %dma_start3A_33 = tpu.memref_slice %arg3[%dma_start3A_32] : memref<804112xi32, #tpu.memory_space<hbm>> -> memref<804112xi32, #tpu.memory_space<hbm>>
    tpu.enqueue_indirect_dma source(%dma_start3A_33 : memref<804112xi32, #tpu.memory_space<hbm>>) target(%arg7 : memref<16xi32, #tpu.memory_space<vmem>>) offsets(%arg8 : memref<16xi32, #tpu.memory_space<vmem>>) semaphore(%arg27 : memref<!tpu.dma_semaphore, #tpu.memory_space<semaphore_mem>>)
    %dma_wait3A_34 = arith.constant 0 : i32
    %dma_wait3A_35 = tpu.memref_slice %arg3[%dma_wait3A_34] : memref<804112xi32, #tpu.memory_space<hbm>> -> memref<804112xi32, #tpu.memory_space<hbm>>
    tpu.wait_indirect_dma semaphore(%arg27 : memref<!tpu.dma_semaphore, #tpu.memory_space<semaphore_mem>>) src(%dma_wait3A_35 : memref<804112xi32, #tpu.memory_space<hbm>>) dst(%arg7 : memref<16xi32, #tpu.memory_space<vmem>>)
    %get3A_36 = arith.constant 0 : index
    %get3A_37 = tpu.vector_load %arg7[%get3A_36] {strides = array<i32>} : memref<16xi32, #tpu.memory_space<vmem>>, vector<16xi32>,
    %lt3A_38 = arith.cmpi slt, %select_n3A_23, %select_n3A_25 : vector<16xi32>
    %lt3A_39 = arith.cmpi slt, %get3A_37, %select_n3A : vector<16xi32>
    %and3A_40 = arith.andi %lt3A_38, %lt3A_39 : vector<16xi1>
    %add3A_41 = arith.constant 1 : i32
    %add3A_42 = vector.broadcast %add3A_41 : i32 to vector<16xi32>
    %add3A_43 = arith.addi %div3A_29, %add3A_42 : vector<16xi32>
    %select_n3A_44 = arith.select %and3A_40, %add3A_43, %select_n3A_23 : vector<16xi1>, vector<16xi32>
    %ge3A_45 = arith.cmpi sge, %get3A_37, %select_n3A : vector<16xi32>
    %and3A_46 = arith.andi %lt3A_38, %ge3A_45 : vector<16xi1>
    %select_n3A_47 = arith.select %and3A_46, %div3A_29, %select_n3A_25 : vector<16xi1>, vector<16xi32>
    %add3A_48 = arith.addi %select_n3A_44, %select_n3A_47 : vector<16xi32>
    %div3A_49 = arith.constant 2 : i32
    %div3A_50 = vector.broadcast %div3A_49 : i32 to vector<16xi32>
    %div3A_51 = arith.divsi %add3A_48, %div3A_50 : vector<16xi32>
    %swap3A_52 = arith.constant 0 : index
    %swap3A_53 = tpu.vector_load %arg8[%swap3A_52] {strides = array<i32>} : memref<16xi32, #tpu.memory_space<vmem>>, vector<16xi32>,
    tpu.vector_store %arg8[%swap3A_52], %div3A_51 {strides = array<i32>} : memref<16xi32, #tpu.memory_space<vmem>>, vector<16xi32>,
    %dma_start3A_54 = arith.constant 0 : i32
    %dma_start3A_55 = tpu.memref_slice %arg3[%dma_start3A_54] : memref<804112xi32, #tpu.memory_space<hbm>> -> memref<804112xi32, #tpu.memory_space<hbm>>
    tpu.enqueue_indirect_dma source(%dma_start3A_55 : memref<804112xi32, #tpu.memory_space<hbm>>) target(%arg7 : memref<16xi32, #tpu.memory_space<vmem>>) offsets(%arg8 : memref<16xi32, #tpu.memory_space<vmem>>) semaphore(%arg27 : memref<!tpu.dma_semaphore, #tpu.memory_space<semaphore_mem>>)
    %dma_wait3A_56 = arith.constant 0 : i32
    %dma_wait3A_57 = tpu.memref_slice %arg3[%dma_wait3A_56] : memref<804112xi32, #tpu.memory_space<hbm>> -> memref<804112xi32, #tpu.memory_space<hbm>>
    tpu.wait_indirect_dma semaphore(%arg27 : memref<!tpu.dma_semaphore, #tpu.memory_space<semaphore_mem>>) src(%dma_wait3A_57 : memref<804112xi32, #tpu.memory_space<hbm>>) dst(%arg7 : memref<16xi32, #tpu.memory_space<vmem>>)
    %get3A_58 = arith.constant 0 : index
    %get3A_59 = tpu.vector_load %arg7[%get3A_58] {strides = array<i32>} : memref<16xi32, #tpu.memory_space<vmem>>, vector<16xi32>,
    %lt3A_60 = arith.cmpi slt, %select_n3A_44, %select_n3A_47 : vector<16xi32>
    %lt3A_61 = arith.cmpi slt, %get3A_59, %select_n3A : vector<16xi32>
    %and3A_62 = arith.andi %lt3A_60, %lt3A_61 : vector<16xi1>
    %add3A_63 = arith.constant 1 : i32
    %add3A_64 = vector.broadcast %add3A_63 : i32 to vector<16xi32>
    %add3A_65 = arith.addi %div3A_51, %add3A_64 : vector<16xi32>
    %select_n3A_66 = arith.select %and3A_62, %add3A_65, %select_n3A_44 : vector<16xi1>, vector<16xi32>
    %ge3A_67 = arith.cmpi sge, %get3A_59, %select_n3A : vector<16xi32>
    %and3A_68 = arith.andi %lt3A_60, %ge3A_67 : vector<16xi1>
    %select_n3A_69 = arith.select %and3A_68, %div3A_51, %select_n3A_47 : vector<16xi1>, vector<16xi32>
    %add3A_70 = arith.addi %select_n3A_66, %select_n3A_69 : vector<16xi32>
    %div3A_71 = arith.constant 2 : i32
    %div3A_72 = vector.broadcast %div3A_71 : i32 to vector<16xi32>
    %div3A_73 = arith.divsi %add3A_70, %div3A_72 : vector<16xi32>
    %swap3A_74 = arith.constant 0 : index
    %swap3A_75 = tpu.vector_load %arg8[%swap3A_74] {strides = array<i32>} : memref<16xi32, #tpu.memory_space<vmem>>, vector<16xi32>,
    tpu.vector_store %arg8[%swap3A_74], %div3A_73 {strides = array<i32>} : memref<16xi32, #tpu.memory_space<vmem>>, vector<16xi32>,
    %dma_start3A_76 = arith.constant 0 : i32
    %dma_start3A_77 = tpu.memref_slice %arg3[%dma_start3A_76] : memref<804112xi32, #tpu.memory_space<hbm>> -> memref<804112xi32, #tpu.memory_space<hbm>>
    tpu.enqueue_indirect_dma source(%dma_start3A_77 : memref<804112xi32, #tpu.memory_space<hbm>>) target(%arg7 : memref<16xi32, #tpu.memory_space<vmem>>) offsets(%arg8 : memref<16xi32, #tpu.memory_space<vmem>>) semaphore(%arg27 : memref<!tpu.dma_semaphore, #tpu.memory_space<semaphore_mem>>)
    %dma_wait3A_78 = arith.constant 0 : i32
    %dma_wait3A_79 = tpu.memref_slice %arg3[%dma_wait3A_78] : memref<804112xi32, #tpu.memory_space<hbm>> -> memref<804112xi32, #tpu.memory_space<hbm>>
    tpu.wait_indirect_dma semaphore(%arg27 : memref<!tpu.dma_semaphore, #tpu.memory_space<semaphore_mem>>) src(%dma_wait3A_79 : memref<804112xi32, #tpu.memory_space<hbm>>) dst(%arg7 : memref<16xi32, #tpu.memory_space<vmem>>)
    %get3A_80 = arith.constant 0 : index
    %get3A_81 = tpu.vector_load %arg7[%get3A_80] {strides = array<i32>} : memref<16xi32, #tpu.memory_space<vmem>>, vector<16xi32>,
    %lt3A_82 = arith.cmpi slt, %select_n3A_66, %select_n3A_69 : vector<16xi32>
    %lt3A_83 = arith.cmpi slt, %get3A_81, %select_n3A : vector<16xi32>
    %and3A_84 = arith.andi %lt3A_82, %lt3A_83 : vector<16xi1>
    %add3A_85 = arith.constant 1 : i32
    %add3A_86 = vector.broadcast %add3A_85 : i32 to vector<16xi32>
    %add3A_87 = arith.addi %div3A_73, %add3A_86 : vector<16xi32>
    %select_n3A_88 = arith.select %and3A_84, %add3A_87, %select_n3A_66 : vector<16xi1>, vector<16xi32>
    %ge3A_89 = arith.cmpi sge, %get3A_81, %select_n3A : vector<16xi32>
    %and3A_90 = arith.andi %lt3A_82, %ge3A_89 : vector<16xi1>
    %select_n3A_91 = arith.select %and3A_90, %div3A_73, %select_n3A_69 : vector<16xi1>, vector<16xi32>
    %add3A_92 = arith.addi %select_n3A_88, %select_n3A_91 : vector<16xi32>
    %div3A_93 = arith.constant 2 : i32
    %div3A_94 = vector.broadcast %div3A_93 : i32 to vector<16xi32>
    %div3A_95 = arith.divsi %add3A_92, %div3A_94 : vector<16xi32>
    %swap3A_96 = arith.constant 0 : index
    %swap3A_97 = tpu.vector_load %arg8[%swap3A_96] {strides = array<i32>} : memref<16xi32, #tpu.memory_space<vmem>>, vector<16xi32>,
    tpu.vector_store %arg8[%swap3A_96], %div3A_95 {strides = array<i32>} : memref<16xi32, #tpu.memory_space<vmem>>, vector<16xi32>,
    %dma_start3A_98 = arith.constant 0 : i32
    %dma_start3A_99 = tpu.memref_slice %arg3[%dma_start3A_98] : memref<804112xi32, #tpu.memory_space<hbm>> -> memref<804112xi32, #tpu.memory_space<hbm>>
    tpu.enqueue_indirect_dma source(%dma_start3A_99 : memref<804112xi32, #tpu.memory_space<hbm>>) target(%arg7 : memref<16xi32, #tpu.memory_space<vmem>>) offsets(%arg8 : memref<16xi32, #tpu.memory_space<vmem>>) semaphore(%arg27 : memref<!tpu.dma_semaphore, #tpu.memory_space<semaphore_mem>>)
    %dma_wait3A_100 = arith.constant 0 : i32
    %dma_wait3A_101 = tpu.memref_slice %arg3[%dma_wait3A_100] : memref<804112xi32, #tpu.memory_space<hbm>> -> memref<804112xi32, #tpu.memory_space<hbm>>
    tpu.wait_indirect_dma semaphore(%arg27 : memref<!tpu.dma_semaphore, #tpu.memory_space<semaphore_mem>>) src(%dma_wait3A_101 : memref<804112xi32, #tpu.memory_space<hbm>>) dst(%arg7 : memref<16xi32, #tpu.memory_space<vmem>>)
    %get3A_102 = arith.constant 0 : index
    %get3A_103 = tpu.vector_load %arg7[%get3A_102] {strides = array<i32>} : memref<16xi32, #tpu.memory_space<vmem>>, vector<16xi32>,
    %lt3A_104 = arith.cmpi slt, %select_n3A_88, %select_n3A_91 : vector<16xi32>
    %lt3A_105 = arith.cmpi slt, %get3A_103, %select_n3A : vector<16xi32>
    %and3A_106 = arith.andi %lt3A_104, %lt3A_105 : vector<16xi1>
    %add3A_107 = arith.constant 1 : i32
    %add3A_108 = vector.broadcast %add3A_107 : i32 to vector<16xi32>
    %add3A_109 = arith.addi %div3A_95, %add3A_108 : vector<16xi32>
    %select_n3A_110 = arith.select %and3A_106, %add3A_109, %select_n3A_88 : vector<16xi1>, vector<16xi32>
    %ge3A_111 = arith.cmpi sge, %get3A_103, %select_n3A : vector<16xi32>
    %and3A_112 = arith.andi %lt3A_104, %ge3A_111 : vector<16xi1>
    %select_n3A_113 = arith.select %and3A_112, %div3A_95, %select_n3A_91 : vector<16xi1>, vector<16xi32>
    %add3A_114 = arith.addi %select_n3A_110, %select_n3A_113 : vector<16xi32>
    %div3A_115 = arith.constant 2 : i32
    %div3A_116 = vector.broadcast %div3A_115 : i32 to vector<16xi32>
    %div3A_117 = arith.divsi %add3A_114, %div3A_116 : vector<16xi32>
    %swap3A_118 = arith.constant 0 : index
    %swap3A_119 = tpu.vector_load %arg8[%swap3A_118] {strides = array<i32>} : memref<16xi32, #tpu.memory_space<vmem>>, vector<16xi32>,
    tpu.vector_store %arg8[%swap3A_118], %div3A_117 {strides = array<i32>} : memref<16xi32, #tpu.memory_space<vmem>>, vector<16xi32>,
    %dma_start3A_120 = arith.constant 0 : i32
    %dma_start3A_121 = tpu.memref_slice %arg3[%dma_start3A_120] : memref<804112xi32, #tpu.memory_space<hbm>> -> memref<804112xi32, #tpu.memory_space<hbm>>
    tpu.enqueue_indirect_dma source(%dma_start3A_121 : memref<804112xi32, #tpu.memory_space<hbm>>) target(%arg7 : memref<16xi32, #tpu.memory_space<vmem>>) offsets(%arg8 : memref<16xi32, #tpu.memory_space<vmem>>) semaphore(%arg27 : memref<!tpu.dma_semaphore, #tpu.memory_space<semaphore_mem>>)
    %dma_wait3A_122 = arith.constant 0 : i32
    %dma_wait3A_123 = tpu.memref_slice %arg3[%dma_wait3A_122] : memref<804112xi32, #tpu.memory_space<hbm>> -> memref<804112xi32, #tpu.memory_space<hbm>>
    tpu.wait_indirect_dma semaphore(%arg27 : memref<!tpu.dma_semaphore, #tpu.memory_space<semaphore_mem>>) src(%dma_wait3A_123 : memref<804112xi32, #tpu.memory_space<hbm>>) dst(%arg7 : memref<16xi32, #tpu.memory_space<vmem>>)
    %get3A_124 = arith.constant 0 : index
    %get3A_125 = tpu.vector_load %arg7[%get3A_124] {strides = array<i32>} : memref<16xi32, #tpu.memory_space<vmem>>, vector<16xi32>,
    %lt3A_126 = arith.cmpi slt, %select_n3A_110, %select_n3A_113 : vector<16xi32>
    %lt3A_127 = arith.cmpi slt, %get3A_125, %select_n3A : vector<16xi32>
    %and3A_128 = arith.andi %lt3A_126, %lt3A_127 : vector<16xi1>
    %add3A_129 = arith.constant 1 : i32
    %add3A_130 = vector.broadcast %add3A_129 : i32 to vector<16xi32>
    %add3A_131 = arith.addi %div3A_117, %add3A_130 : vector<16xi32>
    %select_n3A_132 = arith.select %and3A_128, %add3A_131, %select_n3A_110 : vector<16xi1>, vector<16xi32>
    %ge3A_133 = arith.cmpi sge, %get3A_125, %select_n3A : vector<16xi32>
    %and3A_134 = arith.andi %lt3A_126, %ge3A_133 : vector<16xi1>
    %select_n3A_135 = arith.select %and3A_134, %div3A_117, %select_n3A_113 : vector<16xi1>, vector<16xi32>
    %add3A_136 = arith.addi %select_n3A_132, %select_n3A_135 : vector<16xi32>
    %div3A_137 = arith.constant 2 : i32
    %div3A_138 = vector.broadcast %div3A_137 : i32 to vector<16xi32>
    %div3A_139 = arith.divsi %add3A_136, %div3A_138 : vector<16xi32>
    %swap3A_140 = arith.constant 0 : index
    %swap3A_141 = tpu.vector_load %arg8[%swap3A_140] {strides = array<i32>} : memref<16xi32, #tpu.memory_space<vmem>>, vector<16xi32>,
    tpu.vector_store %arg8[%swap3A_140], %div3A_139 {strides = array<i32>} : memref<16xi32, #tpu.memory_space<vmem>>, vector<16xi32>,
    %dma_start3A_142 = arith.constant 0 : i32
    %dma_start3A_143 = tpu.memref_slice %arg3[%dma_start3A_142] : memref<804112xi32, #tpu.memory_space<hbm>> -> memref<804112xi32, #tpu.memory_space<hbm>>
    tpu.enqueue_indirect_dma source(%dma_start3A_143 : memref<804112xi32, #tpu.memory_space<hbm>>) target(%arg7 : memref<16xi32, #tpu.memory_space<vmem>>) offsets(%arg8 : memref<16xi32, #tpu.memory_space<vmem>>) semaphore(%arg27 : memref<!tpu.dma_semaphore, #tpu.memory_space<semaphore_mem>>)
    %dma_wait3A_144 = arith.constant 0 : i32
    %dma_wait3A_145 = tpu.memref_slice %arg3[%dma_wait3A_144] : memref<804112xi32, #tpu.memory_space<hbm>> -> memref<804112xi32, #tpu.memory_space<hbm>>
    tpu.wait_indirect_dma semaphore(%arg27 : memref<!tpu.dma_semaphore, #tpu.memory_space<semaphore_mem>>) src(%dma_wait3A_145 : memref<804112xi32, #tpu.memory_space<hbm>>) dst(%arg7 : memref<16xi32, #tpu.memory_space<vmem>>)
    %get3A_146 = arith.constant 0 : index
    %get3A_147 = tpu.vector_load %arg7[%get3A_146] {strides = array<i32>} : memref<16xi32, #tpu.memory_space<vmem>>, vector<16xi32>,
    %lt3A_148 = arith.cmpi slt, %select_n3A_132, %select_n3A_135 : vector<16xi32>
    %lt3A_149 = arith.cmpi slt, %get3A_147, %select_n3A : vector<16xi32>
    %and3A_150 = arith.andi %lt3A_148, %lt3A_149 : vector<16xi1>
    %add3A_151 = arith.constant 1 : i32
    %add3A_152 = vector.broadcast %add3A_151 : i32 to vector<16xi32>
    %add3A_153 = arith.addi %div3A_139, %add3A_152 : vector<16xi32>
    %select_n3A_154 = arith.select %and3A_150, %add3A_153, %select_n3A_132 : vector<16xi1>, vector<16xi32>
    %ge3A_155 = arith.cmpi sge, %get3A_147, %select_n3A : vector<16xi32>
    %and3A_156 = arith.andi %lt3A_148, %ge3A_155 : vector<16xi1>
    %select_n3A_157 = arith.select %and3A_156, %div3A_139, %select_n3A_135 : vector<16xi1>, vector<16xi32>
    %add3A_158 = arith.addi %select_n3A_154, %select_n3A_157 : vector<16xi32>
    %div3A_159 = arith.constant 2 : i32
    %div3A_160 = vector.broadcast %div3A_159 : i32 to vector<16xi32>
    %div3A_161 = arith.divsi %add3A_158, %div3A_160 : vector<16xi32>
    %swap3A_162 = arith.constant 0 : index
    %swap3A_163 = tpu.vector_load %arg8[%swap3A_162] {strides = array<i32>} : memref<16xi32, #tpu.memory_space<vmem>>, vector<16xi32>,
    tpu.vector_store %arg8[%swap3A_162], %div3A_161 {strides = array<i32>} : memref<16xi32, #tpu.memory_space<vmem>>, vector<16xi32>,
    %dma_start3A_164 = arith.constant 0 : i32
    %dma_start3A_165 = tpu.memref_slice %arg3[%dma_start3A_164] : memref<804112xi32, #tpu.memory_space<hbm>> -> memref<804112xi32, #tpu.memory_space<hbm>>
    tpu.enqueue_indirect_dma source(%dma_start3A_165 : memref<804112xi32, #tpu.memory_space<hbm>>) target(%arg7 : memref<16xi32, #tpu.memory_space<vmem>>) offsets(%arg8 : memref<16xi32, #tpu.memory_space<vmem>>) semaphore(%arg27 : memref<!tpu.dma_semaphore, #tpu.memory_space<semaphore_mem>>)
    %dma_wait3A_166 = arith.constant 0 : i32
    %dma_wait3A_167 = tpu.memref_slice %arg3[%dma_wait3A_166] : memref<804112xi32, #tpu.memory_space<hbm>> -> memref<804112xi32, #tpu.memory_space<hbm>>
    tpu.wait_indirect_dma semaphore(%arg27 : memref<!tpu.dma_semaphore, #tpu.memory_space<semaphore_mem>>) src(%dma_wait3A_167 : memref<804112xi32, #tpu.memory_space<hbm>>) dst(%arg7 : memref<16xi32, #tpu.memory_space<vmem>>)
    %get3A_168 = arith.constant 0 : index
    %get3A_169 = tpu.vector_load %arg7[%get3A_168] {strides = array<i32>} : memref<16xi32, #tpu.memory_space<vmem>>, vector<16xi32>,
    %lt3A_170 = arith.cmpi slt, %select_n3A_154, %select_n3A_157 : vector<16xi32>
    %lt3A_171 = arith.cmpi slt, %get3A_169, %select_n3A : vector<16xi32>
    %and3A_172 = arith.andi %lt3A_170, %lt3A_171 : vector<16xi1>
    %add3A_173 = arith.constant 1 : i32
    %add3A_174 = vector.broadcast %add3A_173 : i32 to vector<16xi32>
    %add3A_175 = arith.addi %div3A_161, %add3A_174 : vector<16xi32>
    %select_n3A_176 = arith.select %and3A_172, %add3A_175, %select_n3A_154 : vector<16xi1>, vector<16xi32>
    %ge3A_177 = arith.cmpi sge, %get3A_169, %select_n3A : vector<16xi32>
    %and3A_178 = arith.andi %lt3A_170, %ge3A_177 : vector<16xi1>
    %select_n3A_179 = arith.select %and3A_178, %div3A_161, %select_n3A_157 : vector<16xi1>, vector<16xi32>
    %add3A_180 = arith.addi %select_n3A_176, %select_n3A_179 : vector<16xi32>
    %div3A_181 = arith.constant 2 : i32
    %div3A_182 = vector.broadcast %div3A_181 : i32 to vector<16xi32>
    %div3A_183 = arith.divsi %add3A_180, %div3A_182 : vector<16xi32>
    %swap3A_184 = arith.constant 0 : index
    %swap3A_185 = tpu.vector_load %arg8[%swap3A_184] {strides = array<i32>} : memref<16xi32, #tpu.memory_space<vmem>>, vector<16xi32>,
    tpu.vector_store %arg8[%swap3A_184], %div3A_183 {strides = array<i32>} : memref<16xi32, #tpu.memory_space<vmem>>, vector<16xi32>,
    %dma_start3A_186 = arith.constant 0 : i32
    %dma_start3A_187 = tpu.memref_slice %arg3[%dma_start3A_186] : memref<804112xi32, #tpu.memory_space<hbm>> -> memref<804112xi32, #tpu.memory_space<hbm>>
    tpu.enqueue_indirect_dma source(%dma_start3A_187 : memref<804112xi32, #tpu.memory_space<hbm>>) target(%arg7 : memref<16xi32, #tpu.memory_space<vmem>>) offsets(%arg8 : memref<16xi32, #tpu.memory_space<vmem>>) semaphore(%arg27 : memref<!tpu.dma_semaphore, #tpu.memory_space<semaphore_mem>>)
    %dma_wait3A_188 = arith.constant 0 : i32
    %dma_wait3A_189 = tpu.memref_slice %arg3[%dma_wait3A_188] : memref<804112xi32, #tpu.memory_space<hbm>> -> memref<804112xi32, #tpu.memory_space<hbm>>
    tpu.wait_indirect_dma semaphore(%arg27 : memref<!tpu.dma_semaphore, #tpu.memory_space<semaphore_mem>>) src(%dma_wait3A_189 : memref<804112xi32, #tpu.memory_space<hbm>>) dst(%arg7 : memref<16xi32, #tpu.memory_space<vmem>>)
    %get3A_190 = arith.constant 0 : index
    %get3A_191 = tpu.vector_load %arg7[%get3A_190] {strides = array<i32>} : memref<16xi32, #tpu.memory_space<vmem>>, vector<16xi32>,
    %lt3A_192 = arith.cmpi slt, %select_n3A_176, %select_n3A_179 : vector<16xi32>
    %lt3A_193 = arith.cmpi slt, %get3A_191, %select_n3A : vector<16xi32>
    %and3A_194 = arith.andi %lt3A_192, %lt3A_193 : vector<16xi1>
    %add3A_195 = arith.constant 1 : i32
    %add3A_196 = vector.broadcast %add3A_195 : i32 to vector<16xi32>
    %add3A_197 = arith.addi %div3A_183, %add3A_196 : vector<16xi32>
    %select_n3A_198 = arith.select %and3A_194, %add3A_197, %select_n3A_176 : vector<16xi1>, vector<16xi32>
    %ge3A_199 = arith.cmpi sge, %get3A_191, %select_n3A : vector<16xi32>
    %and3A_200 = arith.andi %lt3A_192, %ge3A_199 : vector<16xi1>
    %select_n3A_201 = arith.select %and3A_200, %div3A_183, %select_n3A_179 : vector<16xi1>, vector<16xi32>
    %add3A_202 = arith.addi %select_n3A_198, %select_n3A_201 : vector<16xi32>
    %div3A_203 = arith.constant 2 : i32
    %div3A_204 = vector.broadcast %div3A_203 : i32 to vector<16xi32>
    %div3A_205 = arith.divsi %add3A_202, %div3A_204 : vector<16xi32>
    %swap3A_206 = arith.constant 0 : index
    %swap3A_207 = tpu.vector_load %arg8[%swap3A_206] {strides = array<i32>} : memref<16xi32, #tpu.memory_space<vmem>>, vector<16xi32>,
    tpu.vector_store %arg8[%swap3A_206], %div3A_205 {strides = array<i32>} : memref<16xi32, #tpu.memory_space<vmem>>, vector<16xi32>,
    %dma_start3A_208 = arith.constant 0 : i32
    %dma_start3A_209 = tpu.memref_slice %arg3[%dma_start3A_208] : memref<804112xi32, #tpu.memory_space<hbm>> -> memref<804112xi32, #tpu.memory_space<hbm>>
    tpu.enqueue_indirect_dma source(%dma_start3A_209 : memref<804112xi32, #tpu.memory_space<hbm>>) target(%arg7 : memref<16xi32, #tpu.memory_space<vmem>>) offsets(%arg8 : memref<16xi32, #tpu.memory_space<vmem>>) semaphore(%arg27 : memref<!tpu.dma_semaphore, #tpu.memory_space<semaphore_mem>>)
    %dma_wait3A_210 = arith.constant 0 : i32
    %dma_wait3A_211 = tpu.memref_slice %arg3[%dma_wait3A_210] : memref<804112xi32, #tpu.memory_space<hbm>> -> memref<804112xi32, #tpu.memory_space<hbm>>
    tpu.wait_indirect_dma semaphore(%arg27 : memref<!tpu.dma_semaphore, #tpu.memory_space<semaphore_mem>>) src(%dma_wait3A_211 : memref<804112xi32, #tpu.memory_space<hbm>>) dst(%arg7 : memref<16xi32, #tpu.memory_space<vmem>>)
    %get3A_212 = arith.constant 0 : index
    %get3A_213 = tpu.vector_load %arg7[%get3A_212] {strides = array<i32>} : memref<16xi32, #tpu.memory_space<vmem>>, vector<16xi32>,
    %lt3A_214 = arith.cmpi slt, %select_n3A_198, %select_n3A_201 : vector<16xi32>
    %lt3A_215 = arith.cmpi slt, %get3A_213, %select_n3A : vector<16xi32>
    %and3A_216 = arith.andi %lt3A_214, %lt3A_215 : vector<16xi1>
    %add3A_217 = arith.constant 1 : i32
    %add3A_218 = vector.broadcast %add3A_217 : i32 to vector<16xi32>
    %add3A_219 = arith.addi %div3A_205, %add3A_218 : vector<16xi32>
    %select_n3A_220 = arith.select %and3A_216, %add3A_219, %select_n3A_198 : vector<16xi1>, vector<16xi32>
    %ge3A_221 = arith.cmpi sge, %get3A_213, %select_n3A : vector<16xi32>
    %and3A_222 = arith.andi %lt3A_214, %ge3A_221 : vector<16xi1>
    %select_n3A_223 = arith.select %and3A_222, %div3A_205, %select_n3A_201 : vector<16xi1>, vector<16xi32>
    %add3A_224 = arith.addi %select_n3A_220, %select_n3A_223 : vector<16xi32>
    %div3A_225 = arith.constant 2 : i32
    %div3A_226 = vector.broadcast %div3A_225 : i32 to vector<16xi32>
    %div3A_227 = arith.divsi %add3A_224, %div3A_226 : vector<16xi32>
    %swap3A_228 = arith.constant 0 : index
    %swap3A_229 = tpu.vector_load %arg8[%swap3A_228] {strides = array<i32>} : memref<16xi32, #tpu.memory_space<vmem>>, vector<16xi32>,
    tpu.vector_store %arg8[%swap3A_228], %div3A_227 {strides = array<i32>} : memref<16xi32, #tpu.memory_space<vmem>>, vector<16xi32>,
    %dma_start3A_230 = arith.constant 0 : i32
    %dma_start3A_231 = tpu.memref_slice %arg3[%dma_start3A_230] : memref<804112xi32, #tpu.memory_space<hbm>> -> memref<804112xi32, #tpu.memory_space<hbm>>
    tpu.enqueue_indirect_dma source(%dma_start3A_231 : memref<804112xi32, #tpu.memory_space<hbm>>) target(%arg7 : memref<16xi32, #tpu.memory_space<vmem>>) offsets(%arg8 : memref<16xi32, #tpu.memory_space<vmem>>) semaphore(%arg27 : memref<!tpu.dma_semaphore, #tpu.memory_space<semaphore_mem>>)
    %dma_wait3A_232 = arith.constant 0 : i32
    %dma_wait3A_233 = tpu.memref_slice %arg3[%dma_wait3A_232] : memref<804112xi32, #tpu.memory_space<hbm>> -> memref<804112xi32, #tpu.memory_space<hbm>>
    tpu.wait_indirect_dma semaphore(%arg27 : memref<!tpu.dma_semaphore, #tpu.memory_space<semaphore_mem>>) src(%dma_wait3A_233 : memref<804112xi32, #tpu.memory_space<hbm>>) dst(%arg7 : memref<16xi32, #tpu.memory_space<vmem>>)
    %get3A_234 = arith.constant 0 : index
    %get3A_235 = tpu.vector_load %arg7[%get3A_234] {strides = array<i32>} : memref<16xi32, #tpu.memory_space<vmem>>, vector<16xi32>,
    %lt3A_236 = arith.cmpi slt, %select_n3A_220, %select_n3A_223 : vector<16xi32>
    %lt3A_237 = arith.cmpi slt, %get3A_235, %select_n3A : vector<16xi32>
    %and3A_238 = arith.andi %lt3A_236, %lt3A_237 : vector<16xi1>
    %add3A_239 = arith.constant 1 : i32
    %add3A_240 = vector.broadcast %add3A_239 : i32 to vector<16xi32>
    %add3A_241 = arith.addi %div3A_227, %add3A_240 : vector<16xi32>
    %select_n3A_242 = arith.select %and3A_238, %add3A_241, %select_n3A_220 : vector<16xi1>, vector<16xi32>
    %ge3A_243 = arith.cmpi sge, %get3A_235, %select_n3A : vector<16xi32>
    %and3A_244 = arith.andi %lt3A_236, %ge3A_243 : vector<16xi1>
    %select_n3A_245 = arith.select %and3A_244, %div3A_227, %select_n3A_223 : vector<16xi1>, vector<16xi32>
    %add3A_246 = arith.addi %select_n3A_242, %select_n3A_245 : vector<16xi32>
    %div3A_247 = arith.constant 2 : i32
    %div3A_248 = vector.broadcast %div3A_247 : i32 to vector<16xi32>
    %div3A_249 = arith.divsi %add3A_246, %div3A_248 : vector<16xi32>
    %swap3A_250 = arith.constant 0 : index
    %swap3A_251 = tpu.vector_load %arg8[%swap3A_250] {strides = array<i32>} : memref<16xi32, #tpu.memory_space<vmem>>, vector<16xi32>,
    tpu.vector_store %arg8[%swap3A_250], %div3A_249 {strides = array<i32>} : memref<16xi32, #tpu.memory_space<vmem>>, vector<16xi32>,
    %dma_start3A_252 = arith.constant 0 : i32
    %dma_start3A_253 = tpu.memref_slice %arg3[%dma_start3A_252] : memref<804112xi32, #tpu.memory_space<hbm>> -> memref<804112xi32, #tpu.memory_space<hbm>>
    tpu.enqueue_indirect_dma source(%dma_start3A_253 : memref<804112xi32, #tpu.memory_space<hbm>>) target(%arg7 : memref<16xi32, #tpu.memory_space<vmem>>) offsets(%arg8 : memref<16xi32, #tpu.memory_space<vmem>>) semaphore(%arg27 : memref<!tpu.dma_semaphore, #tpu.memory_space<semaphore_mem>>)
    %dma_wait3A_254 = arith.constant 0 : i32
    %dma_wait3A_255 = tpu.memref_slice %arg3[%dma_wait3A_254] : memref<804112xi32, #tpu.memory_space<hbm>> -> memref<804112xi32, #tpu.memory_space<hbm>>
    tpu.wait_indirect_dma semaphore(%arg27 : memref<!tpu.dma_semaphore, #tpu.memory_space<semaphore_mem>>) src(%dma_wait3A_255 : memref<804112xi32, #tpu.memory_space<hbm>>) dst(%arg7 : memref<16xi32, #tpu.memory_space<vmem>>)
    %get3A_256 = arith.constant 0 : index
    %get3A_257 = tpu.vector_load %arg7[%get3A_256] {strides = array<i32>} : memref<16xi32, #tpu.memory_space<vmem>>, vector<16xi32>,
    %lt3A_258 = arith.cmpi slt, %select_n3A_242, %select_n3A_245 : vector<16xi32>
    %lt3A_259 = arith.cmpi slt, %get3A_257, %select_n3A : vector<16xi32>
    %and3A_260 = arith.andi %lt3A_258, %lt3A_259 : vector<16xi1>
    %add3A_261 = arith.constant 1 : i32
    %add3A_262 = vector.broadcast %add3A_261 : i32 to vector<16xi32>
    %add3A_263 = arith.addi %div3A_249, %add3A_262 : vector<16xi32>
    %select_n3A_264 = arith.select %and3A_260, %add3A_263, %select_n3A_242 : vector<16xi1>, vector<16xi32>
    %ge3A_265 = arith.cmpi sge, %get3A_257, %select_n3A : vector<16xi32>
    %and3A_266 = arith.andi %lt3A_258, %ge3A_265 : vector<16xi1>
    %select_n3A_267 = arith.select %and3A_266, %div3A_249, %select_n3A_245 : vector<16xi1>, vector<16xi32>
    %add3A_268 = arith.addi %select_n3A_264, %select_n3A_267 : vector<16xi32>
    %div3A_269 = arith.constant 2 : i32
    %div3A_270 = vector.broadcast %div3A_269 : i32 to vector<16xi32>
    %div3A_271 = arith.divsi %add3A_268, %div3A_270 : vector<16xi32>
    %swap3A_272 = arith.constant 0 : index
    %swap3A_273 = tpu.vector_load %arg8[%swap3A_272] {strides = array<i32>} : memref<16xi32, #tpu.memory_space<vmem>>, vector<16xi32>,
    tpu.vector_store %arg8[%swap3A_272], %div3A_271 {strides = array<i32>} : memref<16xi32, #tpu.memory_space<vmem>>, vector<16xi32>,
    %dma_start3A_274 = arith.constant 0 : i32
    %dma_start3A_275 = tpu.memref_slice %arg3[%dma_start3A_274] : memref<804112xi32, #tpu.memory_space<hbm>> -> memref<804112xi32, #tpu.memory_space<hbm>>
    tpu.enqueue_indirect_dma source(%dma_start3A_275 : memref<804112xi32, #tpu.memory_space<hbm>>) target(%arg7 : memref<16xi32, #tpu.memory_space<vmem>>) offsets(%arg8 : memref<16xi32, #tpu.memory_space<vmem>>) semaphore(%arg27 : memref<!tpu.dma_semaphore, #tpu.memory_space<semaphore_mem>>)
    %dma_wait3A_276 = arith.constant 0 : i32
    %dma_wait3A_277 = tpu.memref_slice %arg3[%dma_wait3A_276] : memref<804112xi32, #tpu.memory_space<hbm>> -> memref<804112xi32, #tpu.memory_space<hbm>>
    tpu.wait_indirect_dma semaphore(%arg27 : memref<!tpu.dma_semaphore, #tpu.memory_space<semaphore_mem>>) src(%dma_wait3A_277 : memref<804112xi32, #tpu.memory_space<hbm>>) dst(%arg7 : memref<16xi32, #tpu.memory_space<vmem>>)
    %get3A_278 = arith.constant 0 : index
    %get3A_279 = tpu.vector_load %arg7[%get3A_278] {strides = array<i32>} : memref<16xi32, #tpu.memory_space<vmem>>, vector<16xi32>,
    %lt3A_280 = arith.cmpi slt, %select_n3A_264, %select_n3A_267 : vector<16xi32>
    %lt3A_281 = arith.cmpi slt, %get3A_279, %select_n3A : vector<16xi32>
    %and3A_282 = arith.andi %lt3A_280, %lt3A_281 : vector<16xi1>
    %add3A_283 = arith.constant 1 : i32
    %add3A_284 = vector.broadcast %add3A_283 : i32 to vector<16xi32>
    %add3A_285 = arith.addi %div3A_271, %add3A_284 : vector<16xi32>
    %select_n3A_286 = arith.select %and3A_282, %add3A_285, %select_n3A_264 : vector<16xi1>, vector<16xi32>
    %ge3A_287 = arith.cmpi sge, %get3A_279, %select_n3A : vector<16xi32>
    %and3A_288 = arith.andi %lt3A_280, %ge3A_287 : vector<16xi1>
    %select_n3A_289 = arith.select %and3A_288, %div3A_271, %select_n3A_267 : vector<16xi1>, vector<16xi32>
    %add3A_290 = arith.addi %select_n3A_286, %select_n3A_289 : vector<16xi32>
    %div3A_291 = arith.constant 2 : i32
    %div3A_292 = vector.broadcast %div3A_291 : i32 to vector<16xi32>
    %div3A_293 = arith.divsi %add3A_290, %div3A_292 : vector<16xi32>
    %swap3A_294 = arith.constant 0 : index
    %swap3A_295 = tpu.vector_load %arg8[%swap3A_294] {strides = array<i32>} : memref<16xi32, #tpu.memory_space<vmem>>, vector<16xi32>,
    tpu.vector_store %arg8[%swap3A_294], %div3A_293 {strides = array<i32>} : memref<16xi32, #tpu.memory_space<vmem>>, vector<16xi32>,
    %dma_start3A_296 = arith.constant 0 : i32
    %dma_start3A_297 = tpu.memref_slice %arg3[%dma_start3A_296] : memref<804112xi32, #tpu.memory_space<hbm>> -> memref<804112xi32, #tpu.memory_space<hbm>>
    tpu.enqueue_indirect_dma source(%dma_start3A_297 : memref<804112xi32, #tpu.memory_space<hbm>>) target(%arg7 : memref<16xi32, #tpu.memory_space<vmem>>) offsets(%arg8 : memref<16xi32, #tpu.memory_space<vmem>>) semaphore(%arg27 : memref<!tpu.dma_semaphore, #tpu.memory_space<semaphore_mem>>)
    %dma_wait3A_298 = arith.constant 0 : i32
    %dma_wait3A_299 = tpu.memref_slice %arg3[%dma_wait3A_298] : memref<804112xi32, #tpu.memory_space<hbm>> -> memref<804112xi32, #tpu.memory_space<hbm>>
    tpu.wait_indirect_dma semaphore(%arg27 : memref<!tpu.dma_semaphore, #tpu.memory_space<semaphore_mem>>) src(%dma_wait3A_299 : memref<804112xi32, #tpu.memory_space<hbm>>) dst(%arg7 : memref<16xi32, #tpu.memory_space<vmem>>)
    %get3A_300 = arith.constant 0 : index
    %get3A_301 = tpu.vector_load %arg7[%get3A_300] {strides = array<i32>} : memref<16xi32, #tpu.memory_space<vmem>>, vector<16xi32>,
    %lt3A_302 = arith.cmpi slt, %select_n3A_286, %select_n3A_289 : vector<16xi32>
    %lt3A_303 = arith.cmpi slt, %get3A_301, %select_n3A : vector<16xi32>
    %and3A_304 = arith.andi %lt3A_302, %lt3A_303 : vector<16xi1>
    %add3A_305 = arith.constant 1 : i32
    %add3A_306 = vector.broadcast %add3A_305 : i32 to vector<16xi32>
    %add3A_307 = arith.addi %div3A_293, %add3A_306 : vector<16xi32>
    %select_n3A_308 = arith.select %and3A_304, %add3A_307, %select_n3A_286 : vector<16xi1>, vector<16xi32>
    %ge3A_309 = arith.cmpi sge, %get3A_301, %select_n3A : vector<16xi32>
    %and3A_310 = arith.andi %lt3A_302, %ge3A_309 : vector<16xi1>
    %select_n3A_311 = arith.select %and3A_310, %div3A_293, %select_n3A_289 : vector<16xi1>, vector<16xi32>
    %add3A_312 = arith.addi %select_n3A_308, %select_n3A_311 : vector<16xi32>
    %div3A_313 = arith.constant 2 : i32
    %div3A_314 = vector.broadcast %div3A_313 : i32 to vector<16xi32>
    %div3A_315 = arith.divsi %add3A_312, %div3A_314 : vector<16xi32>
    %swap3A_316 = arith.constant 0 : index
    %swap3A_317 = tpu.vector_load %arg8[%swap3A_316] {strides = array<i32>} : memref<16xi32, #tpu.memory_space<vmem>>, vector<16xi32>,
    tpu.vector_store %arg8[%swap3A_316], %div3A_315 {strides = array<i32>} : memref<16xi32, #tpu.memory_space<vmem>>, vector<16xi32>,
    %dma_start3A_318 = arith.constant 0 : i32
    %dma_start3A_319 = tpu.memref_slice %arg3[%dma_start3A_318] : memref<804112xi32, #tpu.memory_space<hbm>> -> memref<804112xi32, #tpu.memory_space<hbm>>
    tpu.enqueue_indirect_dma source(%dma_start3A_319 : memref<804112xi32, #tpu.memory_space<hbm>>) target(%arg7 : memref<16xi32, #tpu.memory_space<vmem>>) offsets(%arg8 : memref<16xi32, #tpu.memory_space<vmem>>) semaphore(%arg27 : memref<!tpu.dma_semaphore, #tpu.memory_space<semaphore_mem>>)
    %dma_wait3A_320 = arith.constant 0 : i32
    %dma_wait3A_321 = tpu.memref_slice %arg3[%dma_wait3A_320] : memref<804112xi32, #tpu.memory_space<hbm>> -> memref<804112xi32, #tpu.memory_space<hbm>>
    tpu.wait_indirect_dma semaphore(%arg27 : memref<!tpu.dma_semaphore, #tpu.memory_space<semaphore_mem>>) src(%dma_wait3A_321 : memref<804112xi32, #tpu.memory_space<hbm>>) dst(%arg7 : memref<16xi32, #tpu.memory_space<vmem>>)
    %get3A_322 = arith.constant 0 : index
    %get3A_323 = tpu.vector_load %arg7[%get3A_322] {strides = array<i32>} : memref<16xi32, #tpu.memory_space<vmem>>, vector<16xi32>,
    %lt3A_324 = arith.cmpi slt, %select_n3A_308, %select_n3A_311 : vector<16xi32>
    %lt3A_325 = arith.cmpi slt, %get3A_323, %select_n3A : vector<16xi32>
    %and3A_326 = arith.andi %lt3A_324, %lt3A_325 : vector<16xi1>
    %add3A_327 = arith.constant 1 : i32
    %add3A_328 = vector.broadcast %add3A_327 : i32 to vector<16xi32>
    %add3A_329 = arith.addi %div3A_315, %add3A_328 : vector<16xi32>
    %select_n3A_330 = arith.select %and3A_326, %add3A_329, %select_n3A_308 : vector<16xi1>, vector<16xi32>
    %ge3A_331 = arith.cmpi sge, %get3A_323, %select_n3A : vector<16xi32>
    %and3A_332 = arith.andi %lt3A_324, %ge3A_331 : vector<16xi1>
    %select_n3A_333 = arith.select %and3A_332, %div3A_315, %select_n3A_311 : vector<16xi1>, vector<16xi32>
    %add3A_334 = arith.addi %select_n3A_330, %select_n3A_333 : vector<16xi32>
    %div3A_335 = arith.constant 2 : i32
    %div3A_336 = vector.broadcast %div3A_335 : i32 to vector<16xi32>
    %div3A_337 = arith.divsi %add3A_334, %div3A_336 : vector<16xi32>
    %swap3A_338 = arith.constant 0 : index
    %swap3A_339 = tpu.vector_load %arg8[%swap3A_338] {strides = array<i32>} : memref<16xi32, #tpu.memory_space<vmem>>, vector<16xi32>,
    tpu.vector_store %arg8[%swap3A_338], %div3A_337 {strides = array<i32>} : memref<16xi32, #tpu.memory_space<vmem>>, vector<16xi32>,
    %dma_start3A_340 = arith.constant 0 : i32
    %dma_start3A_341 = tpu.memref_slice %arg3[%dma_start3A_340] : memref<804112xi32, #tpu.memory_space<hbm>> -> memref<804112xi32, #tpu.memory_space<hbm>>
    tpu.enqueue_indirect_dma source(%dma_start3A_341 : memref<804112xi32, #tpu.memory_space<hbm>>) target(%arg7 : memref<16xi32, #tpu.memory_space<vmem>>) offsets(%arg8 : memref<16xi32, #tpu.memory_space<vmem>>) semaphore(%arg27 : memref<!tpu.dma_semaphore, #tpu.memory_space<semaphore_mem>>)
    %dma_wait3A_342 = arith.constant 0 : i32
    %dma_wait3A_343 = tpu.memref_slice %arg3[%dma_wait3A_342] : memref<804112xi32, #tpu.memory_space<hbm>> -> memref<804112xi32, #tpu.memory_space<hbm>>
    tpu.wait_indirect_dma semaphore(%arg27 : memref<!tpu.dma_semaphore, #tpu.memory_space<semaphore_mem>>) src(%dma_wait3A_343 : memref<804112xi32, #tpu.memory_space<hbm>>) dst(%arg7 : memref<16xi32, #tpu.memory_space<vmem>>)
    %get3A_344 = arith.constant 0 : index
    %get3A_345 = tpu.vector_load %arg7[%get3A_344] {strides = array<i32>} : memref<16xi32, #tpu.memory_space<vmem>>, vector<16xi32>,
    %lt3A_346 = arith.cmpi slt, %select_n3A_330, %select_n3A_333 : vector<16xi32>
    %lt3A_347 = arith.cmpi slt, %get3A_345, %select_n3A : vector<16xi32>
    %and3A_348 = arith.andi %lt3A_346, %lt3A_347 : vector<16xi1>
    %add3A_349 = arith.constant 1 : i32
    %add3A_350 = vector.broadcast %add3A_349 : i32 to vector<16xi32>
    %add3A_351 = arith.addi %div3A_337, %add3A_350 : vector<16xi32>
    %select_n3A_352 = arith.select %and3A_348, %add3A_351, %select_n3A_330 : vector<16xi1>, vector<16xi32>
    %ge3A_353 = arith.cmpi sge, %get3A_345, %select_n3A : vector<16xi32>
    %and3A_354 = arith.andi %lt3A_346, %ge3A_353 : vector<16xi1>
    %select_n3A_355 = arith.select %and3A_354, %div3A_337, %select_n3A_333 : vector<16xi1>, vector<16xi32>
    %add3A_356 = arith.addi %select_n3A_352, %select_n3A_355 : vector<16xi32>
    %div3A_357 = arith.constant 2 : i32
    %div3A_358 = vector.broadcast %div3A_357 : i32 to vector<16xi32>
    %div3A_359 = arith.divsi %add3A_356, %div3A_358 : vector<16xi32>
    %swap3A_360 = arith.constant 0 : index
    %swap3A_361 = tpu.vector_load %arg8[%swap3A_360] {strides = array<i32>} : memref<16xi32, #tpu.memory_space<vmem>>, vector<16xi32>,
    tpu.vector_store %arg8[%swap3A_360], %div3A_359 {strides = array<i32>} : memref<16xi32, #tpu.memory_space<vmem>>, vector<16xi32>,
    %dma_start3A_362 = arith.constant 0 : i32
    %dma_start3A_363 = tpu.memref_slice %arg3[%dma_start3A_362] : memref<804112xi32, #tpu.memory_space<hbm>> -> memref<804112xi32, #tpu.memory_space<hbm>>
    tpu.enqueue_indirect_dma source(%dma_start3A_363 : memref<804112xi32, #tpu.memory_space<hbm>>) target(%arg7 : memref<16xi32, #tpu.memory_space<vmem>>) offsets(%arg8 : memref<16xi32, #tpu.memory_space<vmem>>) semaphore(%arg27 : memref<!tpu.dma_semaphore, #tpu.memory_space<semaphore_mem>>)
    %dma_wait3A_364 = arith.constant 0 : i32
    %dma_wait3A_365 = tpu.memref_slice %arg3[%dma_wait3A_364] : memref<804112xi32, #tpu.memory_space<hbm>> -> memref<804112xi32, #tpu.memory_space<hbm>>
    tpu.wait_indirect_dma semaphore(%arg27 : memref<!tpu.dma_semaphore, #tpu.memory_space<semaphore_mem>>) src(%dma_wait3A_365 : memref<804112xi32, #tpu.memory_space<hbm>>) dst(%arg7 : memref<16xi32, #tpu.memory_space<vmem>>)
    %get3A_366 = arith.constant 0 : index
    %get3A_367 = tpu.vector_load %arg7[%get3A_366] {strides = array<i32>} : memref<16xi32, #tpu.memory_space<vmem>>, vector<16xi32>,
    %lt3A_368 = arith.cmpi slt, %select_n3A_352, %select_n3A_355 : vector<16xi32>
    %lt3A_369 = arith.cmpi slt, %get3A_367, %select_n3A : vector<16xi32>
    %and3A_370 = arith.andi %lt3A_368, %lt3A_369 : vector<16xi1>
    %add3A_371 = arith.constant 1 : i32
    %add3A_372 = vector.broadcast %add3A_371 : i32 to vector<16xi32>
    %add3A_373 = arith.addi %div3A_359, %add3A_372 : vector<16xi32>
    %select_n3A_374 = arith.select %and3A_370, %add3A_373, %select_n3A_352 : vector<16xi1>, vector<16xi32>
    %ge3A_375 = arith.cmpi sge, %get3A_367, %select_n3A : vector<16xi32>
    %and3A_376 = arith.andi %lt3A_368, %ge3A_375 : vector<16xi1>
    %select_n3A_377 = arith.select %and3A_376, %div3A_359, %select_n3A_355 : vector<16xi1>, vector<16xi32>
    %add3A_378 = arith.addi %select_n3A_374, %select_n3A_377 : vector<16xi32>
    %div3A_379 = arith.constant 2 : i32
    %div3A_380 = vector.broadcast %div3A_379 : i32 to vector<16xi32>
    %div3A_381 = arith.divsi %add3A_378, %div3A_380 : vector<16xi32>
    %swap3A_382 = arith.constant 0 : index
    %swap3A_383 = tpu.vector_load %arg8[%swap3A_382] {strides = array<i32>} : memref<16xi32, #tpu.memory_space<vmem>>, vector<16xi32>,
    tpu.vector_store %arg8[%swap3A_382], %div3A_381 {strides = array<i32>} : memref<16xi32, #tpu.memory_space<vmem>>, vector<16xi32>,
    %dma_start3A_384 = arith.constant 0 : i32
    %dma_start3A_385 = tpu.memref_slice %arg3[%dma_start3A_384] : memref<804112xi32, #tpu.memory_space<hbm>> -> memref<804112xi32, #tpu.memory_space<hbm>>
    tpu.enqueue_indirect_dma source(%dma_start3A_385 : memref<804112xi32, #tpu.memory_space<hbm>>) target(%arg7 : memref<16xi32, #tpu.memory_space<vmem>>) offsets(%arg8 : memref<16xi32, #tpu.memory_space<vmem>>) semaphore(%arg27 : memref<!tpu.dma_semaphore, #tpu.memory_space<semaphore_mem>>)
    %dma_wait3A_386 = arith.constant 0 : i32
    %dma_wait3A_387 = tpu.memref_slice %arg3[%dma_wait3A_386] : memref<804112xi32, #tpu.memory_space<hbm>> -> memref<804112xi32, #tpu.memory_space<hbm>>
    tpu.wait_indirect_dma semaphore(%arg27 : memref<!tpu.dma_semaphore, #tpu.memory_space<semaphore_mem>>) src(%dma_wait3A_387 : memref<804112xi32, #tpu.memory_space<hbm>>) dst(%arg7 : memref<16xi32, #tpu.memory_space<vmem>>)
    %get3A_388 = arith.constant 0 : index
    %get3A_389 = tpu.vector_load %arg7[%get3A_388] {strides = array<i32>} : memref<16xi32, #tpu.memory_space<vmem>>, vector<16xi32>,
    %lt3A_390 = arith.cmpi slt, %select_n3A_374, %select_n3A_377 : vector<16xi32>
    %lt3A_391 = arith.cmpi slt, %get3A_389, %select_n3A : vector<16xi32>
    %and3A_392 = arith.andi %lt3A_390, %lt3A_391 : vector<16xi1>
    %add3A_393 = arith.constant 1 : i32
    %add3A_394 = vector.broadcast %add3A_393 : i32 to vector<16xi32>
    %add3A_395 = arith.addi %div3A_381, %add3A_394 : vector<16xi32>
    %select_n3A_396 = arith.select %and3A_392, %add3A_395, %select_n3A_374 : vector<16xi1>, vector<16xi32>
    %ge3A_397 = arith.cmpi sge, %get3A_389, %select_n3A : vector<16xi32>
    %and3A_398 = arith.andi %lt3A_390, %ge3A_397 : vector<16xi1>
    %select_n3A_399 = arith.select %and3A_398, %div3A_381, %select_n3A_377 : vector<16xi1>, vector<16xi32>
    %add3A_400 = arith.addi %select_n3A_396, %select_n3A_399 : vector<16xi32>
    %div3A_401 = arith.constant 2 : i32
    %div3A_402 = vector.broadcast %div3A_401 : i32 to vector<16xi32>
    %div3A_403 = arith.divsi %add3A_400, %div3A_402 : vector<16xi32>
    %swap3A_404 = arith.constant 0 : index
    %swap3A_405 = tpu.vector_load %arg8[%swap3A_404] {strides = array<i32>} : memref<16xi32, #tpu.memory_space<vmem>>, vector<16xi32>,
    tpu.vector_store %arg8[%swap3A_404], %div3A_403 {strides = array<i32>} : memref<16xi32, #tpu.memory_space<vmem>>, vector<16xi32>,
    %dma_start3A_406 = arith.constant 0 : i32
    %dma_start3A_407 = tpu.memref_slice %arg3[%dma_start3A_406] : memref<804112xi32, #tpu.memory_space<hbm>> -> memref<804112xi32, #tpu.memory_space<hbm>>
    tpu.enqueue_indirect_dma source(%dma_start3A_407 : memref<804112xi32, #tpu.memory_space<hbm>>) target(%arg7 : memref<16xi32, #tpu.memory_space<vmem>>) offsets(%arg8 : memref<16xi32, #tpu.memory_space<vmem>>) semaphore(%arg27 : memref<!tpu.dma_semaphore, #tpu.memory_space<semaphore_mem>>)
    %dma_wait3A_408 = arith.constant 0 : i32
    %dma_wait3A_409 = tpu.memref_slice %arg3[%dma_wait3A_408] : memref<804112xi32, #tpu.memory_space<hbm>> -> memref<804112xi32, #tpu.memory_space<hbm>>
    tpu.wait_indirect_dma semaphore(%arg27 : memref<!tpu.dma_semaphore, #tpu.memory_space<semaphore_mem>>) src(%dma_wait3A_409 : memref<804112xi32, #tpu.memory_space<hbm>>) dst(%arg7 : memref<16xi32, #tpu.memory_space<vmem>>)
    %get3A_410 = arith.constant 0 : index
    %get3A_411 = tpu.vector_load %arg7[%get3A_410] {strides = array<i32>} : memref<16xi32, #tpu.memory_space<vmem>>, vector<16xi32>,
    %lt3A_412 = arith.cmpi slt, %select_n3A_396, %select_n3A_399 : vector<16xi32>
    %lt3A_413 = arith.cmpi slt, %get3A_411, %select_n3A : vector<16xi32>
    %and3A_414 = arith.andi %lt3A_412, %lt3A_413 : vector<16xi1>
    %add3A_415 = arith.constant 1 : i32
    %add3A_416 = vector.broadcast %add3A_415 : i32 to vector<16xi32>
    %add3A_417 = arith.addi %div3A_403, %add3A_416 : vector<16xi32>
    %select_n3A_418 = arith.select %and3A_414, %add3A_417, %select_n3A_396 : vector<16xi1>, vector<16xi32>
    %ge3A_419 = arith.cmpi sge, %get3A_411, %select_n3A : vector<16xi32>
    %and3A_420 = arith.andi %lt3A_412, %ge3A_419 : vector<16xi1>
    %select_n3A_421 = arith.select %and3A_420, %div3A_403, %select_n3A_399 : vector<16xi1>, vector<16xi32>
    %add3A_422 = arith.addi %select_n3A_418, %select_n3A_421 : vector<16xi32>
    %div3A_423 = arith.constant 2 : i32
    %div3A_424 = vector.broadcast %div3A_423 : i32 to vector<16xi32>
    %div3A_425 = arith.divsi %add3A_422, %div3A_424 : vector<16xi32>
    %swap3A_426 = arith.constant 0 : index
    %swap3A_427 = tpu.vector_load %arg8[%swap3A_426] {strides = array<i32>} : memref<16xi32, #tpu.memory_space<vmem>>, vector<16xi32>,
    tpu.vector_store %arg8[%swap3A_426], %div3A_425 {strides = array<i32>} : memref<16xi32, #tpu.memory_space<vmem>>, vector<16xi32>,
    %dma_start3A_428 = arith.constant 0 : i32
    %dma_start3A_429 = tpu.memref_slice %arg3[%dma_start3A_428] : memref<804112xi32, #tpu.memory_space<hbm>> -> memref<804112xi32, #tpu.memory_space<hbm>>
    tpu.enqueue_indirect_dma source(%dma_start3A_429 : memref<804112xi32, #tpu.memory_space<hbm>>) target(%arg7 : memref<16xi32, #tpu.memory_space<vmem>>) offsets(%arg8 : memref<16xi32, #tpu.memory_space<vmem>>) semaphore(%arg27 : memref<!tpu.dma_semaphore, #tpu.memory_space<semaphore_mem>>)
    %dma_wait3A_430 = arith.constant 0 : i32
    %dma_wait3A_431 = tpu.memref_slice %arg3[%dma_wait3A_430] : memref<804112xi32, #tpu.memory_space<hbm>> -> memref<804112xi32, #tpu.memory_space<hbm>>
    tpu.wait_indirect_dma semaphore(%arg27 : memref<!tpu.dma_semaphore, #tpu.memory_space<semaphore_mem>>) src(%dma_wait3A_431 : memref<804112xi32, #tpu.memory_space<hbm>>) dst(%arg7 : memref<16xi32, #tpu.memory_space<vmem>>)
    %get3A_432 = arith.constant 0 : index
    %get3A_433 = tpu.vector_load %arg7[%get3A_432] {strides = array<i32>} : memref<16xi32, #tpu.memory_space<vmem>>, vector<16xi32>,
    %lt3A_434 = arith.cmpi slt, %select_n3A_418, %select_n3A_421 : vector<16xi32>
    %lt3A_435 = arith.cmpi slt, %get3A_433, %select_n3A : vector<16xi32>
    %and3A_436 = arith.andi %lt3A_434, %lt3A_435 : vector<16xi1>
    %add3A_437 = arith.constant 1 : i32
    %add3A_438 = vector.broadcast %add3A_437 : i32 to vector<16xi32>
    %add3A_439 = arith.addi %div3A_425, %add3A_438 : vector<16xi32>
    %select_n3A_440 = arith.select %and3A_436, %add3A_439, %select_n3A_418 : vector<16xi1>, vector<16xi32>
    %ge3A_441 = arith.cmpi sge, %get3A_433, %select_n3A : vector<16xi32>
    %and3A_442 = arith.andi %lt3A_434, %ge3A_441 : vector<16xi1>
    %select_n3A_443 = arith.select %and3A_442, %div3A_425, %select_n3A_421 : vector<16xi1>, vector<16xi32>
    %slice3A = vector.extract_strided_slice %select_n3A_440 {offsets = [0], sizes = [1], strides = [1]} : vector<16xi32> to vector<1xi32>
    %squeeze3A = vector.extract %slice3A[0] : i32 from vector<1xi32>
    %slice3A_444 = vector.extract_strided_slice %select_n3A_440 {offsets = [1], sizes = [1], strides = [1]} : vector<16xi32> to vector<1xi32>
    %squeeze3A_445 = vector.extract %slice3A_444[0] : i32 from vector<1xi32>
    %mul3A_446 = arith.constant 128 : i32
    %mul3A_447 = arith.muli %add3A, %mul3A_446 : i32
    %add3A_448 = arith.constant 800000 : i32
    %add3A_449 = arith.addi %add3A_448, %mul3A_447 : i32
    %scan3A = arith.constant 0 : i32
    %scan3A_450 = arith.constant 0 : i32
    %scan3A_451 = arith.constant 3128 : i32
    %scan3A_452 = arith.addi %scan3A_450, %scan3A_451 : i32
    %scan3A_453 = arith.constant 1 : i32
    %scan3A_454 = scf.for %scan3A_561 = %scan3A_450 to %scan3A_452 step %scan3A_453 iter_args(%scan3A_562 = %scan3A) -> (i32)  : i32 {
      %broadcast_in_dim3A_563 = arith.constant 0 : i32
      %broadcast_in_dim3A_564 = vector.broadcast %broadcast_in_dim3A_563 : i32 to vector<16xi32>
      %add3A_565 = vector.broadcast %add3A_449 : i32 to vector<16xi32>
      %add3A_566 = arith.addi %broadcast_in_dim3A_564, %add3A_565 : vector<16xi32>
      %mul3A_567 = arith.constant 16 : i32
      %mul3A_568 = arith.muli %scan3A_561, %mul3A_567 : i32
      %swap3A_569 = arith.index_cast %mul3A_568 : i32 to index
      %swap3A_570 = tpu.vector_load %arg5[%swap3A_569] {strides = array<i32>} : memref<50048xi32, #tpu.memory_space<vmem>>, vector<16xi32>,
      tpu.vector_store %arg5[%swap3A_569], %add3A_566 {strides = array<i32>} : memref<50048xi32, #tpu.memory_space<vmem>>, vector<16xi32>,
      %scan3A_571 = arith.constant 0 : i32
      scf.yield %scan3A_571 : i32
    }
    %scan3A_455 = arith.constant 3128 : i32
    %div3A_456 = arith.constant 8 : i32
    %div3A_457 = arith.divsi %squeeze3A, %div3A_456 : i32
    %mul3A_458 = arith.constant 8 : i32
    %mul3A_459 = arith.muli %div3A_457, %mul3A_458 : i32
    %sub3A = arith.subi %squeeze3A_445, %mul3A_459 : i32
    %add3A_460 = arith.constant 4095 : i32
    %add3A_461 = arith.addi %sub3A, %add3A_460 : i32
    %div3A_462 = arith.constant 4096 : i32
    %div3A_463 = arith.divsi %add3A_461, %div3A_462 : i32
    %max3A = arith.constant 0 : i32
    %max3A_464 = arith.maxsi %div3A_463, %max3A : i32
    %while3A = arith.constant 0 : i32
    %while3A_465 = arith.constant 0 : i32
    %while3A_466 = arith.subi %max3A_464, %while3A : i32
    %while3A_467 = arith.addi %while3A, %while3A_466 : i32
    %while3A_468 = arith.constant 1 : i32
    %while3A_469 = arith.divsi %while3A_466, %while3A_468 : i32
    %while3A_470 = arith.muli %while3A_469, %while3A_468 : i32
    %while3A_471 = arith.addi %while3A, %while3A_470 : i32
    %while3A_472 = arith.constant 1 : i32
    %while3A_473 = scf.for %while3A_561 = %while3A to %while3A_471 step %while3A_472 iter_args(%while3A_562 = %while3A_465) -> (i32)  : i32 {
      %mul3A_563 = arith.constant 4096 : i32
      %mul3A_564 = arith.muli %while3A_561, %mul3A_563 : i32
      %add3A_565 = arith.addi %mul3A_459, %mul3A_564 : i32
      "tpu.region"() ({
        %run_scoped3A = tpu.sem_alloc : memref<!tpu.dma_semaphore, #tpu.memory_space<semaphore_mem>>
        %dma_start3A_574 = tpu.memref_slice %arg3[%add3A_565] : memref<804112xi32, #tpu.memory_space<hbm>> -> memref<4112xi32, #tpu.memory_space<hbm>>
        %dma_start3A_575 = tpu.memref_slice %arg3[%add3A_565] : memref<804112xi32, #tpu.memory_space<hbm>> -> memref<4112xi32, #tpu.memory_space<hbm>>
        tpu.enqueue_dma source(%dma_start3A_575 : memref<4112xi32, #tpu.memory_space<hbm>>) target(%arg6 : memref<4112xi32, #tpu.memory_space<vmem>>) target_semaphore(%run_scoped3A : memref<!tpu.dma_semaphore, #tpu.memory_space<semaphore_mem>>)
        %dma_wait3A_576 = tpu.memref_slice %arg3[%add3A_565] : memref<804112xi32, #tpu.memory_space<hbm>> -> memref<4112xi32, #tpu.memory_space<hbm>>
        %dma_wait3A_577 = tpu.memref_slice %arg3[%add3A_565] : memref<804112xi32, #tpu.memory_space<hbm>> -> memref<4112xi32, #tpu.memory_space<hbm>>
        tpu.wait_dma2 semaphore(%run_scoped3A : memref<!tpu.dma_semaphore, #tpu.memory_space<semaphore_mem>>) src(%dma_wait3A_577 : memref<4112xi32, #tpu.memory_space<hbm>>) dst(%arg6 : memref<4112xi32, #tpu.memory_space<vmem>>)
        tpu.yield
      }) : () -> ()
      %scan3A_566 = arith.constant 0 : i32
      %scan3A_567 = arith.constant 0 : i32
      %scan3A_568 = arith.constant 256 : i32
      %scan3A_569 = arith.addi %scan3A_567, %scan3A_568 : i32
      %scan3A_570 = arith.constant 1 : i32
      %scan3A_571 = scf.for %scan3A_574 = %scan3A_567 to %scan3A_569 step %scan3A_570 iter_args(%scan3A_575 = %scan3A_566) -> (i32)  : i32 {
        %mul3A_576 = arith.constant 16 : i32
        %mul3A_577 = arith.muli %scan3A_574, %mul3A_576 : i32
        %get3A_578 = arith.index_cast %mul3A_577 : i32 to index
        %get3A_579 = tpu.vector_load %arg6[%get3A_578] {strides = array<i32>} : memref<4112xi32, #tpu.memory_space<vmem>>, vector<16xi32>,
        %mul3A_580 = arith.constant 16 : i32
        %mul3A_581 = arith.muli %scan3A_574, %mul3A_580 : i32
        %add3A_582 = arith.constant 1 : i32
        %add3A_583 = arith.addi %mul3A_581, %add3A_582 : i32
        %get3A_584 = arith.index_cast %add3A_583 : i32 to index
        %get3A_585 = tpu.vector_load %arg6[%get3A_584] {strides = array<i32>} : memref<4112xi32, #tpu.memory_space<vmem>>, vector<16xi32>,
        %mul3A_586 = arith.constant 16 : i32
        %mul3A_587 = arith.muli %scan3A_574, %mul3A_586 : i32
        %add3A_588 = arith.addi %add3A_565, %mul3A_587 : i32
        %add3A_589 = vector.broadcast %add3A_588 : i32 to vector<16xi32>
        %add3A_590 = arith.addi %add3A_589, %iota3A : vector<16xi32>
        %ge3A_591 = vector.broadcast %squeeze3A : i32 to vector<16xi32>
        %ge3A_592 = arith.cmpi sge, %add3A_590, %ge3A_591 : vector<16xi32>
        %lt3A_593 = vector.broadcast %squeeze3A_445 : i32 to vector<16xi32>
        %lt3A_594 = arith.cmpi slt, %add3A_590, %lt3A_593 : vector<16xi32>
        %and3A_595 = arith.andi %ge3A_592, %lt3A_594 : vector<16xi1>
        %ne3A = arith.cmpi ne, %get3A_579, %get3A_585 : vector<16xi32>
        %and3A_596 = arith.andi %and3A_595, %ne3A : vector<16xi1>
        %sub3A_597 = vector.broadcast %mul3A_2 : i32 to vector<16xi32>
        %sub3A_598 = arith.subi %get3A_579, %sub3A_597 : vector<16xi32>
        %jit3A = arith.constant 0 : i32
        %broadcast_in_dim3A_599 = vector.broadcast %jit3A : i32 to vector<16xi32>
        %select_n3A_600 = arith.select %and3A_596, %sub3A_598, %broadcast_in_dim3A_599 : vector<16xi1>, vector<16xi32>
        tpu.vector_store_idx %arg5[%select_n3A_600], %add3A_590 masked %and3A_596 : memref<50048xi32, #tpu.memory_space<vmem>>[vector<16xi32>], vector<16xi32>, vector<16xi1>
        %scan3A_601 = arith.constant 0 : i32
        scf.yield %scan3A_601 : i32
      }
      %scan3A_572 = arith.constant 256 : i32
      %while3A_573 = arith.constant 0 : i32
      scf.yield %while3A_573 : i32
    }
    %while3A_474 = arith.constant 1 : i32
    %while3A_475 = scf.for %while3A_561 = %while3A_471 to %while3A_467 step %while3A_474 iter_args(%while3A_562 = %while3A_473) -> (i32)  : i32 {
      %mul3A_563 = arith.constant 4096 : i32
      %mul3A_564 = arith.muli %while3A_561, %mul3A_563 : i32
      %add3A_565 = arith.addi %mul3A_459, %mul3A_564 : i32
      "tpu.region"() ({
        %run_scoped3A = tpu.sem_alloc : memref<!tpu.dma_semaphore, #tpu.memory_space<semaphore_mem>>
        %dma_start3A_574 = tpu.memref_slice %arg3[%add3A_565] : memref<804112xi32, #tpu.memory_space<hbm>> -> memref<4112xi32, #tpu.memory_space<hbm>>
        %dma_start3A_575 = tpu.memref_slice %arg3[%add3A_565] : memref<804112xi32, #tpu.memory_space<hbm>> -> memref<4112xi32, #tpu.memory_space<hbm>>
        tpu.enqueue_dma source(%dma_start3A_575 : memref<4112xi32, #tpu.memory_space<hbm>>) target(%arg6 : memref<4112xi32, #tpu.memory_space<vmem>>) target_semaphore(%run_scoped3A : memref<!tpu.dma_semaphore, #tpu.memory_space<semaphore_mem>>)
        %dma_wait3A_576 = tpu.memref_slice %arg3[%add3A_565] : memref<804112xi32, #tpu.memory_space<hbm>> -> memref<4112xi32, #tpu.memory_space<hbm>>
        %dma_wait3A_577 = tpu.memref_slice %arg3[%add3A_565] : memref<804112xi32, #tpu.memory_space<hbm>> -> memref<4112xi32, #tpu.memory_space<hbm>>
        tpu.wait_dma2 semaphore(%run_scoped3A : memref<!tpu.dma_semaphore, #tpu.memory_space<semaphore_mem>>) src(%dma_wait3A_577 : memref<4112xi32, #tpu.memory_space<hbm>>) dst(%arg6 : memref<4112xi32, #tpu.memory_space<vmem>>)
        tpu.yield
      }) : () -> ()
      %scan3A_566 = arith.constant 0 : i32
      %scan3A_567 = arith.constant 0 : i32
      %scan3A_568 = arith.constant 256 : i32
      %scan3A_569 = arith.addi %scan3A_567, %scan3A_568 : i32
      %scan3A_570 = arith.constant 1 : i32
      %scan3A_571 = scf.for %scan3A_574 = %scan3A_567 to %scan3A_569 step %scan3A_570 iter_args(%scan3A_575 = %scan3A_566) -> (i32)  : i32 {
        %mul3A_576 = arith.constant 16 : i32
        %mul3A_577 = arith.muli %scan3A_574, %mul3A_576 : i32
        %get3A_578 = arith.index_cast %mul3A_577 : i32 to index
        %get3A_579 = tpu.vector_load %arg6[%get3A_578] {strides = array<i32>} : memref<4112xi32, #tpu.memory_space<vmem>>, vector<16xi32>,
        %mul3A_580 = arith.constant 16 : i32
        %mul3A_581 = arith.muli %scan3A_574, %mul3A_580 : i32
        %add3A_582 = arith.constant 1 : i32
        %add3A_583 = arith.addi %mul3A_581, %add3A_582 : i32
        %get3A_584 = arith.index_cast %add3A_583 : i32 to index
        %get3A_585 = tpu.vector_load %arg6[%get3A_584] {strides = array<i32>} : memref<4112xi32, #tpu.memory_space<vmem>>, vector<16xi32>,
        %mul3A_586 = arith.constant 16 : i32
        %mul3A_587 = arith.muli %scan3A_574, %mul3A_586 : i32
        %add3A_588 = arith.addi %add3A_565, %mul3A_587 : i32
        %add3A_589 = vector.broadcast %add3A_588 : i32 to vector<16xi32>
        %add3A_590 = arith.addi %add3A_589, %iota3A : vector<16xi32>
        %ge3A_591 = vector.broadcast %squeeze3A : i32 to vector<16xi32>
        %ge3A_592 = arith.cmpi sge, %add3A_590, %ge3A_591 : vector<16xi32>
        %lt3A_593 = vector.broadcast %squeeze3A_445 : i32 to vector<16xi32>
        %lt3A_594 = arith.cmpi slt, %add3A_590, %lt3A_593 : vector<16xi32>
        %and3A_595 = arith.andi %ge3A_592, %lt3A_594 : vector<16xi1>
        %ne3A = arith.cmpi ne, %get3A_579, %get3A_585 : vector<16xi32>
        %and3A_596 = arith.andi %and3A_595, %ne3A : vector<16xi1>
        %sub3A_597 = vector.broadcast %mul3A_2 : i32 to vector<16xi32>
        %sub3A_598 = arith.subi %get3A_579, %sub3A_597 : vector<16xi32>
        %jit3A = arith.constant 0 : i32
        %broadcast_in_dim3A_599 = vector.broadcast %jit3A : i32 to vector<16xi32>
        %select_n3A_600 = arith.select %and3A_596, %sub3A_598, %broadcast_in_dim3A_599 : vector<16xi1>, vector<16xi32>
        tpu.vector_store_idx %arg5[%select_n3A_600], %add3A_590 masked %and3A_596 : memref<50048xi32, #tpu.memory_space<vmem>>[vector<16xi32>], vector<16xi32>, vector<16xi1>
        %scan3A_601 = arith.constant 0 : i32
        scf.yield %scan3A_601 : i32
      }
      %scan3A_572 = arith.constant 256 : i32
      %while3A_573 = arith.constant 0 : i32
      scf.yield %while3A_573 : i32
    }
    %dma_start3A_476 = arith.constant 0 : i32
    %dma_start3A_477 = tpu.memref_slice %arg5[%dma_start3A_476] : memref<50048xi32, #tpu.memory_space<vmem>> -> memref<128xi32, #tpu.memory_space<vmem>>
    %dma_start3A_478 = arith.constant 0 : i32
    %dma_start3A_479 = arith.constant 0 : i32
    %dma_start3A_480 = tpu.memref_slice %arg2[%dma_start3A_478, %dma_start3A_479] : memref<804096x16xf32, #tpu.memory_space<hbm>> -> memref<804096x16xf32, #tpu.memory_space<hbm>>
    tpu.enqueue_indirect_dma source(%dma_start3A_480 : memref<804096x16xf32, #tpu.memory_space<hbm>>) target(%arg9 : memref<128x16xf32, #tpu.memory_space<vmem>>) offsets(%dma_start3A_477 : memref<128xi32, #tpu.memory_space<vmem>>) semaphore(%arg15 : memref<!tpu.dma_semaphore, #tpu.memory_space<semaphore_mem>>)
    %dma_start3A_481 = arith.constant 128 : i32
    %dma_start3A_482 = tpu.memref_slice %arg5[%dma_start3A_481] : memref<50048xi32, #tpu.memory_space<vmem>> -> memref<128xi32, #tpu.memory_space<vmem>>
    %dma_start3A_483 = arith.constant 0 : i32
    %dma_start3A_484 = arith.constant 0 : i32
    %dma_start3A_485 = tpu.memref_slice %arg2[%dma_start3A_483, %dma_start3A_484] : memref<804096x16xf32, #tpu.memory_space<hbm>> -> memref<804096x16xf32, #tpu.memory_space<hbm>>
    tpu.enqueue_indirect_dma source(%dma_start3A_485 : memref<804096x16xf32, #tpu.memory_space<hbm>>) target(%arg10 : memref<128x16xf32, #tpu.memory_space<vmem>>) offsets(%dma_start3A_482 : memref<128xi32, #tpu.memory_space<vmem>>) semaphore(%arg16 : memref<!tpu.dma_semaphore, #tpu.memory_space<semaphore_mem>>)
    %dma_start3A_486 = arith.constant 256 : i32
    %dma_start3A_487 = tpu.memref_slice %arg5[%dma_start3A_486] : memref<50048xi32, #tpu.memory_space<vmem>> -> memref<128xi32, #tpu.memory_space<vmem>>
    %dma_start3A_488 = arith.constant 0 : i32
    %dma_start3A_489 = arith.constant 0 : i32
    %dma_start3A_490 = tpu.memref_slice %arg2[%dma_start3A_488, %dma_start3A_489] : memref<804096x16xf32, #tpu.memory_space<hbm>> -> memref<804096x16xf32, #tpu.memory_space<hbm>>
    tpu.enqueue_indirect_dma source(%dma_start3A_490 : memref<804096x16xf32, #tpu.memory_space<hbm>>) target(%arg11 : memref<128x16xf32, #tpu.memory_space<vmem>>) offsets(%dma_start3A_487 : memref<128xi32, #tpu.memory_space<vmem>>) semaphore(%arg17 : memref<!tpu.dma_semaphore, #tpu.memory_space<semaphore_mem>>)
    %dma_start3A_491 = arith.constant 384 : i32
    %dma_start3A_492 = tpu.memref_slice %arg5[%dma_start3A_491] : memref<50048xi32, #tpu.memory_space<vmem>> -> memref<128xi32, #tpu.memory_space<vmem>>
    %dma_start3A_493 = arith.constant 0 : i32
    %dma_start3A_494 = arith.constant 0 : i32
    %dma_start3A_495 = tpu.memref_slice %arg2[%dma_start3A_493, %dma_start3A_494] : memref<804096x16xf32, #tpu.memory_space<hbm>> -> memref<804096x16xf32, #tpu.memory_space<hbm>>
    tpu.enqueue_indirect_dma source(%dma_start3A_495 : memref<804096x16xf32, #tpu.memory_space<hbm>>) target(%arg12 : memref<128x16xf32, #tpu.memory_space<vmem>>) offsets(%dma_start3A_492 : memref<128xi32, #tpu.memory_space<vmem>>) semaphore(%arg18 : memref<!tpu.dma_semaphore, #tpu.memory_space<semaphore_mem>>)
    %dma_start3A_496 = arith.constant 512 : i32
    %dma_start3A_497 = tpu.memref_slice %arg5[%dma_start3A_496] : memref<50048xi32, #tpu.memory_space<vmem>> -> memref<128xi32, #tpu.memory_space<vmem>>
    %dma_start3A_498 = arith.constant 0 : i32
    %dma_start3A_499 = arith.constant 0 : i32
    %dma_start3A_500 = tpu.memref_slice %arg2[%dma_start3A_498, %dma_start3A_499] : memref<804096x16xf32, #tpu.memory_space<hbm>> -> memref<804096x16xf32, #tpu.memory_space<hbm>>
    tpu.enqueue_indirect_dma source(%dma_start3A_500 : memref<804096x16xf32, #tpu.memory_space<hbm>>) target(%arg13 : memref<128x16xf32, #tpu.memory_space<vmem>>) offsets(%dma_start3A_497 : memref<128xi32, #tpu.memory_space<vmem>>) semaphore(%arg19 : memref<!tpu.dma_semaphore, #tpu.memory_space<semaphore_mem>>)
    %dma_start3A_501 = arith.constant 640 : i32
    %dma_start3A_502 = tpu.memref_slice %arg5[%dma_start3A_501] : memref<50048xi32, #tpu.memory_space<vmem>> -> memref<128xi32, #tpu.memory_space<vmem>>
    %dma_start3A_503 = arith.constant 0 : i32
    %dma_start3A_504 = arith.constant 0 : i32
    %dma_start3A_505 = tpu.memref_slice %arg2[%dma_start3A_503, %dma_start3A_504] : memref<804096x16xf32, #tpu.memory_space<hbm>> -> memref<804096x16xf32, #tpu.memory_space<hbm>>
    tpu.enqueue_indirect_dma source(%dma_start3A_505 : memref<804096x16xf32, #tpu.memory_space<hbm>>) target(%arg14 : memref<128x16xf32, #tpu.memory_space<vmem>>) offsets(%dma_start3A_502 : memref<128xi32, #tpu.memory_space<vmem>>) semaphore(%arg20 : memref<!tpu.dma_semaphore, #tpu.memory_space<semaphore_mem>>)
    %scan3A_506 = arith.constant 0 : i32
    %scan3A_507 = arith.constant 0 : i32
    %scan3A_508 = arith.constant 65 : i32
    %scan3A_509 = arith.addi %scan3A_507, %scan3A_508 : i32
    %scan3A_510 = arith.constant 1 : i32
    %scan3A_511 = scf.for %scan3A_561 = %scan3A_507 to %scan3A_509 step %scan3A_510 iter_args(%scan3A_562 = %scan3A_506) -> (i32)  : i32 {
      %mul3A_563 = arith.constant 6 : i32
      %mul3A_564 = arith.muli %scan3A_561, %mul3A_563 : i32
      %mul3A_565 = arith.constant 128 : i32
      %mul3A_566 = arith.muli %mul3A_564, %mul3A_565 : i32
      %add3A_567 = arith.constant 0 : i32
      %add3A_568 = arith.addi %mul3A_566, %add3A_567 : i32
      %dma_wait3A_569 = tpu.memref_slice %arg5[%add3A_568] : memref<50048xi32, #tpu.memory_space<vmem>> -> memref<128xi32, #tpu.memory_space<vmem>>
      %dma_wait3A_570 = arith.constant 0 : i32
      %dma_wait3A_571 = arith.constant 0 : i32
      %dma_wait3A_572 = tpu.memref_slice %arg2[%dma_wait3A_570, %dma_wait3A_571] : memref<804096x16xf32, #tpu.memory_space<hbm>> -> memref<804096x16xf32, #tpu.memory_space<hbm>>
      tpu.wait_indirect_dma semaphore(%arg15 : memref<!tpu.dma_semaphore, #tpu.memory_space<semaphore_mem>>) src(%dma_wait3A_572 : memref<804096x16xf32, #tpu.memory_space<hbm>>) dst(%arg9 : memref<128x16xf32, #tpu.memory_space<vmem>>)
      %add3A_573 = arith.addi %mul3A_2, %add3A_568 : i32
      %dma_start3A_574 = arith.constant 0 : i32
      %dma_start3A_575 = tpu.memref_slice %arg4[%add3A_573, %dma_start3A_574] : memref<1600000x16xf32, #tpu.memory_space<hbm>> -> memref<128x16xf32, #tpu.memory_space<hbm>>
      %dma_start3A_576 = arith.constant 0 : i32
      %dma_start3A_577 = tpu.memref_slice %arg4[%add3A_573, %dma_start3A_576] : memref<1600000x16xf32, #tpu.memory_space<hbm>> -> memref<128x16xf32, #tpu.memory_space<hbm>>
      tpu.enqueue_dma source(%arg9 : memref<128x16xf32, #tpu.memory_space<vmem>>) target(%dma_start3A_577 : memref<128x16xf32, #tpu.memory_space<hbm>>) target_semaphore(%arg21 : memref<!tpu.dma_semaphore, #tpu.memory_space<semaphore_mem>>)
      %add3A_578 = arith.constant 128 : i32
      %add3A_579 = arith.addi %mul3A_566, %add3A_578 : i32
      %dma_wait3A_580 = tpu.memref_slice %arg5[%add3A_579] : memref<50048xi32, #tpu.memory_space<vmem>> -> memref<128xi32, #tpu.memory_space<vmem>>
      %dma_wait3A_581 = arith.constant 0 : i32
      %dma_wait3A_582 = arith.constant 0 : i32
      %dma_wait3A_583 = tpu.memref_slice %arg2[%dma_wait3A_581, %dma_wait3A_582] : memref<804096x16xf32, #tpu.memory_space<hbm>> -> memref<804096x16xf32, #tpu.memory_space<hbm>>
      tpu.wait_indirect_dma semaphore(%arg16 : memref<!tpu.dma_semaphore, #tpu.memory_space<semaphore_mem>>) src(%dma_wait3A_583 : memref<804096x16xf32, #tpu.memory_space<hbm>>) dst(%arg10 : memref<128x16xf32, #tpu.memory_space<vmem>>)
      %add3A_584 = arith.addi %mul3A_2, %add3A_579 : i32
      %dma_start3A_585 = arith.constant 0 : i32
      %dma_start3A_586 = tpu.memref_slice %arg4[%add3A_584, %dma_start3A_585] : memref<1600000x16xf32, #tpu.memory_space<hbm>> -> memref<128x16xf32, #tpu.memory_space<hbm>>
      %dma_start3A_587 = arith.constant 0 : i32
      %dma_start3A_588 = tpu.memref_slice %arg4[%add3A_584, %dma_start3A_587] : memref<1600000x16xf32, #tpu.memory_space<hbm>> -> memref<128x16xf32, #tpu.memory_space<hbm>>
      tpu.enqueue_dma source(%arg10 : memref<128x16xf32, #tpu.memory_space<vmem>>) target(%dma_start3A_588 : memref<128x16xf32, #tpu.memory_space<hbm>>) target_semaphore(%arg22 : memref<!tpu.dma_semaphore, #tpu.memory_space<semaphore_mem>>)
      %add3A_589 = arith.constant 256 : i32
      %add3A_590 = arith.addi %mul3A_566, %add3A_589 : i32
      %dma_wait3A_591 = tpu.memref_slice %arg5[%add3A_590] : memref<50048xi32, #tpu.memory_space<vmem>> -> memref<128xi32, #tpu.memory_space<vmem>>
      %dma_wait3A_592 = arith.constant 0 : i32
      %dma_wait3A_593 = arith.constant 0 : i32
      %dma_wait3A_594 = tpu.memref_slice %arg2[%dma_wait3A_592, %dma_wait3A_593] : memref<804096x16xf32, #tpu.memory_space<hbm>> -> memref<804096x16xf32, #tpu.memory_space<hbm>>
      tpu.wait_indirect_dma semaphore(%arg17 : memref<!tpu.dma_semaphore, #tpu.memory_space<semaphore_mem>>) src(%dma_wait3A_594 : memref<804096x16xf32, #tpu.memory_space<hbm>>) dst(%arg11 : memref<128x16xf32, #tpu.memory_space<vmem>>)
      %add3A_595 = arith.addi %mul3A_2, %add3A_590 : i32
      %dma_start3A_596 = arith.constant 0 : i32
      %dma_start3A_597 = tpu.memref_slice %arg4[%add3A_595, %dma_start3A_596] : memref<1600000x16xf32, #tpu.memory_space<hbm>> -> memref<128x16xf32, #tpu.memory_space<hbm>>
      %dma_start3A_598 = arith.constant 0 : i32
      %dma_start3A_599 = tpu.memref_slice %arg4[%add3A_595, %dma_start3A_598] : memref<1600000x16xf32, #tpu.memory_space<hbm>> -> memref<128x16xf32, #tpu.memory_space<hbm>>
      tpu.enqueue_dma source(%arg11 : memref<128x16xf32, #tpu.memory_space<vmem>>) target(%dma_start3A_599 : memref<128x16xf32, #tpu.memory_space<hbm>>) target_semaphore(%arg23 : memref<!tpu.dma_semaphore, #tpu.memory_space<semaphore_mem>>)
      %add3A_600 = arith.constant 384 : i32
      %add3A_601 = arith.addi %mul3A_566, %add3A_600 : i32
      %dma_wait3A_602 = tpu.memref_slice %arg5[%add3A_601] : memref<50048xi32, #tpu.memory_space<vmem>> -> memref<128xi32, #tpu.memory_space<vmem>>
      %dma_wait3A_603 = arith.constant 0 : i32
      %dma_wait3A_604 = arith.constant 0 : i32
      %dma_wait3A_605 = tpu.memref_slice %arg2[%dma_wait3A_603, %dma_wait3A_604] : memref<804096x16xf32, #tpu.memory_space<hbm>> -> memref<804096x16xf32, #tpu.memory_space<hbm>>
      tpu.wait_indirect_dma semaphore(%arg18 : memref<!tpu.dma_semaphore, #tpu.memory_space<semaphore_mem>>) src(%dma_wait3A_605 : memref<804096x16xf32, #tpu.memory_space<hbm>>) dst(%arg12 : memref<128x16xf32, #tpu.memory_space<vmem>>)
      %add3A_606 = arith.addi %mul3A_2, %add3A_601 : i32
      %dma_start3A_607 = arith.constant 0 : i32
      %dma_start3A_608 = tpu.memref_slice %arg4[%add3A_606, %dma_start3A_607] : memref<1600000x16xf32, #tpu.memory_space<hbm>> -> memref<128x16xf32, #tpu.memory_space<hbm>>
      %dma_start3A_609 = arith.constant 0 : i32
      %dma_start3A_610 = tpu.memref_slice %arg4[%add3A_606, %dma_start3A_609] : memref<1600000x16xf32, #tpu.memory_space<hbm>> -> memref<128x16xf32, #tpu.memory_space<hbm>>
      tpu.enqueue_dma source(%arg12 : memref<128x16xf32, #tpu.memory_space<vmem>>) target(%dma_start3A_610 : memref<128x16xf32, #tpu.memory_space<hbm>>) target_semaphore(%arg24 : memref<!tpu.dma_semaphore, #tpu.memory_space<semaphore_mem>>)
      %add3A_611 = arith.constant 512 : i32
      %add3A_612 = arith.addi %mul3A_566, %add3A_611 : i32
      %dma_wait3A_613 = tpu.memref_slice %arg5[%add3A_612] : memref<50048xi32, #tpu.memory_space<vmem>> -> memref<128xi32, #tpu.memory_space<vmem>>
      %dma_wait3A_614 = arith.constant 0 : i32
      %dma_wait3A_615 = arith.constant 0 : i32
      %dma_wait3A_616 = tpu.memref_slice %arg2[%dma_wait3A_614, %dma_wait3A_615] : memref<804096x16xf32, #tpu.memory_space<hbm>> -> memref<804096x16xf32, #tpu.memory_space<hbm>>
      tpu.wait_indirect_dma semaphore(%arg19 : memref<!tpu.dma_semaphore, #tpu.memory_space<semaphore_mem>>) src(%dma_wait3A_616 : memref<804096x16xf32, #tpu.memory_space<hbm>>) dst(%arg13 : memref<128x16xf32, #tpu.memory_space<vmem>>)
      %add3A_617 = arith.addi %mul3A_2, %add3A_612 : i32
      %dma_start3A_618 = arith.constant 0 : i32
      %dma_start3A_619 = tpu.memref_slice %arg4[%add3A_617, %dma_start3A_618] : memref<1600000x16xf32, #tpu.memory_space<hbm>> -> memref<128x16xf32, #tpu.memory_space<hbm>>
      %dma_start3A_620 = arith.constant 0 : i32
      %dma_start3A_621 = tpu.memref_slice %arg4[%add3A_617, %dma_start3A_620] : memref<1600000x16xf32, #tpu.memory_space<hbm>> -> memref<128x16xf32, #tpu.memory_space<hbm>>
      tpu.enqueue_dma source(%arg13 : memref<128x16xf32, #tpu.memory_space<vmem>>) target(%dma_start3A_621 : memref<128x16xf32, #tpu.memory_space<hbm>>) target_semaphore(%arg25 : memref<!tpu.dma_semaphore, #tpu.memory_space<semaphore_mem>>)
      %add3A_622 = arith.constant 640 : i32
      %add3A_623 = arith.addi %mul3A_566, %add3A_622 : i32
      %dma_wait3A_624 = tpu.memref_slice %arg5[%add3A_623] : memref<50048xi32, #tpu.memory_space<vmem>> -> memref<128xi32, #tpu.memory_space<vmem>>
      %dma_wait3A_625 = arith.constant 0 : i32
      %dma_wait3A_626 = arith.constant 0 : i32
      %dma_wait3A_627 = tpu.memref_slice %arg2[%dma_wait3A_625, %dma_wait3A_626] : memref<804096x16xf32, #tpu.memory_space<hbm>> -> memref<804096x16xf32, #tpu.memory_space<hbm>>
      tpu.wait_indirect_dma semaphore(%arg20 : memref<!tpu.dma_semaphore, #tpu.memory_space<semaphore_mem>>) src(%dma_wait3A_627 : memref<804096x16xf32, #tpu.memory_space<hbm>>) dst(%arg14 : memref<128x16xf32, #tpu.memory_space<vmem>>)
      %add3A_628 = arith.addi %mul3A_2, %add3A_623 : i32
      %dma_start3A_629 = arith.constant 0 : i32
      %dma_start3A_630 = tpu.memref_slice %arg4[%add3A_628, %dma_start3A_629] : memref<1600000x16xf32, #tpu.memory_space<hbm>> -> memref<128x16xf32, #tpu.memory_space<hbm>>
      %dma_start3A_631 = arith.constant 0 : i32
      %dma_start3A_632 = tpu.memref_slice %arg4[%add3A_628, %dma_start3A_631] : memref<1600000x16xf32, #tpu.memory_space<hbm>> -> memref<128x16xf32, #tpu.memory_space<hbm>>
      tpu.enqueue_dma source(%arg14 : memref<128x16xf32, #tpu.memory_space<vmem>>) target(%dma_start3A_632 : memref<128x16xf32, #tpu.memory_space<hbm>>) target_semaphore(%arg26 : memref<!tpu.dma_semaphore, #tpu.memory_space<semaphore_mem>>)
      %lt3A_633 = arith.constant 64 : i32
      %lt3A_634 = arith.cmpi slt, %scan3A_561, %lt3A_633 : i32
      %convert_element_type3A = arith.extui %lt3A_634 : i1 to i32
      %cond3A = arith.constant 0 : i32
      %cond3A_635 = arith.cmpi ne, %convert_element_type3A, %cond3A : i32
      scf.if %cond3A_635 {
        %add3A_637 = arith.constant 0 : i32
        %add3A_638 = arith.addi %mul3A_566, %add3A_637 : i32
        %add3A_639 = arith.addi %mul3A_2, %add3A_638 : i32
        %dma_wait3A_640 = arith.constant 0 : i32
        %dma_wait3A_641 = tpu.memref_slice %arg4[%add3A_639, %dma_wait3A_640] : memref<1600000x16xf32, #tpu.memory_space<hbm>> -> memref<128x16xf32, #tpu.memory_space<hbm>>
        %dma_wait3A_642 = arith.constant 0 : i32
        %dma_wait3A_643 = tpu.memref_slice %arg4[%add3A_639, %dma_wait3A_642] : memref<1600000x16xf32, #tpu.memory_space<hbm>> -> memref<128x16xf32, #tpu.memory_space<hbm>>
        tpu.wait_dma2 semaphore(%arg21 : memref<!tpu.dma_semaphore, #tpu.memory_space<semaphore_mem>>) src(%arg9 : memref<128x16xf32, #tpu.memory_space<vmem>>) dst(%dma_wait3A_643 : memref<128x16xf32, #tpu.memory_space<hbm>>)
        %add3A_644 = arith.constant 768 : i32
        %add3A_645 = arith.addi %add3A_638, %add3A_644 : i32
        %dma_start3A_646 = tpu.memref_slice %arg5[%add3A_645] : memref<50048xi32, #tpu.memory_space<vmem>> -> memref<128xi32, #tpu.memory_space<vmem>>
        %dma_start3A_647 = arith.constant 0 : i32
        %dma_start3A_648 = arith.constant 0 : i32
        %dma_start3A_649 = tpu.memref_slice %arg2[%dma_start3A_647, %dma_start3A_648] : memref<804096x16xf32, #tpu.memory_space<hbm>> -> memref<804096x16xf32, #tpu.memory_space<hbm>>
        tpu.enqueue_indirect_dma source(%dma_start3A_649 : memref<804096x16xf32, #tpu.memory_space<hbm>>) target(%arg9 : memref<128x16xf32, #tpu.memory_space<vmem>>) offsets(%dma_start3A_646 : memref<128xi32, #tpu.memory_space<vmem>>) semaphore(%arg15 : memref<!tpu.dma_semaphore, #tpu.memory_space<semaphore_mem>>)
        %add3A_650 = arith.constant 128 : i32
        %add3A_651 = arith.addi %mul3A_566, %add3A_650 : i32
        %add3A_652 = arith.addi %mul3A_2, %add3A_651 : i32
        %dma_wait3A_653 = arith.constant 0 : i32
        %dma_wait3A_654 = tpu.memref_slice %arg4[%add3A_652, %dma_wait3A_653] : memref<1600000x16xf32, #tpu.memory_space<hbm>> -> memref<128x16xf32, #tpu.memory_space<hbm>>
        %dma_wait3A_655 = arith.constant 0 : i32
        %dma_wait3A_656 = tpu.memref_slice %arg4[%add3A_652, %dma_wait3A_655] : memref<1600000x16xf32, #tpu.memory_space<hbm>> -> memref<128x16xf32, #tpu.memory_space<hbm>>
        tpu.wait_dma2 semaphore(%arg22 : memref<!tpu.dma_semaphore, #tpu.memory_space<semaphore_mem>>) src(%arg10 : memref<128x16xf32, #tpu.memory_space<vmem>>) dst(%dma_wait3A_656 : memref<128x16xf32, #tpu.memory_space<hbm>>)
        %add3A_657 = arith.constant 768 : i32
        %add3A_658 = arith.addi %add3A_651, %add3A_657 : i32
        %dma_start3A_659 = tpu.memref_slice %arg5[%add3A_658] : memref<50048xi32, #tpu.memory_space<vmem>> -> memref<128xi32, #tpu.memory_space<vmem>>
        %dma_start3A_660 = arith.constant 0 : i32
        %dma_start3A_661 = arith.constant 0 : i32
        %dma_start3A_662 = tpu.memref_slice %arg2[%dma_start3A_660, %dma_start3A_661] : memref<804096x16xf32, #tpu.memory_space<hbm>> -> memref<804096x16xf32, #tpu.memory_space<hbm>>
        tpu.enqueue_indirect_dma source(%dma_start3A_662 : memref<804096x16xf32, #tpu.memory_space<hbm>>) target(%arg10 : memref<128x16xf32, #tpu.memory_space<vmem>>) offsets(%dma_start3A_659 : memref<128xi32, #tpu.memory_space<vmem>>) semaphore(%arg16 : memref<!tpu.dma_semaphore, #tpu.memory_space<semaphore_mem>>)
        %add3A_663 = arith.constant 256 : i32
        %add3A_664 = arith.addi %mul3A_566, %add3A_663 : i32
        %add3A_665 = arith.addi %mul3A_2, %add3A_664 : i32
        %dma_wait3A_666 = arith.constant 0 : i32
        %dma_wait3A_667 = tpu.memref_slice %arg4[%add3A_665, %dma_wait3A_666] : memref<1600000x16xf32, #tpu.memory_space<hbm>> -> memref<128x16xf32, #tpu.memory_space<hbm>>
        %dma_wait3A_668 = arith.constant 0 : i32
        %dma_wait3A_669 = tpu.memref_slice %arg4[%add3A_665, %dma_wait3A_668] : memref<1600000x16xf32, #tpu.memory_space<hbm>> -> memref<128x16xf32, #tpu.memory_space<hbm>>
        tpu.wait_dma2 semaphore(%arg23 : memref<!tpu.dma_semaphore, #tpu.memory_space<semaphore_mem>>) src(%arg11 : memref<128x16xf32, #tpu.memory_space<vmem>>) dst(%dma_wait3A_669 : memref<128x16xf32, #tpu.memory_space<hbm>>)
        %add3A_670 = arith.constant 768 : i32
        %add3A_671 = arith.addi %add3A_664, %add3A_670 : i32
        %dma_start3A_672 = tpu.memref_slice %arg5[%add3A_671] : memref<50048xi32, #tpu.memory_space<vmem>> -> memref<128xi32, #tpu.memory_space<vmem>>
        %dma_start3A_673 = arith.constant 0 : i32
        %dma_start3A_674 = arith.constant 0 : i32
        %dma_start3A_675 = tpu.memref_slice %arg2[%dma_start3A_673, %dma_start3A_674] : memref<804096x16xf32, #tpu.memory_space<hbm>> -> memref<804096x16xf32, #tpu.memory_space<hbm>>
        tpu.enqueue_indirect_dma source(%dma_start3A_675 : memref<804096x16xf32, #tpu.memory_space<hbm>>) target(%arg11 : memref<128x16xf32, #tpu.memory_space<vmem>>) offsets(%dma_start3A_672 : memref<128xi32, #tpu.memory_space<vmem>>) semaphore(%arg17 : memref<!tpu.dma_semaphore, #tpu.memory_space<semaphore_mem>>)
        %add3A_676 = arith.constant 384 : i32
        %add3A_677 = arith.addi %mul3A_566, %add3A_676 : i32
        %add3A_678 = arith.addi %mul3A_2, %add3A_677 : i32
        %dma_wait3A_679 = arith.constant 0 : i32
        %dma_wait3A_680 = tpu.memref_slice %arg4[%add3A_678, %dma_wait3A_679] : memref<1600000x16xf32, #tpu.memory_space<hbm>> -> memref<128x16xf32, #tpu.memory_space<hbm>>
        %dma_wait3A_681 = arith.constant 0 : i32
        %dma_wait3A_682 = tpu.memref_slice %arg4[%add3A_678, %dma_wait3A_681] : memref<1600000x16xf32, #tpu.memory_space<hbm>> -> memref<128x16xf32, #tpu.memory_space<hbm>>
        tpu.wait_dma2 semaphore(%arg24 : memref<!tpu.dma_semaphore, #tpu.memory_space<semaphore_mem>>) src(%arg12 : memref<128x16xf32, #tpu.memory_space<vmem>>) dst(%dma_wait3A_682 : memref<128x16xf32, #tpu.memory_space<hbm>>)
        %add3A_683 = arith.constant 768 : i32
        %add3A_684 = arith.addi %add3A_677, %add3A_683 : i32
        %dma_start3A_685 = tpu.memref_slice %arg5[%add3A_684] : memref<50048xi32, #tpu.memory_space<vmem>> -> memref<128xi32, #tpu.memory_space<vmem>>
        %dma_start3A_686 = arith.constant 0 : i32
        %dma_start3A_687 = arith.constant 0 : i32
        %dma_start3A_688 = tpu.memref_slice %arg2[%dma_start3A_686, %dma_start3A_687] : memref<804096x16xf32, #tpu.memory_space<hbm>> -> memref<804096x16xf32, #tpu.memory_space<hbm>>
        tpu.enqueue_indirect_dma source(%dma_start3A_688 : memref<804096x16xf32, #tpu.memory_space<hbm>>) target(%arg12 : memref<128x16xf32, #tpu.memory_space<vmem>>) offsets(%dma_start3A_685 : memref<128xi32, #tpu.memory_space<vmem>>) semaphore(%arg18 : memref<!tpu.dma_semaphore, #tpu.memory_space<semaphore_mem>>)
        %add3A_689 = arith.constant 512 : i32
        %add3A_690 = arith.addi %mul3A_566, %add3A_689 : i32
        %add3A_691 = arith.addi %mul3A_2, %add3A_690 : i32
        %dma_wait3A_692 = arith.constant 0 : i32
        %dma_wait3A_693 = tpu.memref_slice %arg4[%add3A_691, %dma_wait3A_692] : memref<1600000x16xf32, #tpu.memory_space<hbm>> -> memref<128x16xf32, #tpu.memory_space<hbm>>
        %dma_wait3A_694 = arith.constant 0 : i32
        %dma_wait3A_695 = tpu.memref_slice %arg4[%add3A_691, %dma_wait3A_694] : memref<1600000x16xf32, #tpu.memory_space<hbm>> -> memref<128x16xf32, #tpu.memory_space<hbm>>
        tpu.wait_dma2 semaphore(%arg25 : memref<!tpu.dma_semaphore, #tpu.memory_space<semaphore_mem>>) src(%arg13 : memref<128x16xf32, #tpu.memory_space<vmem>>) dst(%dma_wait3A_695 : memref<128x16xf32, #tpu.memory_space<hbm>>)
        %add3A_696 = arith.constant 768 : i32
        %add3A_697 = arith.addi %add3A_690, %add3A_696 : i32
        %dma_start3A_698 = tpu.memref_slice %arg5[%add3A_697] : memref<50048xi32, #tpu.memory_space<vmem>> -> memref<128xi32, #tpu.memory_space<vmem>>
        %dma_start3A_699 = arith.constant 0 : i32
        %dma_start3A_700 = arith.constant 0 : i32
        %dma_start3A_701 = tpu.memref_slice %arg2[%dma_start3A_699, %dma_start3A_700] : memref<804096x16xf32, #tpu.memory_space<hbm>> -> memref<804096x16xf32, #tpu.memory_space<hbm>>
        tpu.enqueue_indirect_dma source(%dma_start3A_701 : memref<804096x16xf32, #tpu.memory_space<hbm>>) target(%arg13 : memref<128x16xf32, #tpu.memory_space<vmem>>) offsets(%dma_start3A_698 : memref<128xi32, #tpu.memory_space<vmem>>) semaphore(%arg19 : memref<!tpu.dma_semaphore, #tpu.memory_space<semaphore_mem>>)
        %add3A_702 = arith.constant 640 : i32
        %add3A_703 = arith.addi %mul3A_566, %add3A_702 : i32
        %add3A_704 = arith.addi %mul3A_2, %add3A_703 : i32
        %dma_wait3A_705 = arith.constant 0 : i32
        %dma_wait3A_706 = tpu.memref_slice %arg4[%add3A_704, %dma_wait3A_705] : memref<1600000x16xf32, #tpu.memory_space<hbm>> -> memref<128x16xf32, #tpu.memory_space<hbm>>
        %dma_wait3A_707 = arith.constant 0 : i32
        %dma_wait3A_708 = tpu.memref_slice %arg4[%add3A_704, %dma_wait3A_707] : memref<1600000x16xf32, #tpu.memory_space<hbm>> -> memref<128x16xf32, #tpu.memory_space<hbm>>
        tpu.wait_dma2 semaphore(%arg26 : memref<!tpu.dma_semaphore, #tpu.memory_space<semaphore_mem>>) src(%arg14 : memref<128x16xf32, #tpu.memory_space<vmem>>) dst(%dma_wait3A_708 : memref<128x16xf32, #tpu.memory_space<hbm>>)
        %add3A_709 = arith.constant 768 : i32
        %add3A_710 = arith.addi %add3A_703, %add3A_709 : i32
        %dma_start3A_711 = tpu.memref_slice %arg5[%add3A_710] : memref<50048xi32, #tpu.memory_space<vmem>> -> memref<128xi32, #tpu.memory_space<vmem>>
        %dma_start3A_712 = arith.constant 0 : i32
        %dma_start3A_713 = arith.constant 0 : i32
        %dma_start3A_714 = tpu.memref_slice %arg2[%dma_start3A_712, %dma_start3A_713] : memref<804096x16xf32, #tpu.memory_space<hbm>> -> memref<804096x16xf32, #tpu.memory_space<hbm>>
        tpu.enqueue_indirect_dma source(%dma_start3A_714 : memref<804096x16xf32, #tpu.memory_space<hbm>>) target(%arg14 : memref<128x16xf32, #tpu.memory_space<vmem>>) offsets(%dma_start3A_711 : memref<128xi32, #tpu.memory_space<vmem>>) semaphore(%arg20 : memref<!tpu.dma_semaphore, #tpu.memory_space<semaphore_mem>>)
      } else {
      }
      %scan3A_636 = arith.constant 0 : i32
      scf.yield %scan3A_636 : i32
    }
    %scan3A_512 = arith.constant 65 : i32
    %add3A_513 = arith.constant 49152 : i32
    %add3A_514 = arith.addi %mul3A_2, %add3A_513 : i32
    %dma_wait3A_515 = arith.constant 0 : i32
    %dma_wait3A_516 = tpu.memref_slice %arg4[%add3A_514, %dma_wait3A_515] : memref<1600000x16xf32, #tpu.memory_space<hbm>> -> memref<128x16xf32, #tpu.memory_space<hbm>>
    %dma_wait3A_517 = arith.constant 0 : i32
    %dma_wait3A_518 = tpu.memref_slice %arg4[%add3A_514, %dma_wait3A_517] : memref<1600000x16xf32, #tpu.memory_space<hbm>> -> memref<128x16xf32, #tpu.memory_space<hbm>>
    tpu.wait_dma2 semaphore(%arg21 : memref<!tpu.dma_semaphore, #tpu.memory_space<semaphore_mem>>) src(%arg9 : memref<128x16xf32, #tpu.memory_space<vmem>>) dst(%dma_wait3A_518 : memref<128x16xf32, #tpu.memory_space<hbm>>)
    %add3A_519 = arith.constant 49280 : i32
    %add3A_520 = arith.addi %mul3A_2, %add3A_519 : i32
    %dma_wait3A_521 = arith.constant 0 : i32
    %dma_wait3A_522 = tpu.memref_slice %arg4[%add3A_520, %dma_wait3A_521] : memref<1600000x16xf32, #tpu.memory_space<hbm>> -> memref<128x16xf32, #tpu.memory_space<hbm>>
    %dma_wait3A_523 = arith.constant 0 : i32
    %dma_wait3A_524 = tpu.memref_slice %arg4[%add3A_520, %dma_wait3A_523] : memref<1600000x16xf32, #tpu.memory_space<hbm>> -> memref<128x16xf32, #tpu.memory_space<hbm>>
    tpu.wait_dma2 semaphore(%arg22 : memref<!tpu.dma_semaphore, #tpu.memory_space<semaphore_mem>>) src(%arg10 : memref<128x16xf32, #tpu.memory_space<vmem>>) dst(%dma_wait3A_524 : memref<128x16xf32, #tpu.memory_space<hbm>>)
    %add3A_525 = arith.constant 49408 : i32
    %add3A_526 = arith.addi %mul3A_2, %add3A_525 : i32
    %dma_wait3A_527 = arith.constant 0 : i32
    %dma_wait3A_528 = tpu.memref_slice %arg4[%add3A_526, %dma_wait3A_527] : memref<1600000x16xf32, #tpu.memory_space<hbm>> -> memref<128x16xf32, #tpu.memory_space<hbm>>
    %dma_wait3A_529 = arith.constant 0 : i32
    %dma_wait3A_530 = tpu.memref_slice %arg4[%add3A_526, %dma_wait3A_529] : memref<1600000x16xf32, #tpu.memory_space<hbm>> -> memref<128x16xf32, #tpu.memory_space<hbm>>
    tpu.wait_dma2 semaphore(%arg23 : memref<!tpu.dma_semaphore, #tpu.memory_space<semaphore_mem>>) src(%arg11 : memref<128x16xf32, #tpu.memory_space<vmem>>) dst(%dma_wait3A_530 : memref<128x16xf32, #tpu.memory_space<hbm>>)
    %add3A_531 = arith.constant 49536 : i32
    %add3A_532 = arith.addi %mul3A_2, %add3A_531 : i32
    %dma_wait3A_533 = arith.constant 0 : i32
    %dma_wait3A_534 = tpu.memref_slice %arg4[%add3A_532, %dma_wait3A_533] : memref<1600000x16xf32, #tpu.memory_space<hbm>> -> memref<128x16xf32, #tpu.memory_space<hbm>>
    %dma_wait3A_535 = arith.constant 0 : i32
    %dma_wait3A_536 = tpu.memref_slice %arg4[%add3A_532, %dma_wait3A_535] : memref<1600000x16xf32, #tpu.memory_space<hbm>> -> memref<128x16xf32, #tpu.memory_space<hbm>>
    tpu.wait_dma2 semaphore(%arg24 : memref<!tpu.dma_semaphore, #tpu.memory_space<semaphore_mem>>) src(%arg12 : memref<128x16xf32, #tpu.memory_space<vmem>>) dst(%dma_wait3A_536 : memref<128x16xf32, #tpu.memory_space<hbm>>)
    %add3A_537 = arith.constant 49664 : i32
    %add3A_538 = arith.addi %mul3A_2, %add3A_537 : i32
    %dma_wait3A_539 = arith.constant 0 : i32
    %dma_wait3A_540 = tpu.memref_slice %arg4[%add3A_538, %dma_wait3A_539] : memref<1600000x16xf32, #tpu.memory_space<hbm>> -> memref<128x16xf32, #tpu.memory_space<hbm>>
    %dma_wait3A_541 = arith.constant 0 : i32
    %dma_wait3A_542 = tpu.memref_slice %arg4[%add3A_538, %dma_wait3A_541] : memref<1600000x16xf32, #tpu.memory_space<hbm>> -> memref<128x16xf32, #tpu.memory_space<hbm>>
    tpu.wait_dma2 semaphore(%arg25 : memref<!tpu.dma_semaphore, #tpu.memory_space<semaphore_mem>>) src(%arg13 : memref<128x16xf32, #tpu.memory_space<vmem>>) dst(%dma_wait3A_542 : memref<128x16xf32, #tpu.memory_space<hbm>>)
    %add3A_543 = arith.constant 49792 : i32
    %add3A_544 = arith.addi %mul3A_2, %add3A_543 : i32
    %dma_wait3A_545 = arith.constant 0 : i32
    %dma_wait3A_546 = tpu.memref_slice %arg4[%add3A_544, %dma_wait3A_545] : memref<1600000x16xf32, #tpu.memory_space<hbm>> -> memref<128x16xf32, #tpu.memory_space<hbm>>
    %dma_wait3A_547 = arith.constant 0 : i32
    %dma_wait3A_548 = tpu.memref_slice %arg4[%add3A_544, %dma_wait3A_547] : memref<1600000x16xf32, #tpu.memory_space<hbm>> -> memref<128x16xf32, #tpu.memory_space<hbm>>
    tpu.wait_dma2 semaphore(%arg26 : memref<!tpu.dma_semaphore, #tpu.memory_space<semaphore_mem>>) src(%arg14 : memref<128x16xf32, #tpu.memory_space<vmem>>) dst(%dma_wait3A_548 : memref<128x16xf32, #tpu.memory_space<hbm>>)
    %dma_start3A_549 = arith.constant 49920 : i32
    %dma_start3A_550 = tpu.memref_slice %arg5[%dma_start3A_549] : memref<50048xi32, #tpu.memory_space<vmem>> -> memref<128xi32, #tpu.memory_space<vmem>>
    %dma_start3A_551 = arith.constant 0 : i32
    %dma_start3A_552 = arith.constant 0 : i32
    %dma_start3A_553 = tpu.memref_slice %arg2[%dma_start3A_551, %dma_start3A_552] : memref<804096x16xf32, #tpu.memory_space<hbm>> -> memref<804096x16xf32, #tpu.memory_space<hbm>>
    tpu.enqueue_indirect_dma source(%dma_start3A_553 : memref<804096x16xf32, #tpu.memory_space<hbm>>) target(%arg9 : memref<128x16xf32, #tpu.memory_space<vmem>>) offsets(%dma_start3A_550 : memref<128xi32, #tpu.memory_space<vmem>>) semaphore(%arg15 : memref<!tpu.dma_semaphore, #tpu.memory_space<semaphore_mem>>)
    %dma_wait3A_554 = arith.constant 49920 : i32
    %dma_wait3A_555 = tpu.memref_slice %arg5[%dma_wait3A_554] : memref<50048xi32, #tpu.memory_space<vmem>> -> memref<128xi32, #tpu.memory_space<vmem>>
    %dma_wait3A_556 = arith.constant 0 : i32
    %dma_wait3A_557 = arith.constant 0 : i32
    %dma_wait3A_558 = tpu.memref_slice %arg2[%dma_wait3A_556, %dma_wait3A_557] : memref<804096x16xf32, #tpu.memory_space<hbm>> -> memref<804096x16xf32, #tpu.memory_space<hbm>>
    tpu.wait_indirect_dma semaphore(%arg15 : memref<!tpu.dma_semaphore, #tpu.memory_space<semaphore_mem>>) src(%dma_wait3A_558 : memref<804096x16xf32, #tpu.memory_space<hbm>>) dst(%arg9 : memref<128x16xf32, #tpu.memory_space<vmem>>)
    %add3A_559 = arith.constant 49920 : i32
    %add3A_560 = arith.addi %mul3A_2, %add3A_559 : i32
    "tpu.region"() ({
      %run_scoped3A = tpu.sem_alloc : memref<!tpu.dma_semaphore, #tpu.memory_space<semaphore_mem>>
      %dma_start3A_561 = arith.constant 0 : i32
      %dma_start3A_562 = arith.constant 0 : i32
      %dma_start3A_563 = tpu.memref_slice %arg9[%dma_start3A_561, %dma_start3A_562] : memref<128x16xf32, #tpu.memory_space<vmem>> -> memref<80x16xf32, #tpu.memory_space<vmem>>
      %dma_start3A_564 = arith.constant 0 : i32
      %dma_start3A_565 = tpu.memref_slice %arg4[%add3A_560, %dma_start3A_564] : memref<1600000x16xf32, #tpu.memory_space<hbm>> -> memref<80x16xf32, #tpu.memory_space<hbm>>
      %dma_start3A_566 = arith.constant 0 : i32
      %dma_start3A_567 = tpu.memref_slice %arg4[%add3A_560, %dma_start3A_566] : memref<1600000x16xf32, #tpu.memory_space<hbm>> -> memref<80x16xf32, #tpu.memory_space<hbm>>
      %dma_start3A_568 = arith.constant 0 : i32
      %dma_start3A_569 = arith.constant 0 : i32
      %dma_start3A_570 = tpu.memref_slice %arg9[%dma_start3A_568, %dma_start3A_569] : memref<128x16xf32, #tpu.memory_space<vmem>> -> memref<80x16xf32, #tpu.memory_space<vmem>>
      tpu.enqueue_dma source(%dma_start3A_570 : memref<80x16xf32, #tpu.memory_space<vmem>>) target(%dma_start3A_567 : memref<80x16xf32, #tpu.memory_space<hbm>>) target_semaphore(%run_scoped3A : memref<!tpu.dma_semaphore, #tpu.memory_space<semaphore_mem>>)
      %dma_wait3A_571 = arith.constant 0 : i32
      %dma_wait3A_572 = arith.constant 0 : i32
      %dma_wait3A_573 = tpu.memref_slice %arg9[%dma_wait3A_571, %dma_wait3A_572] : memref<128x16xf32, #tpu.memory_space<vmem>> -> memref<80x16xf32, #tpu.memory_space<vmem>>
      %dma_wait3A_574 = arith.constant 0 : i32
      %dma_wait3A_575 = tpu.memref_slice %arg4[%add3A_560, %dma_wait3A_574] : memref<1600000x16xf32, #tpu.memory_space<hbm>> -> memref<80x16xf32, #tpu.memory_space<hbm>>
      %dma_wait3A_576 = arith.constant 0 : i32
      %dma_wait3A_577 = tpu.memref_slice %arg4[%add3A_560, %dma_wait3A_576] : memref<1600000x16xf32, #tpu.memory_space<hbm>> -> memref<80x16xf32, #tpu.memory_space<hbm>>
      %dma_wait3A_578 = arith.constant 0 : i32
      %dma_wait3A_579 = arith.constant 0 : i32
      %dma_wait3A_580 = tpu.memref_slice %arg9[%dma_wait3A_578, %dma_wait3A_579] : memref<128x16xf32, #tpu.memory_space<vmem>> -> memref<80x16xf32, #tpu.memory_space<vmem>>
      tpu.wait_dma2 semaphore(%run_scoped3A : memref<!tpu.dma_semaphore, #tpu.memory_space<semaphore_mem>>) src(%dma_wait3A_580 : memref<80x16xf32, #tpu.memory_space<vmem>>) dst(%dma_wait3A_577 : memref<80x16xf32, #tpu.memory_space<hbm>>)
      tpu.yield
    }) : () -> ()
    return
  }
}

#map = affine_map<(d0, d1) -> (0, 0)>
#map1 = affine_map<(d0, d1) -> (0)>
module attributes {stable_mosaic.version = 14 : i64} {
  func.func @k(%arg0: i32, %arg1: i32, %arg2: memref<51024x128xf32, #tpu.memory_space<hbm>>, %arg3: memref<52064xi32, #tpu.memory_space<hbm>>, %arg4: memref<100000x128xf32, #tpu.memory_space<hbm>>, %arg5: memref<3200xi32, #tpu.memory_space<vmem>>, %arg6: memref<2064xi32, #tpu.memory_space<vmem>>, %arg7: memref<16xi32, #tpu.memory_space<vmem>>, %arg8: memref<16xi32, #tpu.memory_space<vmem>>, %arg9: memref<128x128xf32, #tpu.memory_space<vmem>>, %arg10: memref<128x128xf32, #tpu.memory_space<vmem>>, %arg11: memref<128x128xf32, #tpu.memory_space<vmem>>, %arg12: memref<128x128xf32, #tpu.memory_space<vmem>>, %arg13: memref<!tpu.dma_semaphore, #tpu.memory_space<semaphore_mem>>, %arg14: memref<!tpu.dma_semaphore, #tpu.memory_space<semaphore_mem>>, %arg15: memref<!tpu.dma_semaphore, #tpu.memory_space<semaphore_mem>>, %arg16: memref<!tpu.dma_semaphore, #tpu.memory_space<semaphore_mem>>, %arg17: memref<!tpu.dma_semaphore, #tpu.memory_space<semaphore_mem>>, %arg18: memref<!tpu.dma_semaphore, #tpu.memory_space<semaphore_mem>>, %arg19: memref<!tpu.dma_semaphore, #tpu.memory_space<semaphore_mem>>, %arg20: memref<!tpu.dma_semaphore, #tpu.memory_space<semaphore_mem>>, %arg21: memref<!tpu.dma_semaphore, #tpu.memory_space<semaphore_mem>>) attributes {dimension_semantics = [#tpu.dimension_semantics<core_parallel>, #tpu.dimension_semantics<subcore_parallel>], iteration_bounds = array<i64: 2, 16>, scalar_prefetch = 0 : i64, scratch_operands = 17 : i64, tpu.core_type = #tpu.core_type<sc_vector_subcore>, window_params = [{transform_indices = #map}, {transform_indices = #map1}, {transform_indices = #map}]} {
    %mul3A = arith.constant 2 : i32
    %mul3A_0 = arith.muli %arg1, %mul3A : i32
    %add3A = arith.addi %mul3A_0, %arg0 : i32
    %mul3A_1 = arith.constant 3125 : i32
    %mul3A_2 = arith.muli %add3A, %mul3A_1 : i32
    %iota3A = tpu.iota {dimensions = array<i32: 0>} : vector<16xi32>
    %eq3A = arith.constant 0 : i32
    %eq3A_3 = vector.broadcast %eq3A : i32 to vector<16xi32>
    %eq3A_4 = arith.cmpi eq, %iota3A, %eq3A_3 : vector<16xi32>
    %add3A_5 = arith.constant 3125 : i32
    %add3A_6 = arith.addi %mul3A_2, %add3A_5 : i32
    %broadcast_in_dim3A = vector.broadcast %mul3A_2 : i32 to vector<16xi32>
    %broadcast_in_dim3A_7 = vector.broadcast %add3A_6 : i32 to vector<16xi32>
    %select_n3A = arith.select %eq3A_4, %broadcast_in_dim3A, %broadcast_in_dim3A_7 : vector<16xi1>, vector<16xi32>
    %broadcast_in_dim3A_8 = arith.constant 0 : i32
    %broadcast_in_dim3A_9 = vector.broadcast %broadcast_in_dim3A_8 : i32 to vector<16xi32>
    %broadcast_in_dim3A_10 = arith.constant 50000 : i32
    %broadcast_in_dim3A_11 = vector.broadcast %broadcast_in_dim3A_10 : i32 to vector<16xi32>
    %add3A_12 = arith.addi %broadcast_in_dim3A_9, %broadcast_in_dim3A_11 : vector<16xi32>
    %div3A = arith.constant 2 : i32
    %div3A_13 = vector.broadcast %div3A : i32 to vector<16xi32>
    %div3A_14 = arith.divsi %add3A_12, %div3A_13 : vector<16xi32>
    %swap3A = arith.constant 0 : index
    %swap3A_15 = tpu.vector_load %arg8[%swap3A] {strides = array<i32>} : memref<16xi32, #tpu.memory_space<vmem>>, vector<16xi32>,
    tpu.vector_store %arg8[%swap3A], %div3A_14 {strides = array<i32>} : memref<16xi32, #tpu.memory_space<vmem>>, vector<16xi32>,
    %dma_start3A = arith.constant 0 : i32
    %dma_start3A_16 = tpu.memref_slice %arg3[%dma_start3A] : memref<52064xi32, #tpu.memory_space<hbm>> -> memref<52064xi32, #tpu.memory_space<hbm>>
    tpu.enqueue_indirect_dma source(%dma_start3A_16 : memref<52064xi32, #tpu.memory_space<hbm>>) target(%arg7 : memref<16xi32, #tpu.memory_space<vmem>>) offsets(%arg8 : memref<16xi32, #tpu.memory_space<vmem>>) semaphore(%arg21 : memref<!tpu.dma_semaphore, #tpu.memory_space<semaphore_mem>>)
    %dma_wait3A = arith.constant 0 : i32
    %dma_wait3A_17 = tpu.memref_slice %arg3[%dma_wait3A] : memref<52064xi32, #tpu.memory_space<hbm>> -> memref<52064xi32, #tpu.memory_space<hbm>>
    tpu.wait_indirect_dma semaphore(%arg21 : memref<!tpu.dma_semaphore, #tpu.memory_space<semaphore_mem>>) src(%dma_wait3A_17 : memref<52064xi32, #tpu.memory_space<hbm>>) dst(%arg7 : memref<16xi32, #tpu.memory_space<vmem>>)
    %get3A = arith.constant 0 : index
    %get3A_18 = tpu.vector_load %arg7[%get3A] {strides = array<i32>} : memref<16xi32, #tpu.memory_space<vmem>>, vector<16xi32>,
    %lt3A = arith.cmpi slt, %broadcast_in_dim3A_9, %broadcast_in_dim3A_11 : vector<16xi32>
    %lt3A_19 = arith.cmpi slt, %get3A_18, %select_n3A : vector<16xi32>
    %and3A = arith.andi %lt3A, %lt3A_19 : vector<16xi1>
    %add3A_20 = arith.constant 1 : i32
    %add3A_21 = vector.broadcast %add3A_20 : i32 to vector<16xi32>
    %add3A_22 = arith.addi %div3A_14, %add3A_21 : vector<16xi32>
    %select_n3A_23 = arith.select %and3A, %add3A_22, %broadcast_in_dim3A_9 : vector<16xi1>, vector<16xi32>
    %ge3A = arith.cmpi sge, %get3A_18, %select_n3A : vector<16xi32>
    %and3A_24 = arith.andi %lt3A, %ge3A : vector<16xi1>
    %select_n3A_25 = arith.select %and3A_24, %div3A_14, %broadcast_in_dim3A_11 : vector<16xi1>, vector<16xi32>
    %add3A_26 = arith.addi %select_n3A_23, %select_n3A_25 : vector<16xi32>
    %div3A_27 = arith.constant 2 : i32
    %div3A_28 = vector.broadcast %div3A_27 : i32 to vector<16xi32>
    %div3A_29 = arith.divsi %add3A_26, %div3A_28 : vector<16xi32>
    %swap3A_30 = arith.constant 0 : index
    %swap3A_31 = tpu.vector_load %arg8[%swap3A_30] {strides = array<i32>} : memref<16xi32, #tpu.memory_space<vmem>>, vector<16xi32>,
    tpu.vector_store %arg8[%swap3A_30], %div3A_29 {strides = array<i32>} : memref<16xi32, #tpu.memory_space<vmem>>, vector<16xi32>,
    %dma_start3A_32 = arith.constant 0 : i32
    %dma_start3A_33 = tpu.memref_slice %arg3[%dma_start3A_32] : memref<52064xi32, #tpu.memory_space<hbm>> -> memref<52064xi32, #tpu.memory_space<hbm>>
    tpu.enqueue_indirect_dma source(%dma_start3A_33 : memref<52064xi32, #tpu.memory_space<hbm>>) target(%arg7 : memref<16xi32, #tpu.memory_space<vmem>>) offsets(%arg8 : memref<16xi32, #tpu.memory_space<vmem>>) semaphore(%arg21 : memref<!tpu.dma_semaphore, #tpu.memory_space<semaphore_mem>>)
    %dma_wait3A_34 = arith.constant 0 : i32
    %dma_wait3A_35 = tpu.memref_slice %arg3[%dma_wait3A_34] : memref<52064xi32, #tpu.memory_space<hbm>> -> memref<52064xi32, #tpu.memory_space<hbm>>
    tpu.wait_indirect_dma semaphore(%arg21 : memref<!tpu.dma_semaphore, #tpu.memory_space<semaphore_mem>>) src(%dma_wait3A_35 : memref<52064xi32, #tpu.memory_space<hbm>>) dst(%arg7 : memref<16xi32, #tpu.memory_space<vmem>>)
    %get3A_36 = arith.constant 0 : index
    %get3A_37 = tpu.vector_load %arg7[%get3A_36] {strides = array<i32>} : memref<16xi32, #tpu.memory_space<vmem>>, vector<16xi32>,
    %lt3A_38 = arith.cmpi slt, %select_n3A_23, %select_n3A_25 : vector<16xi32>
    %lt3A_39 = arith.cmpi slt, %get3A_37, %select_n3A : vector<16xi32>
    %and3A_40 = arith.andi %lt3A_38, %lt3A_39 : vector<16xi1>
    %add3A_41 = arith.constant 1 : i32
    %add3A_42 = vector.broadcast %add3A_41 : i32 to vector<16xi32>
    %add3A_43 = arith.addi %div3A_29, %add3A_42 : vector<16xi32>
    %select_n3A_44 = arith.select %and3A_40, %add3A_43, %select_n3A_23 : vector<16xi1>, vector<16xi32>
    %ge3A_45 = arith.cmpi sge, %get3A_37, %select_n3A : vector<16xi32>
    %and3A_46 = arith.andi %lt3A_38, %ge3A_45 : vector<16xi1>
    %select_n3A_47 = arith.select %and3A_46, %div3A_29, %select_n3A_25 : vector<16xi1>, vector<16xi32>
    %add3A_48 = arith.addi %select_n3A_44, %select_n3A_47 : vector<16xi32>
    %div3A_49 = arith.constant 2 : i32
    %div3A_50 = vector.broadcast %div3A_49 : i32 to vector<16xi32>
    %div3A_51 = arith.divsi %add3A_48, %div3A_50 : vector<16xi32>
    %swap3A_52 = arith.constant 0 : index
    %swap3A_53 = tpu.vector_load %arg8[%swap3A_52] {strides = array<i32>} : memref<16xi32, #tpu.memory_space<vmem>>, vector<16xi32>,
    tpu.vector_store %arg8[%swap3A_52], %div3A_51 {strides = array<i32>} : memref<16xi32, #tpu.memory_space<vmem>>, vector<16xi32>,
    %dma_start3A_54 = arith.constant 0 : i32
    %dma_start3A_55 = tpu.memref_slice %arg3[%dma_start3A_54] : memref<52064xi32, #tpu.memory_space<hbm>> -> memref<52064xi32, #tpu.memory_space<hbm>>
    tpu.enqueue_indirect_dma source(%dma_start3A_55 : memref<52064xi32, #tpu.memory_space<hbm>>) target(%arg7 : memref<16xi32, #tpu.memory_space<vmem>>) offsets(%arg8 : memref<16xi32, #tpu.memory_space<vmem>>) semaphore(%arg21 : memref<!tpu.dma_semaphore, #tpu.memory_space<semaphore_mem>>)
    %dma_wait3A_56 = arith.constant 0 : i32
    %dma_wait3A_57 = tpu.memref_slice %arg3[%dma_wait3A_56] : memref<52064xi32, #tpu.memory_space<hbm>> -> memref<52064xi32, #tpu.memory_space<hbm>>
    tpu.wait_indirect_dma semaphore(%arg21 : memref<!tpu.dma_semaphore, #tpu.memory_space<semaphore_mem>>) src(%dma_wait3A_57 : memref<52064xi32, #tpu.memory_space<hbm>>) dst(%arg7 : memref<16xi32, #tpu.memory_space<vmem>>)
    %get3A_58 = arith.constant 0 : index
    %get3A_59 = tpu.vector_load %arg7[%get3A_58] {strides = array<i32>} : memref<16xi32, #tpu.memory_space<vmem>>, vector<16xi32>,
    %lt3A_60 = arith.cmpi slt, %select_n3A_44, %select_n3A_47 : vector<16xi32>
    %lt3A_61 = arith.cmpi slt, %get3A_59, %select_n3A : vector<16xi32>
    %and3A_62 = arith.andi %lt3A_60, %lt3A_61 : vector<16xi1>
    %add3A_63 = arith.constant 1 : i32
    %add3A_64 = vector.broadcast %add3A_63 : i32 to vector<16xi32>
    %add3A_65 = arith.addi %div3A_51, %add3A_64 : vector<16xi32>
    %select_n3A_66 = arith.select %and3A_62, %add3A_65, %select_n3A_44 : vector<16xi1>, vector<16xi32>
    %ge3A_67 = arith.cmpi sge, %get3A_59, %select_n3A : vector<16xi32>
    %and3A_68 = arith.andi %lt3A_60, %ge3A_67 : vector<16xi1>
    %select_n3A_69 = arith.select %and3A_68, %div3A_51, %select_n3A_47 : vector<16xi1>, vector<16xi32>
    %add3A_70 = arith.addi %select_n3A_66, %select_n3A_69 : vector<16xi32>
    %div3A_71 = arith.constant 2 : i32
    %div3A_72 = vector.broadcast %div3A_71 : i32 to vector<16xi32>
    %div3A_73 = arith.divsi %add3A_70, %div3A_72 : vector<16xi32>
    %swap3A_74 = arith.constant 0 : index
    %swap3A_75 = tpu.vector_load %arg8[%swap3A_74] {strides = array<i32>} : memref<16xi32, #tpu.memory_space<vmem>>, vector<16xi32>,
    tpu.vector_store %arg8[%swap3A_74], %div3A_73 {strides = array<i32>} : memref<16xi32, #tpu.memory_space<vmem>>, vector<16xi32>,
    %dma_start3A_76 = arith.constant 0 : i32
    %dma_start3A_77 = tpu.memref_slice %arg3[%dma_start3A_76] : memref<52064xi32, #tpu.memory_space<hbm>> -> memref<52064xi32, #tpu.memory_space<hbm>>
    tpu.enqueue_indirect_dma source(%dma_start3A_77 : memref<52064xi32, #tpu.memory_space<hbm>>) target(%arg7 : memref<16xi32, #tpu.memory_space<vmem>>) offsets(%arg8 : memref<16xi32, #tpu.memory_space<vmem>>) semaphore(%arg21 : memref<!tpu.dma_semaphore, #tpu.memory_space<semaphore_mem>>)
    %dma_wait3A_78 = arith.constant 0 : i32
    %dma_wait3A_79 = tpu.memref_slice %arg3[%dma_wait3A_78] : memref<52064xi32, #tpu.memory_space<hbm>> -> memref<52064xi32, #tpu.memory_space<hbm>>
    tpu.wait_indirect_dma semaphore(%arg21 : memref<!tpu.dma_semaphore, #tpu.memory_space<semaphore_mem>>) src(%dma_wait3A_79 : memref<52064xi32, #tpu.memory_space<hbm>>) dst(%arg7 : memref<16xi32, #tpu.memory_space<vmem>>)
    %get3A_80 = arith.constant 0 : index
    %get3A_81 = tpu.vector_load %arg7[%get3A_80] {strides = array<i32>} : memref<16xi32, #tpu.memory_space<vmem>>, vector<16xi32>,
    %lt3A_82 = arith.cmpi slt, %select_n3A_66, %select_n3A_69 : vector<16xi32>
    %lt3A_83 = arith.cmpi slt, %get3A_81, %select_n3A : vector<16xi32>
    %and3A_84 = arith.andi %lt3A_82, %lt3A_83 : vector<16xi1>
    %add3A_85 = arith.constant 1 : i32
    %add3A_86 = vector.broadcast %add3A_85 : i32 to vector<16xi32>
    %add3A_87 = arith.addi %div3A_73, %add3A_86 : vector<16xi32>
    %select_n3A_88 = arith.select %and3A_84, %add3A_87, %select_n3A_66 : vector<16xi1>, vector<16xi32>
    %ge3A_89 = arith.cmpi sge, %get3A_81, %select_n3A : vector<16xi32>
    %and3A_90 = arith.andi %lt3A_82, %ge3A_89 : vector<16xi1>
    %select_n3A_91 = arith.select %and3A_90, %div3A_73, %select_n3A_69 : vector<16xi1>, vector<16xi32>
    %add3A_92 = arith.addi %select_n3A_88, %select_n3A_91 : vector<16xi32>
    %div3A_93 = arith.constant 2 : i32
    %div3A_94 = vector.broadcast %div3A_93 : i32 to vector<16xi32>
    %div3A_95 = arith.divsi %add3A_92, %div3A_94 : vector<16xi32>
    %swap3A_96 = arith.constant 0 : index
    %swap3A_97 = tpu.vector_load %arg8[%swap3A_96] {strides = array<i32>} : memref<16xi32, #tpu.memory_space<vmem>>, vector<16xi32>,
    tpu.vector_store %arg8[%swap3A_96], %div3A_95 {strides = array<i32>} : memref<16xi32, #tpu.memory_space<vmem>>, vector<16xi32>,
    %dma_start3A_98 = arith.constant 0 : i32
    %dma_start3A_99 = tpu.memref_slice %arg3[%dma_start3A_98] : memref<52064xi32, #tpu.memory_space<hbm>> -> memref<52064xi32, #tpu.memory_space<hbm>>
    tpu.enqueue_indirect_dma source(%dma_start3A_99 : memref<52064xi32, #tpu.memory_space<hbm>>) target(%arg7 : memref<16xi32, #tpu.memory_space<vmem>>) offsets(%arg8 : memref<16xi32, #tpu.memory_space<vmem>>) semaphore(%arg21 : memref<!tpu.dma_semaphore, #tpu.memory_space<semaphore_mem>>)
    %dma_wait3A_100 = arith.constant 0 : i32
    %dma_wait3A_101 = tpu.memref_slice %arg3[%dma_wait3A_100] : memref<52064xi32, #tpu.memory_space<hbm>> -> memref<52064xi32, #tpu.memory_space<hbm>>
    tpu.wait_indirect_dma semaphore(%arg21 : memref<!tpu.dma_semaphore, #tpu.memory_space<semaphore_mem>>) src(%dma_wait3A_101 : memref<52064xi32, #tpu.memory_space<hbm>>) dst(%arg7 : memref<16xi32, #tpu.memory_space<vmem>>)
    %get3A_102 = arith.constant 0 : index
    %get3A_103 = tpu.vector_load %arg7[%get3A_102] {strides = array<i32>} : memref<16xi32, #tpu.memory_space<vmem>>, vector<16xi32>,
    %lt3A_104 = arith.cmpi slt, %select_n3A_88, %select_n3A_91 : vector<16xi32>
    %lt3A_105 = arith.cmpi slt, %get3A_103, %select_n3A : vector<16xi32>
    %and3A_106 = arith.andi %lt3A_104, %lt3A_105 : vector<16xi1>
    %add3A_107 = arith.constant 1 : i32
    %add3A_108 = vector.broadcast %add3A_107 : i32 to vector<16xi32>
    %add3A_109 = arith.addi %div3A_95, %add3A_108 : vector<16xi32>
    %select_n3A_110 = arith.select %and3A_106, %add3A_109, %select_n3A_88 : vector<16xi1>, vector<16xi32>
    %ge3A_111 = arith.cmpi sge, %get3A_103, %select_n3A : vector<16xi32>
    %and3A_112 = arith.andi %lt3A_104, %ge3A_111 : vector<16xi1>
    %select_n3A_113 = arith.select %and3A_112, %div3A_95, %select_n3A_91 : vector<16xi1>, vector<16xi32>
    %add3A_114 = arith.addi %select_n3A_110, %select_n3A_113 : vector<16xi32>
    %div3A_115 = arith.constant 2 : i32
    %div3A_116 = vector.broadcast %div3A_115 : i32 to vector<16xi32>
    %div3A_117 = arith.divsi %add3A_114, %div3A_116 : vector<16xi32>
    %swap3A_118 = arith.constant 0 : index
    %swap3A_119 = tpu.vector_load %arg8[%swap3A_118] {strides = array<i32>} : memref<16xi32, #tpu.memory_space<vmem>>, vector<16xi32>,
    tpu.vector_store %arg8[%swap3A_118], %div3A_117 {strides = array<i32>} : memref<16xi32, #tpu.memory_space<vmem>>, vector<16xi32>,
    %dma_start3A_120 = arith.constant 0 : i32
    %dma_start3A_121 = tpu.memref_slice %arg3[%dma_start3A_120] : memref<52064xi32, #tpu.memory_space<hbm>> -> memref<52064xi32, #tpu.memory_space<hbm>>
    tpu.enqueue_indirect_dma source(%dma_start3A_121 : memref<52064xi32, #tpu.memory_space<hbm>>) target(%arg7 : memref<16xi32, #tpu.memory_space<vmem>>) offsets(%arg8 : memref<16xi32, #tpu.memory_space<vmem>>) semaphore(%arg21 : memref<!tpu.dma_semaphore, #tpu.memory_space<semaphore_mem>>)
    %dma_wait3A_122 = arith.constant 0 : i32
    %dma_wait3A_123 = tpu.memref_slice %arg3[%dma_wait3A_122] : memref<52064xi32, #tpu.memory_space<hbm>> -> memref<52064xi32, #tpu.memory_space<hbm>>
    tpu.wait_indirect_dma semaphore(%arg21 : memref<!tpu.dma_semaphore, #tpu.memory_space<semaphore_mem>>) src(%dma_wait3A_123 : memref<52064xi32, #tpu.memory_space<hbm>>) dst(%arg7 : memref<16xi32, #tpu.memory_space<vmem>>)
    %get3A_124 = arith.constant 0 : index
    %get3A_125 = tpu.vector_load %arg7[%get3A_124] {strides = array<i32>} : memref<16xi32, #tpu.memory_space<vmem>>, vector<16xi32>,
    %lt3A_126 = arith.cmpi slt, %select_n3A_110, %select_n3A_113 : vector<16xi32>
    %lt3A_127 = arith.cmpi slt, %get3A_125, %select_n3A : vector<16xi32>
    %and3A_128 = arith.andi %lt3A_126, %lt3A_127 : vector<16xi1>
    %add3A_129 = arith.constant 1 : i32
    %add3A_130 = vector.broadcast %add3A_129 : i32 to vector<16xi32>
    %add3A_131 = arith.addi %div3A_117, %add3A_130 : vector<16xi32>
    %select_n3A_132 = arith.select %and3A_128, %add3A_131, %select_n3A_110 : vector<16xi1>, vector<16xi32>
    %ge3A_133 = arith.cmpi sge, %get3A_125, %select_n3A : vector<16xi32>
    %and3A_134 = arith.andi %lt3A_126, %ge3A_133 : vector<16xi1>
    %select_n3A_135 = arith.select %and3A_134, %div3A_117, %select_n3A_113 : vector<16xi1>, vector<16xi32>
    %add3A_136 = arith.addi %select_n3A_132, %select_n3A_135 : vector<16xi32>
    %div3A_137 = arith.constant 2 : i32
    %div3A_138 = vector.broadcast %div3A_137 : i32 to vector<16xi32>
    %div3A_139 = arith.divsi %add3A_136, %div3A_138 : vector<16xi32>
    %swap3A_140 = arith.constant 0 : index
    %swap3A_141 = tpu.vector_load %arg8[%swap3A_140] {strides = array<i32>} : memref<16xi32, #tpu.memory_space<vmem>>, vector<16xi32>,
    tpu.vector_store %arg8[%swap3A_140], %div3A_139 {strides = array<i32>} : memref<16xi32, #tpu.memory_space<vmem>>, vector<16xi32>,
    %dma_start3A_142 = arith.constant 0 : i32
    %dma_start3A_143 = tpu.memref_slice %arg3[%dma_start3A_142] : memref<52064xi32, #tpu.memory_space<hbm>> -> memref<52064xi32, #tpu.memory_space<hbm>>
    tpu.enqueue_indirect_dma source(%dma_start3A_143 : memref<52064xi32, #tpu.memory_space<hbm>>) target(%arg7 : memref<16xi32, #tpu.memory_space<vmem>>) offsets(%arg8 : memref<16xi32, #tpu.memory_space<vmem>>) semaphore(%arg21 : memref<!tpu.dma_semaphore, #tpu.memory_space<semaphore_mem>>)
    %dma_wait3A_144 = arith.constant 0 : i32
    %dma_wait3A_145 = tpu.memref_slice %arg3[%dma_wait3A_144] : memref<52064xi32, #tpu.memory_space<hbm>> -> memref<52064xi32, #tpu.memory_space<hbm>>
    tpu.wait_indirect_dma semaphore(%arg21 : memref<!tpu.dma_semaphore, #tpu.memory_space<semaphore_mem>>) src(%dma_wait3A_145 : memref<52064xi32, #tpu.memory_space<hbm>>) dst(%arg7 : memref<16xi32, #tpu.memory_space<vmem>>)
    %get3A_146 = arith.constant 0 : index
    %get3A_147 = tpu.vector_load %arg7[%get3A_146] {strides = array<i32>} : memref<16xi32, #tpu.memory_space<vmem>>, vector<16xi32>,
    %lt3A_148 = arith.cmpi slt, %select_n3A_132, %select_n3A_135 : vector<16xi32>
    %lt3A_149 = arith.cmpi slt, %get3A_147, %select_n3A : vector<16xi32>
    %and3A_150 = arith.andi %lt3A_148, %lt3A_149 : vector<16xi1>
    %add3A_151 = arith.constant 1 : i32
    %add3A_152 = vector.broadcast %add3A_151 : i32 to vector<16xi32>
    %add3A_153 = arith.addi %div3A_139, %add3A_152 : vector<16xi32>
    %select_n3A_154 = arith.select %and3A_150, %add3A_153, %select_n3A_132 : vector<16xi1>, vector<16xi32>
    %ge3A_155 = arith.cmpi sge, %get3A_147, %select_n3A : vector<16xi32>
    %and3A_156 = arith.andi %lt3A_148, %ge3A_155 : vector<16xi1>
    %select_n3A_157 = arith.select %and3A_156, %div3A_139, %select_n3A_135 : vector<16xi1>, vector<16xi32>
    %add3A_158 = arith.addi %select_n3A_154, %select_n3A_157 : vector<16xi32>
    %div3A_159 = arith.constant 2 : i32
    %div3A_160 = vector.broadcast %div3A_159 : i32 to vector<16xi32>
    %div3A_161 = arith.divsi %add3A_158, %div3A_160 : vector<16xi32>
    %swap3A_162 = arith.constant 0 : index
    %swap3A_163 = tpu.vector_load %arg8[%swap3A_162] {strides = array<i32>} : memref<16xi32, #tpu.memory_space<vmem>>, vector<16xi32>,
    tpu.vector_store %arg8[%swap3A_162], %div3A_161 {strides = array<i32>} : memref<16xi32, #tpu.memory_space<vmem>>, vector<16xi32>,
    %dma_start3A_164 = arith.constant 0 : i32
    %dma_start3A_165 = tpu.memref_slice %arg3[%dma_start3A_164] : memref<52064xi32, #tpu.memory_space<hbm>> -> memref<52064xi32, #tpu.memory_space<hbm>>
    tpu.enqueue_indirect_dma source(%dma_start3A_165 : memref<52064xi32, #tpu.memory_space<hbm>>) target(%arg7 : memref<16xi32, #tpu.memory_space<vmem>>) offsets(%arg8 : memref<16xi32, #tpu.memory_space<vmem>>) semaphore(%arg21 : memref<!tpu.dma_semaphore, #tpu.memory_space<semaphore_mem>>)
    %dma_wait3A_166 = arith.constant 0 : i32
    %dma_wait3A_167 = tpu.memref_slice %arg3[%dma_wait3A_166] : memref<52064xi32, #tpu.memory_space<hbm>> -> memref<52064xi32, #tpu.memory_space<hbm>>
    tpu.wait_indirect_dma semaphore(%arg21 : memref<!tpu.dma_semaphore, #tpu.memory_space<semaphore_mem>>) src(%dma_wait3A_167 : memref<52064xi32, #tpu.memory_space<hbm>>) dst(%arg7 : memref<16xi32, #tpu.memory_space<vmem>>)
    %get3A_168 = arith.constant 0 : index
    %get3A_169 = tpu.vector_load %arg7[%get3A_168] {strides = array<i32>} : memref<16xi32, #tpu.memory_space<vmem>>, vector<16xi32>,
    %lt3A_170 = arith.cmpi slt, %select_n3A_154, %select_n3A_157 : vector<16xi32>
    %lt3A_171 = arith.cmpi slt, %get3A_169, %select_n3A : vector<16xi32>
    %and3A_172 = arith.andi %lt3A_170, %lt3A_171 : vector<16xi1>
    %add3A_173 = arith.constant 1 : i32
    %add3A_174 = vector.broadcast %add3A_173 : i32 to vector<16xi32>
    %add3A_175 = arith.addi %div3A_161, %add3A_174 : vector<16xi32>
    %select_n3A_176 = arith.select %and3A_172, %add3A_175, %select_n3A_154 : vector<16xi1>, vector<16xi32>
    %ge3A_177 = arith.cmpi sge, %get3A_169, %select_n3A : vector<16xi32>
    %and3A_178 = arith.andi %lt3A_170, %ge3A_177 : vector<16xi1>
    %select_n3A_179 = arith.select %and3A_178, %div3A_161, %select_n3A_157 : vector<16xi1>, vector<16xi32>
    %add3A_180 = arith.addi %select_n3A_176, %select_n3A_179 : vector<16xi32>
    %div3A_181 = arith.constant 2 : i32
    %div3A_182 = vector.broadcast %div3A_181 : i32 to vector<16xi32>
    %div3A_183 = arith.divsi %add3A_180, %div3A_182 : vector<16xi32>
    %swap3A_184 = arith.constant 0 : index
    %swap3A_185 = tpu.vector_load %arg8[%swap3A_184] {strides = array<i32>} : memref<16xi32, #tpu.memory_space<vmem>>, vector<16xi32>,
    tpu.vector_store %arg8[%swap3A_184], %div3A_183 {strides = array<i32>} : memref<16xi32, #tpu.memory_space<vmem>>, vector<16xi32>,
    %dma_start3A_186 = arith.constant 0 : i32
    %dma_start3A_187 = tpu.memref_slice %arg3[%dma_start3A_186] : memref<52064xi32, #tpu.memory_space<hbm>> -> memref<52064xi32, #tpu.memory_space<hbm>>
    tpu.enqueue_indirect_dma source(%dma_start3A_187 : memref<52064xi32, #tpu.memory_space<hbm>>) target(%arg7 : memref<16xi32, #tpu.memory_space<vmem>>) offsets(%arg8 : memref<16xi32, #tpu.memory_space<vmem>>) semaphore(%arg21 : memref<!tpu.dma_semaphore, #tpu.memory_space<semaphore_mem>>)
    %dma_wait3A_188 = arith.constant 0 : i32
    %dma_wait3A_189 = tpu.memref_slice %arg3[%dma_wait3A_188] : memref<52064xi32, #tpu.memory_space<hbm>> -> memref<52064xi32, #tpu.memory_space<hbm>>
    tpu.wait_indirect_dma semaphore(%arg21 : memref<!tpu.dma_semaphore, #tpu.memory_space<semaphore_mem>>) src(%dma_wait3A_189 : memref<52064xi32, #tpu.memory_space<hbm>>) dst(%arg7 : memref<16xi32, #tpu.memory_space<vmem>>)
    %get3A_190 = arith.constant 0 : index
    %get3A_191 = tpu.vector_load %arg7[%get3A_190] {strides = array<i32>} : memref<16xi32, #tpu.memory_space<vmem>>, vector<16xi32>,
    %lt3A_192 = arith.cmpi slt, %select_n3A_176, %select_n3A_179 : vector<16xi32>
    %lt3A_193 = arith.cmpi slt, %get3A_191, %select_n3A : vector<16xi32>
    %and3A_194 = arith.andi %lt3A_192, %lt3A_193 : vector<16xi1>
    %add3A_195 = arith.constant 1 : i32
    %add3A_196 = vector.broadcast %add3A_195 : i32 to vector<16xi32>
    %add3A_197 = arith.addi %div3A_183, %add3A_196 : vector<16xi32>
    %select_n3A_198 = arith.select %and3A_194, %add3A_197, %select_n3A_176 : vector<16xi1>, vector<16xi32>
    %ge3A_199 = arith.cmpi sge, %get3A_191, %select_n3A : vector<16xi32>
    %and3A_200 = arith.andi %lt3A_192, %ge3A_199 : vector<16xi1>
    %select_n3A_201 = arith.select %and3A_200, %div3A_183, %select_n3A_179 : vector<16xi1>, vector<16xi32>
    %add3A_202 = arith.addi %select_n3A_198, %select_n3A_201 : vector<16xi32>
    %div3A_203 = arith.constant 2 : i32
    %div3A_204 = vector.broadcast %div3A_203 : i32 to vector<16xi32>
    %div3A_205 = arith.divsi %add3A_202, %div3A_204 : vector<16xi32>
    %swap3A_206 = arith.constant 0 : index
    %swap3A_207 = tpu.vector_load %arg8[%swap3A_206] {strides = array<i32>} : memref<16xi32, #tpu.memory_space<vmem>>, vector<16xi32>,
    tpu.vector_store %arg8[%swap3A_206], %div3A_205 {strides = array<i32>} : memref<16xi32, #tpu.memory_space<vmem>>, vector<16xi32>,
    %dma_start3A_208 = arith.constant 0 : i32
    %dma_start3A_209 = tpu.memref_slice %arg3[%dma_start3A_208] : memref<52064xi32, #tpu.memory_space<hbm>> -> memref<52064xi32, #tpu.memory_space<hbm>>
    tpu.enqueue_indirect_dma source(%dma_start3A_209 : memref<52064xi32, #tpu.memory_space<hbm>>) target(%arg7 : memref<16xi32, #tpu.memory_space<vmem>>) offsets(%arg8 : memref<16xi32, #tpu.memory_space<vmem>>) semaphore(%arg21 : memref<!tpu.dma_semaphore, #tpu.memory_space<semaphore_mem>>)
    %dma_wait3A_210 = arith.constant 0 : i32
    %dma_wait3A_211 = tpu.memref_slice %arg3[%dma_wait3A_210] : memref<52064xi32, #tpu.memory_space<hbm>> -> memref<52064xi32, #tpu.memory_space<hbm>>
    tpu.wait_indirect_dma semaphore(%arg21 : memref<!tpu.dma_semaphore, #tpu.memory_space<semaphore_mem>>) src(%dma_wait3A_211 : memref<52064xi32, #tpu.memory_space<hbm>>) dst(%arg7 : memref<16xi32, #tpu.memory_space<vmem>>)
    %get3A_212 = arith.constant 0 : index
    %get3A_213 = tpu.vector_load %arg7[%get3A_212] {strides = array<i32>} : memref<16xi32, #tpu.memory_space<vmem>>, vector<16xi32>,
    %lt3A_214 = arith.cmpi slt, %select_n3A_198, %select_n3A_201 : vector<16xi32>
    %lt3A_215 = arith.cmpi slt, %get3A_213, %select_n3A : vector<16xi32>
    %and3A_216 = arith.andi %lt3A_214, %lt3A_215 : vector<16xi1>
    %add3A_217 = arith.constant 1 : i32
    %add3A_218 = vector.broadcast %add3A_217 : i32 to vector<16xi32>
    %add3A_219 = arith.addi %div3A_205, %add3A_218 : vector<16xi32>
    %select_n3A_220 = arith.select %and3A_216, %add3A_219, %select_n3A_198 : vector<16xi1>, vector<16xi32>
    %ge3A_221 = arith.cmpi sge, %get3A_213, %select_n3A : vector<16xi32>
    %and3A_222 = arith.andi %lt3A_214, %ge3A_221 : vector<16xi1>
    %select_n3A_223 = arith.select %and3A_222, %div3A_205, %select_n3A_201 : vector<16xi1>, vector<16xi32>
    %add3A_224 = arith.addi %select_n3A_220, %select_n3A_223 : vector<16xi32>
    %div3A_225 = arith.constant 2 : i32
    %div3A_226 = vector.broadcast %div3A_225 : i32 to vector<16xi32>
    %div3A_227 = arith.divsi %add3A_224, %div3A_226 : vector<16xi32>
    %swap3A_228 = arith.constant 0 : index
    %swap3A_229 = tpu.vector_load %arg8[%swap3A_228] {strides = array<i32>} : memref<16xi32, #tpu.memory_space<vmem>>, vector<16xi32>,
    tpu.vector_store %arg8[%swap3A_228], %div3A_227 {strides = array<i32>} : memref<16xi32, #tpu.memory_space<vmem>>, vector<16xi32>,
    %dma_start3A_230 = arith.constant 0 : i32
    %dma_start3A_231 = tpu.memref_slice %arg3[%dma_start3A_230] : memref<52064xi32, #tpu.memory_space<hbm>> -> memref<52064xi32, #tpu.memory_space<hbm>>
    tpu.enqueue_indirect_dma source(%dma_start3A_231 : memref<52064xi32, #tpu.memory_space<hbm>>) target(%arg7 : memref<16xi32, #tpu.memory_space<vmem>>) offsets(%arg8 : memref<16xi32, #tpu.memory_space<vmem>>) semaphore(%arg21 : memref<!tpu.dma_semaphore, #tpu.memory_space<semaphore_mem>>)
    %dma_wait3A_232 = arith.constant 0 : i32
    %dma_wait3A_233 = tpu.memref_slice %arg3[%dma_wait3A_232] : memref<52064xi32, #tpu.memory_space<hbm>> -> memref<52064xi32, #tpu.memory_space<hbm>>
    tpu.wait_indirect_dma semaphore(%arg21 : memref<!tpu.dma_semaphore, #tpu.memory_space<semaphore_mem>>) src(%dma_wait3A_233 : memref<52064xi32, #tpu.memory_space<hbm>>) dst(%arg7 : memref<16xi32, #tpu.memory_space<vmem>>)
    %get3A_234 = arith.constant 0 : index
    %get3A_235 = tpu.vector_load %arg7[%get3A_234] {strides = array<i32>} : memref<16xi32, #tpu.memory_space<vmem>>, vector<16xi32>,
    %lt3A_236 = arith.cmpi slt, %select_n3A_220, %select_n3A_223 : vector<16xi32>
    %lt3A_237 = arith.cmpi slt, %get3A_235, %select_n3A : vector<16xi32>
    %and3A_238 = arith.andi %lt3A_236, %lt3A_237 : vector<16xi1>
    %add3A_239 = arith.constant 1 : i32
    %add3A_240 = vector.broadcast %add3A_239 : i32 to vector<16xi32>
    %add3A_241 = arith.addi %div3A_227, %add3A_240 : vector<16xi32>
    %select_n3A_242 = arith.select %and3A_238, %add3A_241, %select_n3A_220 : vector<16xi1>, vector<16xi32>
    %ge3A_243 = arith.cmpi sge, %get3A_235, %select_n3A : vector<16xi32>
    %and3A_244 = arith.andi %lt3A_236, %ge3A_243 : vector<16xi1>
    %select_n3A_245 = arith.select %and3A_244, %div3A_227, %select_n3A_223 : vector<16xi1>, vector<16xi32>
    %add3A_246 = arith.addi %select_n3A_242, %select_n3A_245 : vector<16xi32>
    %div3A_247 = arith.constant 2 : i32
    %div3A_248 = vector.broadcast %div3A_247 : i32 to vector<16xi32>
    %div3A_249 = arith.divsi %add3A_246, %div3A_248 : vector<16xi32>
    %swap3A_250 = arith.constant 0 : index
    %swap3A_251 = tpu.vector_load %arg8[%swap3A_250] {strides = array<i32>} : memref<16xi32, #tpu.memory_space<vmem>>, vector<16xi32>,
    tpu.vector_store %arg8[%swap3A_250], %div3A_249 {strides = array<i32>} : memref<16xi32, #tpu.memory_space<vmem>>, vector<16xi32>,
    %dma_start3A_252 = arith.constant 0 : i32
    %dma_start3A_253 = tpu.memref_slice %arg3[%dma_start3A_252] : memref<52064xi32, #tpu.memory_space<hbm>> -> memref<52064xi32, #tpu.memory_space<hbm>>
    tpu.enqueue_indirect_dma source(%dma_start3A_253 : memref<52064xi32, #tpu.memory_space<hbm>>) target(%arg7 : memref<16xi32, #tpu.memory_space<vmem>>) offsets(%arg8 : memref<16xi32, #tpu.memory_space<vmem>>) semaphore(%arg21 : memref<!tpu.dma_semaphore, #tpu.memory_space<semaphore_mem>>)
    %dma_wait3A_254 = arith.constant 0 : i32
    %dma_wait3A_255 = tpu.memref_slice %arg3[%dma_wait3A_254] : memref<52064xi32, #tpu.memory_space<hbm>> -> memref<52064xi32, #tpu.memory_space<hbm>>
    tpu.wait_indirect_dma semaphore(%arg21 : memref<!tpu.dma_semaphore, #tpu.memory_space<semaphore_mem>>) src(%dma_wait3A_255 : memref<52064xi32, #tpu.memory_space<hbm>>) dst(%arg7 : memref<16xi32, #tpu.memory_space<vmem>>)
    %get3A_256 = arith.constant 0 : index
    %get3A_257 = tpu.vector_load %arg7[%get3A_256] {strides = array<i32>} : memref<16xi32, #tpu.memory_space<vmem>>, vector<16xi32>,
    %lt3A_258 = arith.cmpi slt, %select_n3A_242, %select_n3A_245 : vector<16xi32>
    %lt3A_259 = arith.cmpi slt, %get3A_257, %select_n3A : vector<16xi32>
    %and3A_260 = arith.andi %lt3A_258, %lt3A_259 : vector<16xi1>
    %add3A_261 = arith.constant 1 : i32
    %add3A_262 = vector.broadcast %add3A_261 : i32 to vector<16xi32>
    %add3A_263 = arith.addi %div3A_249, %add3A_262 : vector<16xi32>
    %select_n3A_264 = arith.select %and3A_260, %add3A_263, %select_n3A_242 : vector<16xi1>, vector<16xi32>
    %ge3A_265 = arith.cmpi sge, %get3A_257, %select_n3A : vector<16xi32>
    %and3A_266 = arith.andi %lt3A_258, %ge3A_265 : vector<16xi1>
    %select_n3A_267 = arith.select %and3A_266, %div3A_249, %select_n3A_245 : vector<16xi1>, vector<16xi32>
    %add3A_268 = arith.addi %select_n3A_264, %select_n3A_267 : vector<16xi32>
    %div3A_269 = arith.constant 2 : i32
    %div3A_270 = vector.broadcast %div3A_269 : i32 to vector<16xi32>
    %div3A_271 = arith.divsi %add3A_268, %div3A_270 : vector<16xi32>
    %swap3A_272 = arith.constant 0 : index
    %swap3A_273 = tpu.vector_load %arg8[%swap3A_272] {strides = array<i32>} : memref<16xi32, #tpu.memory_space<vmem>>, vector<16xi32>,
    tpu.vector_store %arg8[%swap3A_272], %div3A_271 {strides = array<i32>} : memref<16xi32, #tpu.memory_space<vmem>>, vector<16xi32>,
    %dma_start3A_274 = arith.constant 0 : i32
    %dma_start3A_275 = tpu.memref_slice %arg3[%dma_start3A_274] : memref<52064xi32, #tpu.memory_space<hbm>> -> memref<52064xi32, #tpu.memory_space<hbm>>
    tpu.enqueue_indirect_dma source(%dma_start3A_275 : memref<52064xi32, #tpu.memory_space<hbm>>) target(%arg7 : memref<16xi32, #tpu.memory_space<vmem>>) offsets(%arg8 : memref<16xi32, #tpu.memory_space<vmem>>) semaphore(%arg21 : memref<!tpu.dma_semaphore, #tpu.memory_space<semaphore_mem>>)
    %dma_wait3A_276 = arith.constant 0 : i32
    %dma_wait3A_277 = tpu.memref_slice %arg3[%dma_wait3A_276] : memref<52064xi32, #tpu.memory_space<hbm>> -> memref<52064xi32, #tpu.memory_space<hbm>>
    tpu.wait_indirect_dma semaphore(%arg21 : memref<!tpu.dma_semaphore, #tpu.memory_space<semaphore_mem>>) src(%dma_wait3A_277 : memref<52064xi32, #tpu.memory_space<hbm>>) dst(%arg7 : memref<16xi32, #tpu.memory_space<vmem>>)
    %get3A_278 = arith.constant 0 : index
    %get3A_279 = tpu.vector_load %arg7[%get3A_278] {strides = array<i32>} : memref<16xi32, #tpu.memory_space<vmem>>, vector<16xi32>,
    %lt3A_280 = arith.cmpi slt, %select_n3A_264, %select_n3A_267 : vector<16xi32>
    %lt3A_281 = arith.cmpi slt, %get3A_279, %select_n3A : vector<16xi32>
    %and3A_282 = arith.andi %lt3A_280, %lt3A_281 : vector<16xi1>
    %add3A_283 = arith.constant 1 : i32
    %add3A_284 = vector.broadcast %add3A_283 : i32 to vector<16xi32>
    %add3A_285 = arith.addi %div3A_271, %add3A_284 : vector<16xi32>
    %select_n3A_286 = arith.select %and3A_282, %add3A_285, %select_n3A_264 : vector<16xi1>, vector<16xi32>
    %ge3A_287 = arith.cmpi sge, %get3A_279, %select_n3A : vector<16xi32>
    %and3A_288 = arith.andi %lt3A_280, %ge3A_287 : vector<16xi1>
    %select_n3A_289 = arith.select %and3A_288, %div3A_271, %select_n3A_267 : vector<16xi1>, vector<16xi32>
    %add3A_290 = arith.addi %select_n3A_286, %select_n3A_289 : vector<16xi32>
    %div3A_291 = arith.constant 2 : i32
    %div3A_292 = vector.broadcast %div3A_291 : i32 to vector<16xi32>
    %div3A_293 = arith.divsi %add3A_290, %div3A_292 : vector<16xi32>
    %swap3A_294 = arith.constant 0 : index
    %swap3A_295 = tpu.vector_load %arg8[%swap3A_294] {strides = array<i32>} : memref<16xi32, #tpu.memory_space<vmem>>, vector<16xi32>,
    tpu.vector_store %arg8[%swap3A_294], %div3A_293 {strides = array<i32>} : memref<16xi32, #tpu.memory_space<vmem>>, vector<16xi32>,
    %dma_start3A_296 = arith.constant 0 : i32
    %dma_start3A_297 = tpu.memref_slice %arg3[%dma_start3A_296] : memref<52064xi32, #tpu.memory_space<hbm>> -> memref<52064xi32, #tpu.memory_space<hbm>>
    tpu.enqueue_indirect_dma source(%dma_start3A_297 : memref<52064xi32, #tpu.memory_space<hbm>>) target(%arg7 : memref<16xi32, #tpu.memory_space<vmem>>) offsets(%arg8 : memref<16xi32, #tpu.memory_space<vmem>>) semaphore(%arg21 : memref<!tpu.dma_semaphore, #tpu.memory_space<semaphore_mem>>)
    %dma_wait3A_298 = arith.constant 0 : i32
    %dma_wait3A_299 = tpu.memref_slice %arg3[%dma_wait3A_298] : memref<52064xi32, #tpu.memory_space<hbm>> -> memref<52064xi32, #tpu.memory_space<hbm>>
    tpu.wait_indirect_dma semaphore(%arg21 : memref<!tpu.dma_semaphore, #tpu.memory_space<semaphore_mem>>) src(%dma_wait3A_299 : memref<52064xi32, #tpu.memory_space<hbm>>) dst(%arg7 : memref<16xi32, #tpu.memory_space<vmem>>)
    %get3A_300 = arith.constant 0 : index
    %get3A_301 = tpu.vector_load %arg7[%get3A_300] {strides = array<i32>} : memref<16xi32, #tpu.memory_space<vmem>>, vector<16xi32>,
    %lt3A_302 = arith.cmpi slt, %select_n3A_286, %select_n3A_289 : vector<16xi32>
    %lt3A_303 = arith.cmpi slt, %get3A_301, %select_n3A : vector<16xi32>
    %and3A_304 = arith.andi %lt3A_302, %lt3A_303 : vector<16xi1>
    %add3A_305 = arith.constant 1 : i32
    %add3A_306 = vector.broadcast %add3A_305 : i32 to vector<16xi32>
    %add3A_307 = arith.addi %div3A_293, %add3A_306 : vector<16xi32>
    %select_n3A_308 = arith.select %and3A_304, %add3A_307, %select_n3A_286 : vector<16xi1>, vector<16xi32>
    %ge3A_309 = arith.cmpi sge, %get3A_301, %select_n3A : vector<16xi32>
    %and3A_310 = arith.andi %lt3A_302, %ge3A_309 : vector<16xi1>
    %select_n3A_311 = arith.select %and3A_310, %div3A_293, %select_n3A_289 : vector<16xi1>, vector<16xi32>
    %add3A_312 = arith.addi %select_n3A_308, %select_n3A_311 : vector<16xi32>
    %div3A_313 = arith.constant 2 : i32
    %div3A_314 = vector.broadcast %div3A_313 : i32 to vector<16xi32>
    %div3A_315 = arith.divsi %add3A_312, %div3A_314 : vector<16xi32>
    %swap3A_316 = arith.constant 0 : index
    %swap3A_317 = tpu.vector_load %arg8[%swap3A_316] {strides = array<i32>} : memref<16xi32, #tpu.memory_space<vmem>>, vector<16xi32>,
    tpu.vector_store %arg8[%swap3A_316], %div3A_315 {strides = array<i32>} : memref<16xi32, #tpu.memory_space<vmem>>, vector<16xi32>,
    %dma_start3A_318 = arith.constant 0 : i32
    %dma_start3A_319 = tpu.memref_slice %arg3[%dma_start3A_318] : memref<52064xi32, #tpu.memory_space<hbm>> -> memref<52064xi32, #tpu.memory_space<hbm>>
    tpu.enqueue_indirect_dma source(%dma_start3A_319 : memref<52064xi32, #tpu.memory_space<hbm>>) target(%arg7 : memref<16xi32, #tpu.memory_space<vmem>>) offsets(%arg8 : memref<16xi32, #tpu.memory_space<vmem>>) semaphore(%arg21 : memref<!tpu.dma_semaphore, #tpu.memory_space<semaphore_mem>>)
    %dma_wait3A_320 = arith.constant 0 : i32
    %dma_wait3A_321 = tpu.memref_slice %arg3[%dma_wait3A_320] : memref<52064xi32, #tpu.memory_space<hbm>> -> memref<52064xi32, #tpu.memory_space<hbm>>
    tpu.wait_indirect_dma semaphore(%arg21 : memref<!tpu.dma_semaphore, #tpu.memory_space<semaphore_mem>>) src(%dma_wait3A_321 : memref<52064xi32, #tpu.memory_space<hbm>>) dst(%arg7 : memref<16xi32, #tpu.memory_space<vmem>>)
    %get3A_322 = arith.constant 0 : index
    %get3A_323 = tpu.vector_load %arg7[%get3A_322] {strides = array<i32>} : memref<16xi32, #tpu.memory_space<vmem>>, vector<16xi32>,
    %lt3A_324 = arith.cmpi slt, %select_n3A_308, %select_n3A_311 : vector<16xi32>
    %lt3A_325 = arith.cmpi slt, %get3A_323, %select_n3A : vector<16xi32>
    %and3A_326 = arith.andi %lt3A_324, %lt3A_325 : vector<16xi1>
    %add3A_327 = arith.constant 1 : i32
    %add3A_328 = vector.broadcast %add3A_327 : i32 to vector<16xi32>
    %add3A_329 = arith.addi %div3A_315, %add3A_328 : vector<16xi32>
    %select_n3A_330 = arith.select %and3A_326, %add3A_329, %select_n3A_308 : vector<16xi1>, vector<16xi32>
    %ge3A_331 = arith.cmpi sge, %get3A_323, %select_n3A : vector<16xi32>
    %and3A_332 = arith.andi %lt3A_324, %ge3A_331 : vector<16xi1>
    %select_n3A_333 = arith.select %and3A_332, %div3A_315, %select_n3A_311 : vector<16xi1>, vector<16xi32>
    %add3A_334 = arith.addi %select_n3A_330, %select_n3A_333 : vector<16xi32>
    %div3A_335 = arith.constant 2 : i32
    %div3A_336 = vector.broadcast %div3A_335 : i32 to vector<16xi32>
    %div3A_337 = arith.divsi %add3A_334, %div3A_336 : vector<16xi32>
    %swap3A_338 = arith.constant 0 : index
    %swap3A_339 = tpu.vector_load %arg8[%swap3A_338] {strides = array<i32>} : memref<16xi32, #tpu.memory_space<vmem>>, vector<16xi32>,
    tpu.vector_store %arg8[%swap3A_338], %div3A_337 {strides = array<i32>} : memref<16xi32, #tpu.memory_space<vmem>>, vector<16xi32>,
    %dma_start3A_340 = arith.constant 0 : i32
    %dma_start3A_341 = tpu.memref_slice %arg3[%dma_start3A_340] : memref<52064xi32, #tpu.memory_space<hbm>> -> memref<52064xi32, #tpu.memory_space<hbm>>
    tpu.enqueue_indirect_dma source(%dma_start3A_341 : memref<52064xi32, #tpu.memory_space<hbm>>) target(%arg7 : memref<16xi32, #tpu.memory_space<vmem>>) offsets(%arg8 : memref<16xi32, #tpu.memory_space<vmem>>) semaphore(%arg21 : memref<!tpu.dma_semaphore, #tpu.memory_space<semaphore_mem>>)
    %dma_wait3A_342 = arith.constant 0 : i32
    %dma_wait3A_343 = tpu.memref_slice %arg3[%dma_wait3A_342] : memref<52064xi32, #tpu.memory_space<hbm>> -> memref<52064xi32, #tpu.memory_space<hbm>>
    tpu.wait_indirect_dma semaphore(%arg21 : memref<!tpu.dma_semaphore, #tpu.memory_space<semaphore_mem>>) src(%dma_wait3A_343 : memref<52064xi32, #tpu.memory_space<hbm>>) dst(%arg7 : memref<16xi32, #tpu.memory_space<vmem>>)
    %get3A_344 = arith.constant 0 : index
    %get3A_345 = tpu.vector_load %arg7[%get3A_344] {strides = array<i32>} : memref<16xi32, #tpu.memory_space<vmem>>, vector<16xi32>,
    %lt3A_346 = arith.cmpi slt, %select_n3A_330, %select_n3A_333 : vector<16xi32>
    %lt3A_347 = arith.cmpi slt, %get3A_345, %select_n3A : vector<16xi32>
    %and3A_348 = arith.andi %lt3A_346, %lt3A_347 : vector<16xi1>
    %add3A_349 = arith.constant 1 : i32
    %add3A_350 = vector.broadcast %add3A_349 : i32 to vector<16xi32>
    %add3A_351 = arith.addi %div3A_337, %add3A_350 : vector<16xi32>
    %select_n3A_352 = arith.select %and3A_348, %add3A_351, %select_n3A_330 : vector<16xi1>, vector<16xi32>
    %ge3A_353 = arith.cmpi sge, %get3A_345, %select_n3A : vector<16xi32>
    %and3A_354 = arith.andi %lt3A_346, %ge3A_353 : vector<16xi1>
    %select_n3A_355 = arith.select %and3A_354, %div3A_337, %select_n3A_333 : vector<16xi1>, vector<16xi32>
    %slice3A = vector.extract_strided_slice %select_n3A_352 {offsets = [0], sizes = [1], strides = [1]} : vector<16xi32> to vector<1xi32>
    %squeeze3A = vector.extract %slice3A[0] : i32 from vector<1xi32>
    %slice3A_356 = vector.extract_strided_slice %select_n3A_352 {offsets = [1], sizes = [1], strides = [1]} : vector<16xi32> to vector<1xi32>
    %squeeze3A_357 = vector.extract %slice3A_356[0] : i32 from vector<1xi32>
    %mul3A_358 = arith.constant 32 : i32
    %mul3A_359 = arith.muli %add3A, %mul3A_358 : i32
    %add3A_360 = arith.constant 50000 : i32
    %add3A_361 = arith.addi %add3A_360, %mul3A_359 : i32
    %scan3A = arith.constant 0 : i32
    %scan3A_362 = arith.constant 0 : i32
    %scan3A_363 = arith.constant 200 : i32
    %scan3A_364 = arith.addi %scan3A_362, %scan3A_363 : i32
    %scan3A_365 = arith.constant 1 : i32
    %scan3A_366 = scf.for %scan3A_451 = %scan3A_362 to %scan3A_364 step %scan3A_365 iter_args(%scan3A_452 = %scan3A) -> (i32)  : i32 {
      %broadcast_in_dim3A_453 = arith.constant 0 : i32
      %broadcast_in_dim3A_454 = vector.broadcast %broadcast_in_dim3A_453 : i32 to vector<16xi32>
      %add3A_455 = vector.broadcast %add3A_361 : i32 to vector<16xi32>
      %add3A_456 = arith.addi %broadcast_in_dim3A_454, %add3A_455 : vector<16xi32>
      %mul3A_457 = arith.constant 16 : i32
      %mul3A_458 = arith.muli %scan3A_451, %mul3A_457 : i32
      %swap3A_459 = arith.index_cast %mul3A_458 : i32 to index
      %swap3A_460 = tpu.vector_load %arg5[%swap3A_459] {strides = array<i32>} : memref<3200xi32, #tpu.memory_space<vmem>>, vector<16xi32>,
      tpu.vector_store %arg5[%swap3A_459], %add3A_456 {strides = array<i32>} : memref<3200xi32, #tpu.memory_space<vmem>>, vector<16xi32>,
      %scan3A_461 = arith.constant 0 : i32
      scf.yield %scan3A_461 : i32
    }
    %scan3A_367 = arith.constant 200 : i32
    %div3A_368 = arith.constant 8 : i32
    %div3A_369 = arith.divsi %squeeze3A, %div3A_368 : i32
    %mul3A_370 = arith.constant 8 : i32
    %mul3A_371 = arith.muli %div3A_369, %mul3A_370 : i32
    %sub3A = arith.subi %squeeze3A_357, %mul3A_371 : i32
    %add3A_372 = arith.constant 2047 : i32
    %add3A_373 = arith.addi %sub3A, %add3A_372 : i32
    %div3A_374 = arith.constant 2048 : i32
    %div3A_375 = arith.divsi %add3A_373, %div3A_374 : i32
    %max3A = arith.constant 0 : i32
    %max3A_376 = arith.maxsi %div3A_375, %max3A : i32
    %while3A = arith.constant 0 : i32
    %while3A_377 = arith.constant 0 : i32
    %while3A_378 = arith.subi %max3A_376, %while3A : i32
    %while3A_379 = arith.addi %while3A, %while3A_378 : i32
    %while3A_380 = arith.constant 1 : i32
    %while3A_381 = arith.divsi %while3A_378, %while3A_380 : i32
    %while3A_382 = arith.muli %while3A_381, %while3A_380 : i32
    %while3A_383 = arith.addi %while3A, %while3A_382 : i32
    %while3A_384 = arith.constant 1 : i32
    %while3A_385 = scf.for %while3A_451 = %while3A to %while3A_383 step %while3A_384 iter_args(%while3A_452 = %while3A_377) -> (i32)  : i32 {
      %mul3A_453 = arith.constant 2048 : i32
      %mul3A_454 = arith.muli %while3A_451, %mul3A_453 : i32
      %add3A_455 = arith.addi %mul3A_371, %mul3A_454 : i32
      "tpu.region"() ({
        %run_scoped3A = tpu.sem_alloc : memref<!tpu.dma_semaphore, #tpu.memory_space<semaphore_mem>>
        %dma_start3A_464 = tpu.memref_slice %arg3[%add3A_455] : memref<52064xi32, #tpu.memory_space<hbm>> -> memref<2064xi32, #tpu.memory_space<hbm>>
        %dma_start3A_465 = tpu.memref_slice %arg3[%add3A_455] : memref<52064xi32, #tpu.memory_space<hbm>> -> memref<2064xi32, #tpu.memory_space<hbm>>
        tpu.enqueue_dma source(%dma_start3A_465 : memref<2064xi32, #tpu.memory_space<hbm>>) target(%arg6 : memref<2064xi32, #tpu.memory_space<vmem>>) target_semaphore(%run_scoped3A : memref<!tpu.dma_semaphore, #tpu.memory_space<semaphore_mem>>)
        %dma_wait3A_466 = tpu.memref_slice %arg3[%add3A_455] : memref<52064xi32, #tpu.memory_space<hbm>> -> memref<2064xi32, #tpu.memory_space<hbm>>
        %dma_wait3A_467 = tpu.memref_slice %arg3[%add3A_455] : memref<52064xi32, #tpu.memory_space<hbm>> -> memref<2064xi32, #tpu.memory_space<hbm>>
        tpu.wait_dma2 semaphore(%run_scoped3A : memref<!tpu.dma_semaphore, #tpu.memory_space<semaphore_mem>>) src(%dma_wait3A_467 : memref<2064xi32, #tpu.memory_space<hbm>>) dst(%arg6 : memref<2064xi32, #tpu.memory_space<vmem>>)
        tpu.yield
      }) : () -> ()
      %scan3A_456 = arith.constant 0 : i32
      %scan3A_457 = arith.constant 0 : i32
      %scan3A_458 = arith.constant 128 : i32
      %scan3A_459 = arith.addi %scan3A_457, %scan3A_458 : i32
      %scan3A_460 = arith.constant 1 : i32
      %scan3A_461 = scf.for %scan3A_464 = %scan3A_457 to %scan3A_459 step %scan3A_460 iter_args(%scan3A_465 = %scan3A_456) -> (i32)  : i32 {
        %mul3A_466 = arith.constant 16 : i32
        %mul3A_467 = arith.muli %scan3A_464, %mul3A_466 : i32
        %get3A_468 = arith.index_cast %mul3A_467 : i32 to index
        %get3A_469 = tpu.vector_load %arg6[%get3A_468] {strides = array<i32>} : memref<2064xi32, #tpu.memory_space<vmem>>, vector<16xi32>,
        %mul3A_470 = arith.constant 16 : i32
        %mul3A_471 = arith.muli %scan3A_464, %mul3A_470 : i32
        %add3A_472 = arith.constant 1 : i32
        %add3A_473 = arith.addi %mul3A_471, %add3A_472 : i32
        %get3A_474 = arith.index_cast %add3A_473 : i32 to index
        %get3A_475 = tpu.vector_load %arg6[%get3A_474] {strides = array<i32>} : memref<2064xi32, #tpu.memory_space<vmem>>, vector<16xi32>,
        %mul3A_476 = arith.constant 16 : i32
        %mul3A_477 = arith.muli %scan3A_464, %mul3A_476 : i32
        %add3A_478 = arith.addi %add3A_455, %mul3A_477 : i32
        %add3A_479 = vector.broadcast %add3A_478 : i32 to vector<16xi32>
        %add3A_480 = arith.addi %add3A_479, %iota3A : vector<16xi32>
        %ge3A_481 = vector.broadcast %squeeze3A : i32 to vector<16xi32>
        %ge3A_482 = arith.cmpi sge, %add3A_480, %ge3A_481 : vector<16xi32>
        %lt3A_483 = vector.broadcast %squeeze3A_357 : i32 to vector<16xi32>
        %lt3A_484 = arith.cmpi slt, %add3A_480, %lt3A_483 : vector<16xi32>
        %and3A_485 = arith.andi %ge3A_482, %lt3A_484 : vector<16xi1>
        %ne3A = arith.cmpi ne, %get3A_469, %get3A_475 : vector<16xi32>
        %and3A_486 = arith.andi %and3A_485, %ne3A : vector<16xi1>
        %sub3A_487 = vector.broadcast %mul3A_2 : i32 to vector<16xi32>
        %sub3A_488 = arith.subi %get3A_469, %sub3A_487 : vector<16xi32>
        %jit3A = arith.constant 0 : i32
        %broadcast_in_dim3A_489 = vector.broadcast %jit3A : i32 to vector<16xi32>
        %select_n3A_490 = arith.select %and3A_486, %sub3A_488, %broadcast_in_dim3A_489 : vector<16xi1>, vector<16xi32>
        tpu.vector_store_idx %arg5[%select_n3A_490], %add3A_480 masked %and3A_486 : memref<3200xi32, #tpu.memory_space<vmem>>[vector<16xi32>], vector<16xi32>, vector<16xi1>
        %scan3A_491 = arith.constant 0 : i32
        scf.yield %scan3A_491 : i32
      }
      %scan3A_462 = arith.constant 128 : i32
      %while3A_463 = arith.constant 0 : i32
      scf.yield %while3A_463 : i32
    }
    %while3A_386 = arith.constant 1 : i32
    %while3A_387 = scf.for %while3A_451 = %while3A_383 to %while3A_379 step %while3A_386 iter_args(%while3A_452 = %while3A_385) -> (i32)  : i32 {
      %mul3A_453 = arith.constant 2048 : i32
      %mul3A_454 = arith.muli %while3A_451, %mul3A_453 : i32
      %add3A_455 = arith.addi %mul3A_371, %mul3A_454 : i32
      "tpu.region"() ({
        %run_scoped3A = tpu.sem_alloc : memref<!tpu.dma_semaphore, #tpu.memory_space<semaphore_mem>>
        %dma_start3A_464 = tpu.memref_slice %arg3[%add3A_455] : memref<52064xi32, #tpu.memory_space<hbm>> -> memref<2064xi32, #tpu.memory_space<hbm>>
        %dma_start3A_465 = tpu.memref_slice %arg3[%add3A_455] : memref<52064xi32, #tpu.memory_space<hbm>> -> memref<2064xi32, #tpu.memory_space<hbm>>
        tpu.enqueue_dma source(%dma_start3A_465 : memref<2064xi32, #tpu.memory_space<hbm>>) target(%arg6 : memref<2064xi32, #tpu.memory_space<vmem>>) target_semaphore(%run_scoped3A : memref<!tpu.dma_semaphore, #tpu.memory_space<semaphore_mem>>)
        %dma_wait3A_466 = tpu.memref_slice %arg3[%add3A_455] : memref<52064xi32, #tpu.memory_space<hbm>> -> memref<2064xi32, #tpu.memory_space<hbm>>
        %dma_wait3A_467 = tpu.memref_slice %arg3[%add3A_455] : memref<52064xi32, #tpu.memory_space<hbm>> -> memref<2064xi32, #tpu.memory_space<hbm>>
        tpu.wait_dma2 semaphore(%run_scoped3A : memref<!tpu.dma_semaphore, #tpu.memory_space<semaphore_mem>>) src(%dma_wait3A_467 : memref<2064xi32, #tpu.memory_space<hbm>>) dst(%arg6 : memref<2064xi32, #tpu.memory_space<vmem>>)
        tpu.yield
      }) : () -> ()
      %scan3A_456 = arith.constant 0 : i32
      %scan3A_457 = arith.constant 0 : i32
      %scan3A_458 = arith.constant 128 : i32
      %scan3A_459 = arith.addi %scan3A_457, %scan3A_458 : i32
      %scan3A_460 = arith.constant 1 : i32
      %scan3A_461 = scf.for %scan3A_464 = %scan3A_457 to %scan3A_459 step %scan3A_460 iter_args(%scan3A_465 = %scan3A_456) -> (i32)  : i32 {
        %mul3A_466 = arith.constant 16 : i32
        %mul3A_467 = arith.muli %scan3A_464, %mul3A_466 : i32
        %get3A_468 = arith.index_cast %mul3A_467 : i32 to index
        %get3A_469 = tpu.vector_load %arg6[%get3A_468] {strides = array<i32>} : memref<2064xi32, #tpu.memory_space<vmem>>, vector<16xi32>,
        %mul3A_470 = arith.constant 16 : i32
        %mul3A_471 = arith.muli %scan3A_464, %mul3A_470 : i32
        %add3A_472 = arith.constant 1 : i32
        %add3A_473 = arith.addi %mul3A_471, %add3A_472 : i32
        %get3A_474 = arith.index_cast %add3A_473 : i32 to index
        %get3A_475 = tpu.vector_load %arg6[%get3A_474] {strides = array<i32>} : memref<2064xi32, #tpu.memory_space<vmem>>, vector<16xi32>,
        %mul3A_476 = arith.constant 16 : i32
        %mul3A_477 = arith.muli %scan3A_464, %mul3A_476 : i32
        %add3A_478 = arith.addi %add3A_455, %mul3A_477 : i32
        %add3A_479 = vector.broadcast %add3A_478 : i32 to vector<16xi32>
        %add3A_480 = arith.addi %add3A_479, %iota3A : vector<16xi32>
        %ge3A_481 = vector.broadcast %squeeze3A : i32 to vector<16xi32>
        %ge3A_482 = arith.cmpi sge, %add3A_480, %ge3A_481 : vector<16xi32>
        %lt3A_483 = vector.broadcast %squeeze3A_357 : i32 to vector<16xi32>
        %lt3A_484 = arith.cmpi slt, %add3A_480, %lt3A_483 : vector<16xi32>
        %and3A_485 = arith.andi %ge3A_482, %lt3A_484 : vector<16xi1>
        %ne3A = arith.cmpi ne, %get3A_469, %get3A_475 : vector<16xi32>
        %and3A_486 = arith.andi %and3A_485, %ne3A : vector<16xi1>
        %sub3A_487 = vector.broadcast %mul3A_2 : i32 to vector<16xi32>
        %sub3A_488 = arith.subi %get3A_469, %sub3A_487 : vector<16xi32>
        %jit3A = arith.constant 0 : i32
        %broadcast_in_dim3A_489 = vector.broadcast %jit3A : i32 to vector<16xi32>
        %select_n3A_490 = arith.select %and3A_486, %sub3A_488, %broadcast_in_dim3A_489 : vector<16xi1>, vector<16xi32>
        tpu.vector_store_idx %arg5[%select_n3A_490], %add3A_480 masked %and3A_486 : memref<3200xi32, #tpu.memory_space<vmem>>[vector<16xi32>], vector<16xi32>, vector<16xi1>
        %scan3A_491 = arith.constant 0 : i32
        scf.yield %scan3A_491 : i32
      }
      %scan3A_462 = arith.constant 128 : i32
      %while3A_463 = arith.constant 0 : i32
      scf.yield %while3A_463 : i32
    }
    %dma_start3A_388 = arith.constant 0 : i32
    %dma_start3A_389 = tpu.memref_slice %arg5[%dma_start3A_388] : memref<3200xi32, #tpu.memory_space<vmem>> -> memref<128xi32, #tpu.memory_space<vmem>>
    %dma_start3A_390 = arith.constant 0 : i32
    %dma_start3A_391 = arith.constant 0 : i32
    %dma_start3A_392 = tpu.memref_slice %arg2[%dma_start3A_390, %dma_start3A_391] : memref<51024x128xf32, #tpu.memory_space<hbm>> -> memref<51024x128xf32, #tpu.memory_space<hbm>>
    tpu.enqueue_indirect_dma source(%dma_start3A_392 : memref<51024x128xf32, #tpu.memory_space<hbm>>) target(%arg9 : memref<128x128xf32, #tpu.memory_space<vmem>>) offsets(%dma_start3A_389 : memref<128xi32, #tpu.memory_space<vmem>>) semaphore(%arg13 : memref<!tpu.dma_semaphore, #tpu.memory_space<semaphore_mem>>)
    %dma_start3A_393 = arith.constant 128 : i32
    %dma_start3A_394 = tpu.memref_slice %arg5[%dma_start3A_393] : memref<3200xi32, #tpu.memory_space<vmem>> -> memref<128xi32, #tpu.memory_space<vmem>>
    %dma_start3A_395 = arith.constant 0 : i32
    %dma_start3A_396 = arith.constant 0 : i32
    %dma_start3A_397 = tpu.memref_slice %arg2[%dma_start3A_395, %dma_start3A_396] : memref<51024x128xf32, #tpu.memory_space<hbm>> -> memref<51024x128xf32, #tpu.memory_space<hbm>>
    tpu.enqueue_indirect_dma source(%dma_start3A_397 : memref<51024x128xf32, #tpu.memory_space<hbm>>) target(%arg10 : memref<128x128xf32, #tpu.memory_space<vmem>>) offsets(%dma_start3A_394 : memref<128xi32, #tpu.memory_space<vmem>>) semaphore(%arg14 : memref<!tpu.dma_semaphore, #tpu.memory_space<semaphore_mem>>)
    %dma_start3A_398 = arith.constant 256 : i32
    %dma_start3A_399 = tpu.memref_slice %arg5[%dma_start3A_398] : memref<3200xi32, #tpu.memory_space<vmem>> -> memref<128xi32, #tpu.memory_space<vmem>>
    %dma_start3A_400 = arith.constant 0 : i32
    %dma_start3A_401 = arith.constant 0 : i32
    %dma_start3A_402 = tpu.memref_slice %arg2[%dma_start3A_400, %dma_start3A_401] : memref<51024x128xf32, #tpu.memory_space<hbm>> -> memref<51024x128xf32, #tpu.memory_space<hbm>>
    tpu.enqueue_indirect_dma source(%dma_start3A_402 : memref<51024x128xf32, #tpu.memory_space<hbm>>) target(%arg11 : memref<128x128xf32, #tpu.memory_space<vmem>>) offsets(%dma_start3A_399 : memref<128xi32, #tpu.memory_space<vmem>>) semaphore(%arg15 : memref<!tpu.dma_semaphore, #tpu.memory_space<semaphore_mem>>)
    %dma_start3A_403 = arith.constant 384 : i32
    %dma_start3A_404 = tpu.memref_slice %arg5[%dma_start3A_403] : memref<3200xi32, #tpu.memory_space<vmem>> -> memref<128xi32, #tpu.memory_space<vmem>>
    %dma_start3A_405 = arith.constant 0 : i32
    %dma_start3A_406 = arith.constant 0 : i32
    %dma_start3A_407 = tpu.memref_slice %arg2[%dma_start3A_405, %dma_start3A_406] : memref<51024x128xf32, #tpu.memory_space<hbm>> -> memref<51024x128xf32, #tpu.memory_space<hbm>>
    tpu.enqueue_indirect_dma source(%dma_start3A_407 : memref<51024x128xf32, #tpu.memory_space<hbm>>) target(%arg12 : memref<128x128xf32, #tpu.memory_space<vmem>>) offsets(%dma_start3A_404 : memref<128xi32, #tpu.memory_space<vmem>>) semaphore(%arg16 : memref<!tpu.dma_semaphore, #tpu.memory_space<semaphore_mem>>)
    %scan3A_408 = arith.constant 0 : i32
    %scan3A_409 = arith.constant 0 : i32
    %scan3A_410 = arith.constant 6 : i32
    %scan3A_411 = arith.addi %scan3A_409, %scan3A_410 : i32
    %scan3A_412 = arith.constant 1 : i32
    %scan3A_413 = scf.for %scan3A_451 = %scan3A_409 to %scan3A_411 step %scan3A_412 iter_args(%scan3A_452 = %scan3A_408) -> (i32)  : i32 {
      %mul3A_453 = arith.constant 4 : i32
      %mul3A_454 = arith.muli %scan3A_451, %mul3A_453 : i32
      %mul3A_455 = arith.constant 128 : i32
      %mul3A_456 = arith.muli %mul3A_454, %mul3A_455 : i32
      %add3A_457 = arith.constant 0 : i32
      %add3A_458 = arith.addi %mul3A_456, %add3A_457 : i32
      %dma_wait3A_459 = tpu.memref_slice %arg5[%add3A_458] : memref<3200xi32, #tpu.memory_space<vmem>> -> memref<128xi32, #tpu.memory_space<vmem>>
      %dma_wait3A_460 = arith.constant 0 : i32
      %dma_wait3A_461 = arith.constant 0 : i32
      %dma_wait3A_462 = tpu.memref_slice %arg2[%dma_wait3A_460, %dma_wait3A_461] : memref<51024x128xf32, #tpu.memory_space<hbm>> -> memref<51024x128xf32, #tpu.memory_space<hbm>>
      tpu.wait_indirect_dma semaphore(%arg13 : memref<!tpu.dma_semaphore, #tpu.memory_space<semaphore_mem>>) src(%dma_wait3A_462 : memref<51024x128xf32, #tpu.memory_space<hbm>>) dst(%arg9 : memref<128x128xf32, #tpu.memory_space<vmem>>)
      %add3A_463 = arith.addi %mul3A_2, %add3A_458 : i32
      %dma_start3A_464 = arith.constant 0 : i32
      %dma_start3A_465 = tpu.memref_slice %arg4[%add3A_463, %dma_start3A_464] : memref<100000x128xf32, #tpu.memory_space<hbm>> -> memref<128x128xf32, #tpu.memory_space<hbm>>
      %dma_start3A_466 = arith.constant 0 : i32
      %dma_start3A_467 = tpu.memref_slice %arg4[%add3A_463, %dma_start3A_466] : memref<100000x128xf32, #tpu.memory_space<hbm>> -> memref<128x128xf32, #tpu.memory_space<hbm>>
      tpu.enqueue_dma source(%arg9 : memref<128x128xf32, #tpu.memory_space<vmem>>) target(%dma_start3A_467 : memref<128x128xf32, #tpu.memory_space<hbm>>) target_semaphore(%arg17 : memref<!tpu.dma_semaphore, #tpu.memory_space<semaphore_mem>>)
      %add3A_468 = arith.constant 128 : i32
      %add3A_469 = arith.addi %mul3A_456, %add3A_468 : i32
      %dma_wait3A_470 = tpu.memref_slice %arg5[%add3A_469] : memref<3200xi32, #tpu.memory_space<vmem>> -> memref<128xi32, #tpu.memory_space<vmem>>
      %dma_wait3A_471 = arith.constant 0 : i32
      %dma_wait3A_472 = arith.constant 0 : i32
      %dma_wait3A_473 = tpu.memref_slice %arg2[%dma_wait3A_471, %dma_wait3A_472] : memref<51024x128xf32, #tpu.memory_space<hbm>> -> memref<51024x128xf32, #tpu.memory_space<hbm>>
      tpu.wait_indirect_dma semaphore(%arg14 : memref<!tpu.dma_semaphore, #tpu.memory_space<semaphore_mem>>) src(%dma_wait3A_473 : memref<51024x128xf32, #tpu.memory_space<hbm>>) dst(%arg10 : memref<128x128xf32, #tpu.memory_space<vmem>>)
      %add3A_474 = arith.addi %mul3A_2, %add3A_469 : i32
      %dma_start3A_475 = arith.constant 0 : i32
      %dma_start3A_476 = tpu.memref_slice %arg4[%add3A_474, %dma_start3A_475] : memref<100000x128xf32, #tpu.memory_space<hbm>> -> memref<128x128xf32, #tpu.memory_space<hbm>>
      %dma_start3A_477 = arith.constant 0 : i32
      %dma_start3A_478 = tpu.memref_slice %arg4[%add3A_474, %dma_start3A_477] : memref<100000x128xf32, #tpu.memory_space<hbm>> -> memref<128x128xf32, #tpu.memory_space<hbm>>
      tpu.enqueue_dma source(%arg10 : memref<128x128xf32, #tpu.memory_space<vmem>>) target(%dma_start3A_478 : memref<128x128xf32, #tpu.memory_space<hbm>>) target_semaphore(%arg18 : memref<!tpu.dma_semaphore, #tpu.memory_space<semaphore_mem>>)
      %add3A_479 = arith.constant 256 : i32
      %add3A_480 = arith.addi %mul3A_456, %add3A_479 : i32
      %dma_wait3A_481 = tpu.memref_slice %arg5[%add3A_480] : memref<3200xi32, #tpu.memory_space<vmem>> -> memref<128xi32, #tpu.memory_space<vmem>>
      %dma_wait3A_482 = arith.constant 0 : i32
      %dma_wait3A_483 = arith.constant 0 : i32
      %dma_wait3A_484 = tpu.memref_slice %arg2[%dma_wait3A_482, %dma_wait3A_483] : memref<51024x128xf32, #tpu.memory_space<hbm>> -> memref<51024x128xf32, #tpu.memory_space<hbm>>
      tpu.wait_indirect_dma semaphore(%arg15 : memref<!tpu.dma_semaphore, #tpu.memory_space<semaphore_mem>>) src(%dma_wait3A_484 : memref<51024x128xf32, #tpu.memory_space<hbm>>) dst(%arg11 : memref<128x128xf32, #tpu.memory_space<vmem>>)
      %add3A_485 = arith.addi %mul3A_2, %add3A_480 : i32
      %dma_start3A_486 = arith.constant 0 : i32
      %dma_start3A_487 = tpu.memref_slice %arg4[%add3A_485, %dma_start3A_486] : memref<100000x128xf32, #tpu.memory_space<hbm>> -> memref<128x128xf32, #tpu.memory_space<hbm>>
      %dma_start3A_488 = arith.constant 0 : i32
      %dma_start3A_489 = tpu.memref_slice %arg4[%add3A_485, %dma_start3A_488] : memref<100000x128xf32, #tpu.memory_space<hbm>> -> memref<128x128xf32, #tpu.memory_space<hbm>>
      tpu.enqueue_dma source(%arg11 : memref<128x128xf32, #tpu.memory_space<vmem>>) target(%dma_start3A_489 : memref<128x128xf32, #tpu.memory_space<hbm>>) target_semaphore(%arg19 : memref<!tpu.dma_semaphore, #tpu.memory_space<semaphore_mem>>)
      %add3A_490 = arith.constant 384 : i32
      %add3A_491 = arith.addi %mul3A_456, %add3A_490 : i32
      %dma_wait3A_492 = tpu.memref_slice %arg5[%add3A_491] : memref<3200xi32, #tpu.memory_space<vmem>> -> memref<128xi32, #tpu.memory_space<vmem>>
      %dma_wait3A_493 = arith.constant 0 : i32
      %dma_wait3A_494 = arith.constant 0 : i32
      %dma_wait3A_495 = tpu.memref_slice %arg2[%dma_wait3A_493, %dma_wait3A_494] : memref<51024x128xf32, #tpu.memory_space<hbm>> -> memref<51024x128xf32, #tpu.memory_space<hbm>>
      tpu.wait_indirect_dma semaphore(%arg16 : memref<!tpu.dma_semaphore, #tpu.memory_space<semaphore_mem>>) src(%dma_wait3A_495 : memref<51024x128xf32, #tpu.memory_space<hbm>>) dst(%arg12 : memref<128x128xf32, #tpu.memory_space<vmem>>)
      %add3A_496 = arith.addi %mul3A_2, %add3A_491 : i32
      %dma_start3A_497 = arith.constant 0 : i32
      %dma_start3A_498 = tpu.memref_slice %arg4[%add3A_496, %dma_start3A_497] : memref<100000x128xf32, #tpu.memory_space<hbm>> -> memref<128x128xf32, #tpu.memory_space<hbm>>
      %dma_start3A_499 = arith.constant 0 : i32
      %dma_start3A_500 = tpu.memref_slice %arg4[%add3A_496, %dma_start3A_499] : memref<100000x128xf32, #tpu.memory_space<hbm>> -> memref<128x128xf32, #tpu.memory_space<hbm>>
      tpu.enqueue_dma source(%arg12 : memref<128x128xf32, #tpu.memory_space<vmem>>) target(%dma_start3A_500 : memref<128x128xf32, #tpu.memory_space<hbm>>) target_semaphore(%arg20 : memref<!tpu.dma_semaphore, #tpu.memory_space<semaphore_mem>>)
      %lt3A_501 = arith.constant 5 : i32
      %lt3A_502 = arith.cmpi slt, %scan3A_451, %lt3A_501 : i32
      %convert_element_type3A = arith.extui %lt3A_502 : i1 to i32
      %cond3A = arith.constant 0 : i32
      %cond3A_503 = arith.cmpi ne, %convert_element_type3A, %cond3A : i32
      scf.if %cond3A_503 {
        %add3A_505 = arith.constant 0 : i32
        %add3A_506 = arith.addi %mul3A_456, %add3A_505 : i32
        %add3A_507 = arith.addi %mul3A_2, %add3A_506 : i32
        %dma_wait3A_508 = arith.constant 0 : i32
        %dma_wait3A_509 = tpu.memref_slice %arg4[%add3A_507, %dma_wait3A_508] : memref<100000x128xf32, #tpu.memory_space<hbm>> -> memref<128x128xf32, #tpu.memory_space<hbm>>
        %dma_wait3A_510 = arith.constant 0 : i32
        %dma_wait3A_511 = tpu.memref_slice %arg4[%add3A_507, %dma_wait3A_510] : memref<100000x128xf32, #tpu.memory_space<hbm>> -> memref<128x128xf32, #tpu.memory_space<hbm>>
        tpu.wait_dma2 semaphore(%arg17 : memref<!tpu.dma_semaphore, #tpu.memory_space<semaphore_mem>>) src(%arg9 : memref<128x128xf32, #tpu.memory_space<vmem>>) dst(%dma_wait3A_511 : memref<128x128xf32, #tpu.memory_space<hbm>>)
        %add3A_512 = arith.constant 512 : i32
        %add3A_513 = arith.addi %add3A_506, %add3A_512 : i32
        %dma_start3A_514 = tpu.memref_slice %arg5[%add3A_513] : memref<3200xi32, #tpu.memory_space<vmem>> -> memref<128xi32, #tpu.memory_space<vmem>>
        %dma_start3A_515 = arith.constant 0 : i32
        %dma_start3A_516 = arith.constant 0 : i32
        %dma_start3A_517 = tpu.memref_slice %arg2[%dma_start3A_515, %dma_start3A_516] : memref<51024x128xf32, #tpu.memory_space<hbm>> -> memref<51024x128xf32, #tpu.memory_space<hbm>>
        tpu.enqueue_indirect_dma source(%dma_start3A_517 : memref<51024x128xf32, #tpu.memory_space<hbm>>) target(%arg9 : memref<128x128xf32, #tpu.memory_space<vmem>>) offsets(%dma_start3A_514 : memref<128xi32, #tpu.memory_space<vmem>>) semaphore(%arg13 : memref<!tpu.dma_semaphore, #tpu.memory_space<semaphore_mem>>)
        %add3A_518 = arith.constant 128 : i32
        %add3A_519 = arith.addi %mul3A_456, %add3A_518 : i32
        %add3A_520 = arith.addi %mul3A_2, %add3A_519 : i32
        %dma_wait3A_521 = arith.constant 0 : i32
        %dma_wait3A_522 = tpu.memref_slice %arg4[%add3A_520, %dma_wait3A_521] : memref<100000x128xf32, #tpu.memory_space<hbm>> -> memref<128x128xf32, #tpu.memory_space<hbm>>
        %dma_wait3A_523 = arith.constant 0 : i32
        %dma_wait3A_524 = tpu.memref_slice %arg4[%add3A_520, %dma_wait3A_523] : memref<100000x128xf32, #tpu.memory_space<hbm>> -> memref<128x128xf32, #tpu.memory_space<hbm>>
        tpu.wait_dma2 semaphore(%arg18 : memref<!tpu.dma_semaphore, #tpu.memory_space<semaphore_mem>>) src(%arg10 : memref<128x128xf32, #tpu.memory_space<vmem>>) dst(%dma_wait3A_524 : memref<128x128xf32, #tpu.memory_space<hbm>>)
        %add3A_525 = arith.constant 512 : i32
        %add3A_526 = arith.addi %add3A_519, %add3A_525 : i32
        %dma_start3A_527 = tpu.memref_slice %arg5[%add3A_526] : memref<3200xi32, #tpu.memory_space<vmem>> -> memref<128xi32, #tpu.memory_space<vmem>>
        %dma_start3A_528 = arith.constant 0 : i32
        %dma_start3A_529 = arith.constant 0 : i32
        %dma_start3A_530 = tpu.memref_slice %arg2[%dma_start3A_528, %dma_start3A_529] : memref<51024x128xf32, #tpu.memory_space<hbm>> -> memref<51024x128xf32, #tpu.memory_space<hbm>>
        tpu.enqueue_indirect_dma source(%dma_start3A_530 : memref<51024x128xf32, #tpu.memory_space<hbm>>) target(%arg10 : memref<128x128xf32, #tpu.memory_space<vmem>>) offsets(%dma_start3A_527 : memref<128xi32, #tpu.memory_space<vmem>>) semaphore(%arg14 : memref<!tpu.dma_semaphore, #tpu.memory_space<semaphore_mem>>)
        %add3A_531 = arith.constant 256 : i32
        %add3A_532 = arith.addi %mul3A_456, %add3A_531 : i32
        %add3A_533 = arith.addi %mul3A_2, %add3A_532 : i32
        %dma_wait3A_534 = arith.constant 0 : i32
        %dma_wait3A_535 = tpu.memref_slice %arg4[%add3A_533, %dma_wait3A_534] : memref<100000x128xf32, #tpu.memory_space<hbm>> -> memref<128x128xf32, #tpu.memory_space<hbm>>
        %dma_wait3A_536 = arith.constant 0 : i32
        %dma_wait3A_537 = tpu.memref_slice %arg4[%add3A_533, %dma_wait3A_536] : memref<100000x128xf32, #tpu.memory_space<hbm>> -> memref<128x128xf32, #tpu.memory_space<hbm>>
        tpu.wait_dma2 semaphore(%arg19 : memref<!tpu.dma_semaphore, #tpu.memory_space<semaphore_mem>>) src(%arg11 : memref<128x128xf32, #tpu.memory_space<vmem>>) dst(%dma_wait3A_537 : memref<128x128xf32, #tpu.memory_space<hbm>>)
        %add3A_538 = arith.constant 512 : i32
        %add3A_539 = arith.addi %add3A_532, %add3A_538 : i32
        %dma_start3A_540 = tpu.memref_slice %arg5[%add3A_539] : memref<3200xi32, #tpu.memory_space<vmem>> -> memref<128xi32, #tpu.memory_space<vmem>>
        %dma_start3A_541 = arith.constant 0 : i32
        %dma_start3A_542 = arith.constant 0 : i32
        %dma_start3A_543 = tpu.memref_slice %arg2[%dma_start3A_541, %dma_start3A_542] : memref<51024x128xf32, #tpu.memory_space<hbm>> -> memref<51024x128xf32, #tpu.memory_space<hbm>>
        tpu.enqueue_indirect_dma source(%dma_start3A_543 : memref<51024x128xf32, #tpu.memory_space<hbm>>) target(%arg11 : memref<128x128xf32, #tpu.memory_space<vmem>>) offsets(%dma_start3A_540 : memref<128xi32, #tpu.memory_space<vmem>>) semaphore(%arg15 : memref<!tpu.dma_semaphore, #tpu.memory_space<semaphore_mem>>)
        %add3A_544 = arith.constant 384 : i32
        %add3A_545 = arith.addi %mul3A_456, %add3A_544 : i32
        %add3A_546 = arith.addi %mul3A_2, %add3A_545 : i32
        %dma_wait3A_547 = arith.constant 0 : i32
        %dma_wait3A_548 = tpu.memref_slice %arg4[%add3A_546, %dma_wait3A_547] : memref<100000x128xf32, #tpu.memory_space<hbm>> -> memref<128x128xf32, #tpu.memory_space<hbm>>
        %dma_wait3A_549 = arith.constant 0 : i32
        %dma_wait3A_550 = tpu.memref_slice %arg4[%add3A_546, %dma_wait3A_549] : memref<100000x128xf32, #tpu.memory_space<hbm>> -> memref<128x128xf32, #tpu.memory_space<hbm>>
        tpu.wait_dma2 semaphore(%arg20 : memref<!tpu.dma_semaphore, #tpu.memory_space<semaphore_mem>>) src(%arg12 : memref<128x128xf32, #tpu.memory_space<vmem>>) dst(%dma_wait3A_550 : memref<128x128xf32, #tpu.memory_space<hbm>>)
        %add3A_551 = arith.constant 512 : i32
        %add3A_552 = arith.addi %add3A_545, %add3A_551 : i32
        %dma_start3A_553 = tpu.memref_slice %arg5[%add3A_552] : memref<3200xi32, #tpu.memory_space<vmem>> -> memref<128xi32, #tpu.memory_space<vmem>>
        %dma_start3A_554 = arith.constant 0 : i32
        %dma_start3A_555 = arith.constant 0 : i32
        %dma_start3A_556 = tpu.memref_slice %arg2[%dma_start3A_554, %dma_start3A_555] : memref<51024x128xf32, #tpu.memory_space<hbm>> -> memref<51024x128xf32, #tpu.memory_space<hbm>>
        tpu.enqueue_indirect_dma source(%dma_start3A_556 : memref<51024x128xf32, #tpu.memory_space<hbm>>) target(%arg12 : memref<128x128xf32, #tpu.memory_space<vmem>>) offsets(%dma_start3A_553 : memref<128xi32, #tpu.memory_space<vmem>>) semaphore(%arg16 : memref<!tpu.dma_semaphore, #tpu.memory_space<semaphore_mem>>)
      } else {
      }
      %scan3A_504 = arith.constant 0 : i32
      scf.yield %scan3A_504 : i32
    }
    %scan3A_414 = arith.constant 6 : i32
    %add3A_415 = arith.constant 2560 : i32
    %add3A_416 = arith.addi %mul3A_2, %add3A_415 : i32
    %dma_wait3A_417 = arith.constant 0 : i32
    %dma_wait3A_418 = tpu.memref_slice %arg4[%add3A_416, %dma_wait3A_417] : memref<100000x128xf32, #tpu.memory_space<hbm>> -> memref<128x128xf32, #tpu.memory_space<hbm>>
    %dma_wait3A_419 = arith.constant 0 : i32
    %dma_wait3A_420 = tpu.memref_slice %arg4[%add3A_416, %dma_wait3A_419] : memref<100000x128xf32, #tpu.memory_space<hbm>> -> memref<128x128xf32, #tpu.memory_space<hbm>>
    tpu.wait_dma2 semaphore(%arg17 : memref<!tpu.dma_semaphore, #tpu.memory_space<semaphore_mem>>) src(%arg9 : memref<128x128xf32, #tpu.memory_space<vmem>>) dst(%dma_wait3A_420 : memref<128x128xf32, #tpu.memory_space<hbm>>)
    %add3A_421 = arith.constant 2688 : i32
    %add3A_422 = arith.addi %mul3A_2, %add3A_421 : i32
    %dma_wait3A_423 = arith.constant 0 : i32
    %dma_wait3A_424 = tpu.memref_slice %arg4[%add3A_422, %dma_wait3A_423] : memref<100000x128xf32, #tpu.memory_space<hbm>> -> memref<128x128xf32, #tpu.memory_space<hbm>>
    %dma_wait3A_425 = arith.constant 0 : i32
    %dma_wait3A_426 = tpu.memref_slice %arg4[%add3A_422, %dma_wait3A_425] : memref<100000x128xf32, #tpu.memory_space<hbm>> -> memref<128x128xf32, #tpu.memory_space<hbm>>
    tpu.wait_dma2 semaphore(%arg18 : memref<!tpu.dma_semaphore, #tpu.memory_space<semaphore_mem>>) src(%arg10 : memref<128x128xf32, #tpu.memory_space<vmem>>) dst(%dma_wait3A_426 : memref<128x128xf32, #tpu.memory_space<hbm>>)
    %add3A_427 = arith.constant 2816 : i32
    %add3A_428 = arith.addi %mul3A_2, %add3A_427 : i32
    %dma_wait3A_429 = arith.constant 0 : i32
    %dma_wait3A_430 = tpu.memref_slice %arg4[%add3A_428, %dma_wait3A_429] : memref<100000x128xf32, #tpu.memory_space<hbm>> -> memref<128x128xf32, #tpu.memory_space<hbm>>
    %dma_wait3A_431 = arith.constant 0 : i32
    %dma_wait3A_432 = tpu.memref_slice %arg4[%add3A_428, %dma_wait3A_431] : memref<100000x128xf32, #tpu.memory_space<hbm>> -> memref<128x128xf32, #tpu.memory_space<hbm>>
    tpu.wait_dma2 semaphore(%arg19 : memref<!tpu.dma_semaphore, #tpu.memory_space<semaphore_mem>>) src(%arg11 : memref<128x128xf32, #tpu.memory_space<vmem>>) dst(%dma_wait3A_432 : memref<128x128xf32, #tpu.memory_space<hbm>>)
    %add3A_433 = arith.constant 2944 : i32
    %add3A_434 = arith.addi %mul3A_2, %add3A_433 : i32
    %dma_wait3A_435 = arith.constant 0 : i32
    %dma_wait3A_436 = tpu.memref_slice %arg4[%add3A_434, %dma_wait3A_435] : memref<100000x128xf32, #tpu.memory_space<hbm>> -> memref<128x128xf32, #tpu.memory_space<hbm>>
    %dma_wait3A_437 = arith.constant 0 : i32
    %dma_wait3A_438 = tpu.memref_slice %arg4[%add3A_434, %dma_wait3A_437] : memref<100000x128xf32, #tpu.memory_space<hbm>> -> memref<128x128xf32, #tpu.memory_space<hbm>>
    tpu.wait_dma2 semaphore(%arg20 : memref<!tpu.dma_semaphore, #tpu.memory_space<semaphore_mem>>) src(%arg12 : memref<128x128xf32, #tpu.memory_space<vmem>>) dst(%dma_wait3A_438 : memref<128x128xf32, #tpu.memory_space<hbm>>)
    %dma_start3A_439 = arith.constant 3072 : i32
    %dma_start3A_440 = tpu.memref_slice %arg5[%dma_start3A_439] : memref<3200xi32, #tpu.memory_space<vmem>> -> memref<128xi32, #tpu.memory_space<vmem>>
    %dma_start3A_441 = arith.constant 0 : i32
    %dma_start3A_442 = arith.constant 0 : i32
    %dma_start3A_443 = tpu.memref_slice %arg2[%dma_start3A_441, %dma_start3A_442] : memref<51024x128xf32, #tpu.memory_space<hbm>> -> memref<51024x128xf32, #tpu.memory_space<hbm>>
    tpu.enqueue_indirect_dma source(%dma_start3A_443 : memref<51024x128xf32, #tpu.memory_space<hbm>>) target(%arg9 : memref<128x128xf32, #tpu.memory_space<vmem>>) offsets(%dma_start3A_440 : memref<128xi32, #tpu.memory_space<vmem>>) semaphore(%arg13 : memref<!tpu.dma_semaphore, #tpu.memory_space<semaphore_mem>>)
    %dma_wait3A_444 = arith.constant 3072 : i32
    %dma_wait3A_445 = tpu.memref_slice %arg5[%dma_wait3A_444] : memref<3200xi32, #tpu.memory_space<vmem>> -> memref<128xi32, #tpu.memory_space<vmem>>
    %dma_wait3A_446 = arith.constant 0 : i32
    %dma_wait3A_447 = arith.constant 0 : i32
    %dma_wait3A_448 = tpu.memref_slice %arg2[%dma_wait3A_446, %dma_wait3A_447] : memref<51024x128xf32, #tpu.memory_space<hbm>> -> memref<51024x128xf32, #tpu.memory_space<hbm>>
    tpu.wait_indirect_dma semaphore(%arg13 : memref<!tpu.dma_semaphore, #tpu.memory_space<semaphore_mem>>) src(%dma_wait3A_448 : memref<51024x128xf32, #tpu.memory_space<hbm>>) dst(%arg9 : memref<128x128xf32, #tpu.memory_space<vmem>>)
    %add3A_449 = arith.constant 3072 : i32
    %add3A_450 = arith.addi %mul3A_2, %add3A_449 : i32
    "tpu.region"() ({
      %run_scoped3A = tpu.sem_alloc : memref<!tpu.dma_semaphore, #tpu.memory_space<semaphore_mem>>
      %dma_start3A_451 = arith.constant 0 : i32
      %dma_start3A_452 = arith.constant 0 : i32
      %dma_start3A_453 = tpu.memref_slice %arg9[%dma_start3A_451, %dma_start3A_452] : memref<128x128xf32, #tpu.memory_space<vmem>> -> memref<53x128xf32, #tpu.memory_space<vmem>>
      %dma_start3A_454 = arith.constant 0 : i32
      %dma_start3A_455 = tpu.memref_slice %arg4[%add3A_450, %dma_start3A_454] : memref<100000x128xf32, #tpu.memory_space<hbm>> -> memref<53x128xf32, #tpu.memory_space<hbm>>
      %dma_start3A_456 = arith.constant 0 : i32
      %dma_start3A_457 = tpu.memref_slice %arg4[%add3A_450, %dma_start3A_456] : memref<100000x128xf32, #tpu.memory_space<hbm>> -> memref<53x128xf32, #tpu.memory_space<hbm>>
      %dma_start3A_458 = arith.constant 0 : i32
      %dma_start3A_459 = arith.constant 0 : i32
      %dma_start3A_460 = tpu.memref_slice %arg9[%dma_start3A_458, %dma_start3A_459] : memref<128x128xf32, #tpu.memory_space<vmem>> -> memref<53x128xf32, #tpu.memory_space<vmem>>
      tpu.enqueue_dma source(%dma_start3A_460 : memref<53x128xf32, #tpu.memory_space<vmem>>) target(%dma_start3A_457 : memref<53x128xf32, #tpu.memory_space<hbm>>) target_semaphore(%run_scoped3A : memref<!tpu.dma_semaphore, #tpu.memory_space<semaphore_mem>>)
      %dma_wait3A_461 = arith.constant 0 : i32
      %dma_wait3A_462 = arith.constant 0 : i32
      %dma_wait3A_463 = tpu.memref_slice %arg9[%dma_wait3A_461, %dma_wait3A_462] : memref<128x128xf32, #tpu.memory_space<vmem>> -> memref<53x128xf32, #tpu.memory_space<vmem>>
      %dma_wait3A_464 = arith.constant 0 : i32
      %dma_wait3A_465 = tpu.memref_slice %arg4[%add3A_450, %dma_wait3A_464] : memref<100000x128xf32, #tpu.memory_space<hbm>> -> memref<53x128xf32, #tpu.memory_space<hbm>>
      %dma_wait3A_466 = arith.constant 0 : i32
      %dma_wait3A_467 = tpu.memref_slice %arg4[%add3A_450, %dma_wait3A_466] : memref<100000x128xf32, #tpu.memory_space<hbm>> -> memref<53x128xf32, #tpu.memory_space<hbm>>
      %dma_wait3A_468 = arith.constant 0 : i32
      %dma_wait3A_469 = arith.constant 0 : i32
      %dma_wait3A_470 = tpu.memref_slice %arg9[%dma_wait3A_468, %dma_wait3A_469] : memref<128x128xf32, #tpu.memory_space<vmem>> -> memref<53x128xf32, #tpu.memory_space<vmem>>
      tpu.wait_dma2 semaphore(%run_scoped3A : memref<!tpu.dma_semaphore, #tpu.memory_space<semaphore_mem>>) src(%dma_wait3A_470 : memref<53x128xf32, #tpu.memory_space<vmem>>) dst(%dma_wait3A_467 : memref<53x128xf32, #tpu.memory_space<hbm>>)
      tpu.yield
    }) : () -> ()
    return
  }
}

</mosaic_0001>

<sc_bundles>
// kernel: kernel.4.cloned.1.call-start
scs
__scs_entry_jumppad:
0x0: {  	(pc) =	sbr.rel $0x88, $3  }
0x1: {  	(tag) =	ssettag $0x0;
	lr =	simm.s32 $0x1  }
0x2: {  	[smem:$0x3F9D] =	sst lr;
	_ =	strace $0xD0000000  }
0x3: {  	_ = 	snop  }
0x4: {  	_ = 	snop  }
0x5: {  	_ = 	snop  }
0x6: {  	_ = 	snop  }
0x7: {  	_ = 	snop  }
__scs_overlays_trampoline_lowered:
0x8: {  	[smem:$0x3FAC] =	sst s0  }
0x9: {  	[smem:$0x3FAD] =	sst s1  }
0xa: {  	[smem:$0x3FAE] =	sst s2  }
0xb: {  	[smem:$0x3FAF] =	sst s3  }
0xc: {  	[smem:$0x3FB0] =	sst s4  }
0xd: {  	[smem:$0x3FB1] =	sst s5  }
0xe: {  	[smem:$0x3FB2] =	sst s6  }
0xf: {  	[smem:$0x3FB3] =	sst s7  }
0x10: {  	[smem:$0x3FB4] =	sst s8  }
0x11: {  	[smem:$0x3FB5] =	sst s9;
	s0 =	simm.s32 @!p0 $0x0  }
0x12: {  	s1 =	sld [smem:$0x3F9B];
	s0 =	simm.s32 @p0 $0x1  }
0x13: {  	[smem:$0x3FB6] =	sst s0;
	s0 =	simm.s32 @!p1 $0x0  }
0x14: {  	s2 =	sld [smem:$0x3F9A];
	s0 =	simm.s32 @p1 $0x1  }
0x15: {  	[smem:$0x3FB7] =	sst s0;
	s0 =	simm.s32 @!p2 $0x0  }
0x16: {  	s3 =	sld [smem:$0x3FDB];
	s0 =	simm.s32 @p2 $0x1  }
0x17: {  	s4 =	simm.s32 $0x1BF5;
	[smem:$0x3FB9] =	sst s0  }
0x18: {  	s0 =	sld [smem:$0x3F9C];
	_ =	swait.ge [sflag:s4], $0x0  }
0x19: {  	s7 =	sld [smem:$0x3F9D]  }
0x1a: {  	s8 =	sadd.s32 $0xFFFFE003, lr  }
0x1b: {  	s9 =	sadd.s32 $0xFFFFFEF7, lr;
	s5 =	simm.s32 $0xFFFFFFFF;
	p2 =	slt.u32 s8, $0xFFFFF086  }
0x1c: {  	p1 =	slt.u32 s9, $0xF7A;
	s5 =	simm.s32 @!p2 $0x0  }
0x1d: {  	s5 =	simm.s32 @p1 $0x1;
	p0 =	seq.s32 s7, s2  }
0x1e: {  	s7 =	smul.u32 @!p0 $0xF7A, s2;
	p2 =	seq.s32 @!p0 s5, $0x0  }
0x1f: {  	s9 =	smul.u32 $0xF7A, s1;
	s8 =	simm.s32 @!p0 $0x1BF5;
	p2 =	por !p2, p0  }
0x20: {  	[sflag:s8] =	ssyncset.s32 @!p0 $0xFFFFF086;
	s6 =	sadd.s32 @!p0 s3, s7;
	s7 =	simm.s32 @!p0 $0x108  }
0x21: {  	s3 =	sadd.s32 s3, s9;
	s6 =	sadd.s32 @!p0 $0x88, s6;
	s7 =	simm.s32 @p2 $0x1082  }
0x22: {  	[simem:s7], [sflag:s8] =	dma.local @!p0 [hbm:s6], $0xF7A  }
0x23: {  	s9 =	sor.u32 $0xD0000000, s2;
	s6 =	simm.s32 $0x108;
	_ =	swait.ge @!p0 [sflag:s8], $0x0  }
0x24: {  	s3 =	sadd.s32 $0x88, s3;
	s6 =	simm.s32 @!p1 $0x1082;
	[sflag:s4] =	ssyncset.s32 $0xFFFFF086  }
0x25: {  	[simem:s6], [sflag:s4] =	dma.local [hbm:s3], $0xF7A  }
0x26: {  	[smem:$0x3F9D] =	sst s1;
	(tag) =	ssettag s2;
	_ =	strace s9  }
0x27: {  	s1 =	sld [smem:$0x3FAD]  }
0x28: {  	s2 =	sld [smem:$0x3FAE]  }
0x29: {  	s4 =	sld [smem:$0x3FB0]  }
0x2a: {  	p0 =	seq.s32 s5, $0x0;
	s5 =	sld [smem:$0x3FB1]  }
0x2b: {  	s6 =	sld [smem:$0x3FB2]  }
0x2c: {  	s7 =	sld [smem:$0x3FB3]  }
0x2d: {  	s3 =	simm.s32 $0x108;
	s8 =	sld [smem:$0x3FB4]  }
0x2e: {  	s3 =	simm.s32 @!p0 $0x1082;
	s9 =	sld [smem:$0x3FB5]  }
0x2f: {  	lr =	sadd.s32 s0, s3;
	s0 =	sld [smem:$0x3FAC]  }
0x30: {  	s3 =	sld [smem:$0x3FAF]  }
0x31: {  	[smem:$0x3FB8] =	sst s10  }
0x32: {  	s10 =	sld [smem:$0x3FB6];
	_ =	sdelay $0x3  }
0x33: {  	p0 =	seq.s32 s10, $0x1;
	s10 =	sld [smem:$0x3FB8];
	_ =	sdelay $0x3  }
0x34: {  	[smem:$0x3FB8] =	sst s10  }
0x35: {  	s10 =	sld [smem:$0x3FB7];
	_ =	sdelay $0x3  }
0x36: {  	p1 =	seq.s32 s10, $0x1;
	s10 =	sld [smem:$0x3FB8];
	_ =	sdelay $0x3  }
0x37: {  	[smem:$0x3FB8] =	sst s10  }
0x38: {  	s10 =	sld [smem:$0x3FB9]  }
0x39: {  	_ = 	snop;
	(pc) =	sbr.ind lr, $3  }
0x3a: {  	_ = 	snop  }
0x3b: {  	_ = 	snop  }
0x3c: {  	p2 =	seq.s32 s10, $0x1;
	s10 =	sld [smem:$0x3FB8]  }
0x3d: {  	_ =	shalt  }
0x3e: {  	_ =	shalt  }
0x3f: {  	_ =	shalt  }
0x40: {  	_ =	shalt  }
0x41: {  	_ =	shalt  }
0x42: {  	_ =	shalt  }
0x43: {  	_ =	shalt  }
0x44: {  	_ =	shalt  }
0x45: {  	_ =	shalt  }
0x46: {  	_ =	shalt  }
0x47: {  	_ =	shalt  }
0x48: {  	_ =	shalt  }
0x49: {  	_ =	shalt  }
0x4a: {  	_ =	shalt  }
0x4b: {  	_ =	shalt  }
0x4c: {  	_ =	shalt  }
0x4d: {  	_ =	shalt  }
0x4e: {  	_ =	shalt  }
0x4f: {  	_ =	shalt  }
0x50: {  	_ =	shalt  }
0x51: {  	_ =	shalt  }
0x52: {  	_ =	shalt  }
0x53: {  	_ =	shalt  }
0x54: {  	_ =	shalt  }
0x55: {  	_ =	shalt  }
0x56: {  	_ =	shalt  }
0x57: {  	_ =	shalt  }
0x58: {  	_ =	shalt  }
0x59: {  	_ =	shalt  }
0x5a: {  	_ =	shalt  }
0x5b: {  	_ =	shalt  }
0x5c: {  	_ =	shalt  }
0x5d: {  	_ =	shalt  }
0x5e: {  	_ =	shalt  }
0x5f: {  	_ =	shalt  }
0x60: {  	_ =	shalt  }
0x61: {  	_ =	shalt  }
0x62: {  	_ =	shalt  }
0x63: {  	_ =	shalt  }
0x64: {  	_ =	shalt  }
0x65: {  	_ =	shalt  }
0x66: {  	_ =	shalt  }
0x67: {  	_ =	shalt  }
0x68: {  	_ =	shalt  }
0x69: {  	_ =	shalt  }
0x6a: {  	_ =	shalt  }
0x6b: {  	_ =	shalt  }
0x6c: {  	_ =	shalt  }
0x6d: {  	_ =	shalt  }
0x6e: {  	_ =	shalt  }
0x6f: {  	_ =	shalt  }
0x70: {  	_ =	shalt  }
0x71: {  	_ =	shalt  }
0x72: {  	_ =	shalt  }
0x73: {  	_ =	shalt  }
0x74: {  	_ =	shalt  }
0x75: {  	_ =	shalt  }
0x76: {  	_ =	shalt  }
0x77: {  	_ =	shalt  }
0x78: {  	_ =	shalt  }
0x79: {  	_ =	shalt  }
0x7a: {  	_ =	shalt  }
0x7b: {  	_ =	shalt  }
0x7c: {  	_ =	shalt  }
0x7d: {  	_ =	shalt  }
0x7e: {  	_ =	shalt  }
0x7f: {  	_ =	shalt  }
0x80: {  	_ =	shalt  }
0x81: {  	_ =	shalt  }
0x82: {  	_ =	shalt  }
0x83: {  	_ =	shalt  }
0x84: {  	_ =	shalt  }
0x85: {  	_ =	shalt  }
0x86: {  	_ =	shalt  }
0x87: {  	_ =	shalt  }
.Lfunc_end0:
.L_simem_size_0:
called_computation.1_lowered:
.L_overlay_start_0:
0x88: {  	s2 =	sld [smem:$0x3FD9]  }
0x89: {  	s3 =	sld [smem:$0x3FFE];
	_ =	sdelay $0x1  }
0x8a: {  	s1 =	srdreg.scid  }
0x8b: {  	s0 =	sand.u32 $0x1, s1  }
0x8c: {  	s15 =	sshll.u32 s0, $0xA;
	s2 =	sadd.s32 s3, s2  }
0x8d: {  	s2 =	sadd.s32 s2, s15  }
0x8e: {  	[smem:$0x3FC4] =	sst s2  }
0x8f: {  	_ = 	snop  }
0x90: {  	s2 =	sld [smem:$0x3FD0];
	_ =	sdelay $0x2  }
0x91: {  	s16 =	simm.s32 $0xB;
	s4 =	simm.s32 $0x10  }
0x92: {  	[smem:s4], [sflag:s16] =	dma.local [hbm:s2], $0x1  }
0x93: {  	_ =	swait.eq [sflag:s16], $0x1  }
0x94: {  	[sflag:s16] =	ssyncset.done $0x0  }
0x95: {  	[sflag:s16] =	ssyncadd.s32 $0xFFFFFFFF  }
0x96: {  	s17 =	sld [smem:$0x10];
	(tm) =	ssettm $0x1  }
0x97: {  	s18 =	sld [smem:$0x3FFB];
	_ =	sdelay $0x3  }
0x98: {  	_ =	strace s18  }
0x99: {  	s2 =	sld [smem:$0x3FFC];
	_ =	sdelay $0x3  }
0x9a: {  	_ =	strace s2  }
0x9b: {  	s2 =	sld [smem:$0x3FFD];
	_ =	sdelay $0x3  }
0x9c: {  	_ =	strace s2  }
0x9d: {  	_ =	strace $0x8FFFFFFF  }
0x9e: {  	s19 =	sld [smem:$0x3FDB];
	_ =	sdelay $0x1  }
0x9f: {  	s20 =	simm.s32 $_scs_section_size  }
0xa0: {  	s5 =	simm.s32 $_size__tile_overlayer_lowered;
	s6 =	simm.s32 $_tile_overlayer_lowered  }
0xa1: {  	s7 =	simm.s32 $0x1BFF;
	s21 =	sshll.u32 s6, $0x1;
	s4 =	sadd.s32 s20, s19  }
0xa2: {  	s22 =	simm.s32 $0x0;
	s5 =	sshll.u32 s5, $0x1;
	s6 =	sadd.s32 s21, s4  }
0xa3: {  	[timem:s22], [sflag:s7] =	dma.local [hbm:s6], s5  }
0xa4: {  	_ =	swait.ge [sflag:s7], s5  }
0xa5: {  	s5 =	ssub.s32 $0x0, s5;
	[sflag:s7] =	ssyncset.done $0x0  }
0xa6: {  	[sflag:s7] =	ssyncadd.s32 s5;
	_ =	sdelay $0x1  }
0xa7: {  	s23 =	simm.s32 $0x1B8B  }
0xa8: {  	_ =	swait.ge [sflag:s23], $0x1  }
0xa9: {  	[sflag:s23] =	ssyncset.done $0x0  }
0xaa: {  	[sflag:s23] =	ssyncadd.s32 $0xFFFFFFFF  }
0xab: {  	s5 =	sld [smem:$0x0]  }
0xac: {  	s6 =	sand.u32 $0xFFFFFFFE, s1  }
0xad: {  	p0 =	sne.s32 s1, s6  }
0xae: {  	s6 =	sshll.u32 @p0 s6, $0xE  }
0xaf: {  	s6 =	sadd.s32 @p0 $0x11B8D, s6;
	s7 =	sshll.u32 @p0 s5, $0x11  }
0xb0: {  	s6 =	sor.u32 @p0 s7, s6  }
0xb1: {  	[sflag:s6] =	ssyncadd.remote.s32 @p0 $0x1;
	_ =	sdelay $0x1  }
0xb2: {  	s6 =	simm.s32 @p0 $0x1B8D  }
0xb3: {  	_ =	swait.eq @p0 [sflag:s6], $0x1  }
0xb4: {  	[sflag:s6] =	ssyncadd.s32 @p0 $0xFFFFFFFF  }
0xb5: {  	s7 =	sshll.u32 @!p0 s1, $0xE  }
0xb6: {  	s7 =	sor.u32 @!p0 $0x4000, s7;
	s6 =	simm.s32 @!p0 $0x1B8D  }
0xb7: {  	s5 =	sshll.u32 @!p0 s5, $0x11;
	s7 =	sadd.s32 @!p0 $0x11B8D, s7;
	_ =	swait.eq @!p0 [sflag:s6], $0x1  }
0xb8: {  	s5 =	sor.u32 @!p0 s5, s7;
	[sflag:s6] =	ssyncadd.s32 @!p0 $0xFFFFFFFF  }
0xb9: {  	s25 =	simm.s32 $0x1B8E;
	s24 =	sld [smem:$0x3FFE];
	[sflag:s5] =	ssyncadd.remote.s32 @!p0 $0x1  }
0xba: {  	s26 =	simm.s32 $execute0_lowered;
	[smem:$0x3FD2] =	sst s25  }
0xbb: {  	s6 =	sshll.u32 s26, $0x1;
	_ =	strace $0x80000049;
	[dreg:$0x1] =	wrdreg $0xFFFFFFFF  }
0xbc: {  	s28 =	simm.s32 $_size_execute0_lowered;
	s4 =	sadd.s32 s4, s6;
	[dreg:$0x0] =	wrdreg $0x0  }
0xbd: {  	s6 =	sshll.u32 s28, $0x1;
	[dreg:$0x2] =	wrdreg s4  }
0xbe: {  	[dreg:$0x3] =	wrdreg s6  }
0xbf: {  	[dreg:$0x4] =	wrdreg $0xC0  }
0xc0: {  	_ =	task [dreg:s22], $0x5FFFF  }
0xc1: {  	[dreg:$0x1] =	wrdreg $0xFFFFFFFF  }
0xc2: {  	[dreg:$0x0] =	wrdreg $0x60  }
0xc3: {  	[dreg:$0x2] =	wrdreg s24  }
0xc4: {  	[dreg:$0x3] =	wrdreg s17  }
0xc5: {  	[dreg:$0x4] =	wrdreg $0x9  }
0xc6: {  	_ =	task.clear_ibuf [dreg:s22], $0x5FFFF;
	_ =	strace $0x90000049  }
0xc7: {  	s29 =	simm.s32 $0x9;
	_ =	strace $0x8000004B  }
0xc8: {  	_ =	swait.ge [sflag:s29], $0x1  }
0xc9: {  	[sflag:s29] =	ssyncadd.s32 $0xFFFFFFFF  }
0xca: {  	_ =	strace $0x9000004B  }
0xcb: {  	_ =	sfence  }
0xcc: {  	s30 =	sld [smem:$0x0];
	_ =	sdelay $0x2  }
0xcd: {  	s31 =	sshll.u32 s1, $0xD;
	s1 =	sshrl.u32 s1, $0x2  }
0xce: {  	s4 =	sand.u32 $0x4000, s31;
	s1 =	sadd.s32 s1, s30  }
0xcf: {  	s0 =	sor.u32 s4, s0;
	s1 =	sshll.u32 s1, $0x11  }
0xd0: {  	s0 =	sor.u32 s1, s0  }
0xd1: {  	s0 =	sadd.s32 $0x8F2B, s0  }
0xd2: {  	[sflag:s0] =	ssyncadd.remote.s32 $0x1  }
0xd3: {  	_ =	sfence.sel $0xFFFF  }
0xd4: {  	[dreg:$0x0] =	wrdreg $0xFFFFFFFF;
	(pc) =	sbr.abs _section_cstart, $3  }
0xd5: {  	[dreg:$0x1] =	wrdreg $0xFFFFFFFF  }
0xd6: {  	_ =	task.clear_ibuf [dreg:s22], $0x2FFFF;
	_ =	strace $0x9FFFFFFF  }
0xd7: {  	(tm) =	ssettm $0x7FFFFFFF  }
tec
execute0_lowered:
.L_overlay_start_1:
0x0: {  	(tag) =	ssettag $0x1  }
0x1: {  	s0 =	rddreg [dreg:$0x0]  }
0x2: {  	s1 =	rddreg [dreg:$0x1]  }
0x3: {  	s3 =	srdreg.scid;
	s12 =	stileid.u32;
	s2 =	simm.s32 $0x0  }
0x4: {  	s28 =	simm.s32 $0xD4B0;
	s29 =	simm.s32 $0x1;
	s19 =	smul.u32 $0x186A, s12  }
0x5: {  	s30 =	simm.s32 $0x2;
	s5 =	sand.u32 $0x1, s3;
	s25 =	smul.u32 $0x186A0, s12  }
0x6: {  	s31 =	simm.s32 $0x3;
	s16 =	sshll.u32 s12, $0x1;
	s11 =	smul.u32 $0xC35, s5  }
0x7: {  	s3 =	sadd.s32 $0x1A2600, s0;
	s6 =	sor.u32 s5, s16;
	s26 =	smul.u32 $0xC350, s5  }
0x8: {  	[smem:$0x7FF] =	sst s2;
	s4 =	sadd.s32 $0x269C00, s0;
	s7 =	smul.u32 $0xC35, s6  }
0x9: {  	_ =	strace $0x8000004A;
	s8 =	ssub.s32 $0x2, s5;
	s9 =	smul.u32 $0x61A80, s6  }
0xa: {  	s17 =	sshrl.u32 s8, $0x1;
	s10 =	smul.u32 $0xC350, s6;
	s6 =	sshll.u32 s6, $0x5  }
0xb: {  	s5 =	simm.s32 $0x8;
	s0 =	ssub.s32 s8, s17;
	s6 =	sadd.s32 $0xC350, s6  }
0xc: {  	s21 =	sadd.s32 s11, s19;
	s19 =	simm.s32 $0xC80;
	s18 =	sshrl.u32 s9, $0x3  }
0xd: {  	s15 =	sadd.s32 $0xC35, s7;
	s0 =	smax.u32 s0, $0x1;
	s20 =	sadd.s32 s1, s10  }
0xe: {  	s8 =	sadd.s32 s1, s18;
	[dreg:$0x4] =	wrdreg s0;
	s22 =	sadd.s32 $0xA000, s20  }
0xf: {  	s23 =	sadd.s32 $0xA800, s20;
	s24 =	sadd.s32 $0xB000, s20;
	[dreg:$0x5] =	wrdreg s22  }
0x10: {  	s0 =	sadd.s32 $0xB800, s20;
	s18 =	simm.s32 $0x9;
	[dreg:$0x6] =	wrdreg s23  }
0x11: {  	s20 =	simm.s32 $0xA;
	s8 =	sadd.s32 $0xC000, s8;
	[dreg:$0x7] =	wrdreg s24  }
0x12: {  	vm0 =	vmmov $0x1;
	v1 =	vmov s15;
	[dreg:$0x8] =	wrdreg s0;
	s22 =	simm.s32 $0x14B0;
	s23 =	simm.s32 $0x54B0  }
0x13: {  	v0 =	vmov s7;
	s0 =	simm.s32 $0x4;
	v1 =	vsel vm0, s7, v1;
	s24 =	simm.s32 $0x6;
	s7 =	simm.s32 $0x0  }
0x14: {  	[dreg:$0x3] =	wrdreg s8;
	s8 =	sshll.u32 s21, $0x4;
	s21 =	simm.s32 $0x80  }
0x15: {  	s8 =	sadd.s32 s1, s8;
	s1 =	sadd.s32 s25, s1;
	s25 =	simm.s32 $0x94B0  }
0x16: {  	v3 =	vimm.s32 $0x61A8;
	v4 =	vimm.s32 $0x0;
	s11 =	sadd.s32 $0x1800, s8;
	s12 =	sadd.s32 $0x1000, s8;
	s13 =	sadd.s32 $0x800, s8  }
0x17: {  	v5 =	vimm.s32 $0x30D4;
	v6 =	vlaneseq.u32;
	v2 =	vmov s6;
	s14 =	sadd.s32 s26, s1;
	s1 =	simm.s32 $0x5;
	s26 =	simm.s32 $0x7  }
.LBB2_1:
0x18: {  	[dreg:$0x9] =	wrdreg s7  }
0x19: {  	[tilespmem:$0x14A0] =	vst v3;
	s6 =	simm.s32 $0x10;
	s17 =	simm.s32 $0x14A0;
	s8 =	simm.s32 $0x1490  }
0x1a: {  	[tilespmem:s8], [sflag:$0x9] =	stream.indirect.gather [hbm4b:s4+s6], $0x1, s17, s6, $0xb8;
	[tilespmem:$0x114B0] =	vst v63  }
0x1b: {  	_ =	swait.ge [sflag:s18], $0x10  }
0x1c: {  	[sflag:s18] =	ssyncset.done $0x0  }
0x1d: {  	[sflag:s18] =	ssyncadd.s32 $0xFFFFFFF0  }
0x1e: {  	v7 =	vld [tilespmem:$0x1490];
	_ =	sdelay $0x4  }
0x1f: {  	vm0 =	vlt.s32 v7, v1  }
0x20: {  	v7 =	vsel vm0, $0x927C, v5  }
0x21: {  	[tilespmem:$0x14A0] =	vst v7  }
0x22: {  	[tilespmem:s8], [sflag:$0x9] =	stream.indirect.gather [hbm4b:s4+s6], $0x1, s17, s6, $0xb8;
	[tilespmem:$0x114B0] =	vst v63  }
0x23: {  	_ =	swait.ge [sflag:s18], $0x10  }
0x24: {  	[sflag:s18] =	ssyncset.done $0x0  }
0x25: {  	[sflag:s18] =	ssyncadd.s32 $0xFFFFFFF0  }
0x26: {  	v8 =	vld [tilespmem:$0x1490];
	_ =	sdelay $0x4  }
0x27: {  	v9 =	vsel vm0, $0xC350, v3;
	vm1 =	vlt.s32 v8, v1  }
0x28: {  	v10 =	vor.u32 $0x1, v7;
	v8 =	vsel vm0, $0x61A9, v4;
	v7 =	vsel vm1, v9, v7  }
0x29: {  	v8 =	vsel vm1, v10, v8;
	v9 =	vadd.s32 $0xFFFFFFFF, v7  }
0x2a: {  	v10 =	vxor.u32 v9, v8  }
0x2b: {  	v9 =	vor.u32 v9, v8;
	v10 =	vshrl.u32 v10, $0x1  }
0x2c: {  	v9 =	vsub.s32 v9, v10  }
0x2d: {  	[tilespmem:$0x14A0] =	vst v9  }
0x2e: {  	[tilespmem:s8], [sflag:$0x9] =	stream.indirect.gather [hbm4b:s4+s6], $0x1, s17, s6, $0xb8;
	[tilespmem:$0x114B0] =	vst v63  }
0x2f: {  	_ =	swait.ge [sflag:s18], $0x10  }
0x30: {  	[sflag:s18] =	ssyncset.done $0x0  }
0x31: {  	[sflag:s18] =	ssyncadd.s32 $0xFFFFFFF0  }
0x32: {  	v10 =	vld [tilespmem:$0x1490];
	_ =	sdelay $0x4  }
0x33: {  	vm14 =	vlt.u32 v8, v7;
	vm15 =	vlt.s32 v10, v1;
	vm2 =	vge.s32 v10, v1  }
0x34: {  	v10 =	vor.u32 $0x1, v9;
	vm1 =	vmand vm14, vm15;
	vm0 =	vmand vm14, vm2  }
0x35: {  	v8 =	vsel vm1, v10, v8;
	v7 =	vsel vm0, v9, v7  }
0x36: {  	v9 =	vxor.u32 v7, v8  }
0x37: {  	v10 =	vand.u32 v7, v8;
	v9 =	vshrl.u32 v9, $0x1  }
0x38: {  	v9 =	vadd.s32 v9, v10  }
0x39: {  	[tilespmem:$0x14A0] =	vst v9  }
0x3a: {  	[tilespmem:s8], [sflag:$0x9] =	stream.indirect.gather [hbm4b:s4+s6], $0x1, s17, s6, $0xb8;
	[tilespmem:$0x114B0] =	vst v63  }
0x3b: {  	_ =	swait.ge [sflag:s18], $0x10  }
0x3c: {  	[sflag:s18] =	ssyncset.done $0x0  }
0x3d: {  	[sflag:s18] =	ssyncadd.s32 $0xFFFFFFF0  }
0x3e: {  	v10 =	vld [tilespmem:$0x1490];
	_ =	sdelay $0x4  }
0x3f: {  	vm0 =	vlt.u32 v8, v7;
	vm4 =	vlt.s32 v10, v1;
	vm5 =	vge.s32 v10, v1  }
0x40: {  	v10 =	vadd.s32 $0x1, v9;
	vm1 =	vmand vm0, vm4;
	vm0 =	vmand vm0, vm5  }
0x41: {  	v8 =	vsel vm1, v10, v8;
	v7 =	vsel vm0, v9, v7  }
0x42: {  	v9 =	vadd.s32 v7, v8  }
0x43: {  	v9 =	vshrl.u32 v9, $0x1  }
0x44: {  	[tilespmem:$0x14A0] =	vst v9  }
0x45: {  	[tilespmem:s8], [sflag:$0x9] =	stream.indirect.gather [hbm4b:s4+s6], $0x1, s17, s6, $0xb8;
	[tilespmem:$0x114B0] =	vst v63  }
0x46: {  	_ =	swait.ge [sflag:s18], $0x10  }
0x47: {  	[sflag:s18] =	ssyncset.done $0x0  }
0x48: {  	[sflag:s18] =	ssyncadd.s32 $0xFFFFFFF0  }
0x49: {  	v10 =	vld [tilespmem:$0x1490];
	_ =	sdelay $0x4  }
0x4a: {  	vm0 =	vlt.u32 v8, v7;
	vm6 =	vlt.s32 v10, v1;
	vm7 =	vge.s32 v10, v1  }
0x4b: {  	v10 =	vadd.s32 $0x1, v9;
	vm1 =	vmand vm0, vm6;
	vm0 =	vmand vm0, vm7  }
0x4c: {  	v8 =	vsel vm1, v10, v8;
	v7 =	vsel vm0, v9, v7  }
0x4d: {  	v9 =	vadd.s32 v7, v8  }
0x4e: {  	v9 =	vshrl.u32 v9, $0x1  }
0x4f: {  	[tilespmem:$0x14A0] =	vst v9  }
0x50: {  	[tilespmem:s8], [sflag:$0x9] =	stream.indirect.gather [hbm4b:s4+s6], $0x1, s17, s6, $0xb8;
	[tilespmem:$0x114B0] =	vst v63  }
0x51: {  	_ =	swait.ge [sflag:s18], $0x10  }
0x52: {  	[sflag:s18] =	ssyncset.done $0x0  }
0x53: {  	[sflag:s18] =	ssyncadd.s32 $0xFFFFFFF0  }
0x54: {  	v10 =	vld [tilespmem:$0x1490];
	_ =	sdelay $0x4  }
0x55: {  	vm0 =	vlt.u32 v8, v7;
	vm8 =	vlt.s32 v10, v1;
	vm9 =	vge.s32 v10, v1  }
0x56: {  	v10 =	vadd.s32 $0x1, v9;
	vm1 =	vmand vm0, vm8;
	vm0 =	vmand vm0, vm9  }
0x57: {  	v8 =	vsel vm1, v10, v8;
	v7 =	vsel vm0, v9, v7  }
0x58: {  	v9 =	vadd.s32 v7, v8  }
0x59: {  	v9 =	vshrl.u32 v9, $0x1  }
0x5a: {  	[tilespmem:$0x14A0] =	vst v9  }
0x5b: {  	[tilespmem:s8], [sflag:$0x9] =	stream.indirect.gather [hbm4b:s4+s6], $0x1, s17, s6, $0xb8;
	[tilespmem:$0x114B0] =	vst v63  }
0x5c: {  	_ =	swait.ge [sflag:s18], $0x10  }
0x5d: {  	[sflag:s18] =	ssyncset.done $0x0  }
0x5e: {  	[sflag:s18] =	ssyncadd.s32 $0xFFFFFFF0  }
0x5f: {  	v10 =	vld [tilespmem:$0x1490];
	_ =	sdelay $0x4  }
0x60: {  	vm0 =	vlt.u32 v8, v7;
	vm10 =	vlt.s32 v10, v1;
	vm11 =	vge.s32 v10, v1  }
0x61: {  	v10 =	vadd.s32 $0x1, v9;
	vm1 =	vmand vm0, vm10;
	vm0 =	vmand vm0, vm11  }
0x62: {  	v8 =	vsel vm1, v10, v8;
	v7 =	vsel vm0, v9, v7  }
0x63: {  	v9 =	vadd.s32 v7, v8  }
0x64: {  	v9 =	vshrl.u32 v9, $0x1  }
0x65: {  	[tilespmem:$0x14A0] =	vst v9  }
0x66: {  	[tilespmem:s8], [sflag:$0x9] =	stream.indirect.gather [hbm4b:s4+s6], $0x1, s17, s6, $0xb8;
	[tilespmem:$0x114B0] =	vst v63  }
0x67: {  	_ =	swait.ge [sflag:s18], $0x10  }
0x68: {  	[sflag:s18] =	ssyncset.done $0x0  }
0x69: {  	[sflag:s18] =	ssyncadd.s32 $0xFFFFFFF0  }
0x6a: {  	v10 =	vld [tilespmem:$0x1490];
	_ =	sdelay $0x4  }
0x6b: {  	vm0 =	vlt.u32 v8, v7;
	vm12 =	vlt.s32 v10, v1;
	vm13 =	vge.s32 v10, v1  }
0x6c: {  	v10 =	vadd.s32 $0x1, v9;
	vm1 =	vmand vm0, vm12;
	vm0 =	vmand vm0, vm13  }
0x6d: {  	v8 =	vsel vm1, v10, v8;
	v7 =	vsel vm0, v9, v7  }
0x6e: {  	v9 =	vadd.s32 v7, v8  }
0x6f: {  	v9 =	vshrl.u32 v9, $0x1  }
0x70: {  	[tilespmem:$0x14A0] =	vst v9  }
0x71: {  	[tilespmem:s8], [sflag:$0x9] =	stream.indirect.gather [hbm4b:s4+s6], $0x1, s17, s6, $0xb8;
	[tilespmem:$0x114B0] =	vst v63  }
0x72: {  	_ =	swait.ge [sflag:s18], $0x10  }
0x73: {  	[sflag:s18] =	ssyncset.done $0x0  }
0x74: {  	[sflag:s18] =	ssyncadd.s32 $0xFFFFFFF0  }
0x75: {  	v10 =	vld [tilespmem:$0x1490];
	_ =	sdelay $0x4  }
0x76: {  	vm0 =	vlt.u32 v8, v7;
	vm14 =	vlt.s32 v10, v1;
	vm15 =	vge.s32 v10, v1  }
0x77: {  	v10 =	vadd.s32 $0x1, v9;
	vm1 =	vmand vm0, vm14;
	vm0 =	vmand vm0, vm15  }
0x78: {  	v8 =	vsel vm1, v10, v8;
	v7 =	vsel vm0, v9, v7  }
0x79: {  	v9 =	vadd.s32 v7, v8  }
0x7a: {  	v9 =	vshrl.u32 v9, $0x1  }
0x7b: {  	[tilespmem:$0x14A0] =	vst v9  }
0x7c: {  	[tilespmem:s8], [sflag:$0x9] =	stream.indirect.gather [hbm4b:s4+s6], $0x1, s17, s6, $0xb8;
	[tilespmem:$0x114B0] =	vst v63  }
0x7d: {  	_ =	swait.ge [sflag:s18], $0x10  }
0x7e: {  	[sflag:s18] =	ssyncset.done $0x0  }
0x7f: {  	[sflag:s18] =	ssyncadd.s32 $0xFFFFFFF0  }
0x80: {  	v10 =	vld [tilespmem:$0x1490];
	_ =	sdelay $0x4  }
0x81: {  	vm0 =	vlt.u32 v8, v7;
	vm4 =	vlt.s32 v10, v1;
	vm5 =	vge.s32 v10, v1  }
0x82: {  	v10 =	vadd.s32 $0x1, v9;
	vm1 =	vmand vm0, vm4;
	vm0 =	vmand vm0, vm5  }
0x83: {  	v8 =	vsel vm1, v10, v8;
	v7 =	vsel vm0, v9, v7  }
0x84: {  	v9 =	vadd.s32 v7, v8  }
0x85: {  	v9 =	vshrl.u32 v9, $0x1  }
0x86: {  	[tilespmem:$0x14A0] =	vst v9  }
0x87: {  	[tilespmem:s8], [sflag:$0x9] =	stream.indirect.gather [hbm4b:s4+s6], $0x1, s17, s6, $0xb8;
	[tilespmem:$0x114B0] =	vst v63  }
0x88: {  	_ =	swait.ge [sflag:s18], $0x10  }
0x89: {  	[sflag:s18] =	ssyncset.done $0x0  }
0x8a: {  	[sflag:s18] =	ssyncadd.s32 $0xFFFFFFF0  }
0x8b: {  	v10 =	vld [tilespmem:$0x1490];
	_ =	sdelay $0x4  }
0x8c: {  	vm0 =	vlt.u32 v8, v7;
	vm6 =	vlt.s32 v10, v1;
	vm7 =	vge.s32 v10, v1  }
0x8d: {  	v10 =	vadd.s32 $0x1, v9;
	vm1 =	vmand vm0, vm6;
	vm0 =	vmand vm0, vm7  }
0x8e: {  	v8 =	vsel vm1, v10, v8;
	v7 =	vsel vm0, v9, v7  }
0x8f: {  	v9 =	vadd.s32 v7, v8  }
0x90: {  	v9 =	vshrl.u32 v9, $0x1  }
0x91: {  	[tilespmem:$0x14A0] =	vst v9  }
0x92: {  	[tilespmem:s8], [sflag:$0x9] =	stream.indirect.gather [hbm4b:s4+s6], $0x1, s17, s6, $0xb8;
	[tilespmem:$0x114B0] =	vst v63  }
0x93: {  	_ =	swait.ge [sflag:s18], $0x10  }
0x94: {  	[sflag:s18] =	ssyncset.done $0x0  }
0x95: {  	[sflag:s18] =	ssyncadd.s32 $0xFFFFFFF0  }
0x96: {  	v10 =	vld [tilespmem:$0x1490];
	_ =	sdelay $0x4  }
0x97: {  	vm0 =	vlt.u32 v8, v7;
	vm8 =	vlt.s32 v10, v1;
	vm9 =	vge.s32 v10, v1  }
0x98: {  	v10 =	vadd.s32 $0x1, v9;
	vm1 =	vmand vm0, vm8;
	vm0 =	vmand vm0, vm9  }
0x99: {  	v8 =	vsel vm1, v10, v8;
	v7 =	vsel vm0, v9, v7  }
0x9a: {  	v9 =	vadd.s32 v7, v8  }
0x9b: {  	v9 =	vshrl.u32 v9, $0x1  }
0x9c: {  	[tilespmem:$0x14A0] =	vst v9  }
0x9d: {  	[tilespmem:s8], [sflag:$0x9] =	stream.indirect.gather [hbm4b:s4+s6], $0x1, s17, s6, $0xb8;
	[tilespmem:$0x114B0] =	vst v63  }
0x9e: {  	_ =	swait.ge [sflag:s18], $0x10  }
0x9f: {  	[sflag:s18] =	ssyncset.done $0x0  }
0xa0: {  	[sflag:s18] =	ssyncadd.s32 $0xFFFFFFF0  }
0xa1: {  	v10 =	vld [tilespmem:$0x1490];
	_ =	sdelay $0x4  }
0xa2: {  	vm0 =	vlt.u32 v8, v7;
	vm10 =	vlt.s32 v10, v1;
	vm11 =	vge.s32 v10, v1  }
0xa3: {  	v10 =	vadd.s32 $0x1, v9;
	vm1 =	vmand vm0, vm10;
	vm0 =	vmand vm0, vm11  }
0xa4: {  	v8 =	vsel vm1, v10, v8;
	v7 =	vsel vm0, v9, v7  }
0xa5: {  	v9 =	vadd.s32 v7, v8  }
0xa6: {  	v9 =	vshrl.u32 v9, $0x1  }
0xa7: {  	[tilespmem:$0x14A0] =	vst v9  }
0xa8: {  	[tilespmem:s8], [sflag:$0x9] =	stream.indirect.gather [hbm4b:s4+s6], $0x1, s17, s6, $0xb8;
	[tilespmem:$0x114B0] =	vst v63  }
0xa9: {  	_ =	swait.ge [sflag:s18], $0x10  }
0xaa: {  	[sflag:s18] =	ssyncset.done $0x0  }
0xab: {  	[sflag:s18] =	ssyncadd.s32 $0xFFFFFFF0  }
0xac: {  	v10 =	vld [tilespmem:$0x1490];
	_ =	sdelay $0x4  }
0xad: {  	vm0 =	vlt.u32 v8, v7;
	vm12 =	vlt.s32 v10, v1;
	vm13 =	vge.s32 v10, v1  }
0xae: {  	v10 =	vadd.s32 $0x1, v9;
	vm1 =	vmand vm0, vm12;
	vm0 =	vmand vm0, vm13  }
0xaf: {  	v8 =	vsel vm1, v10, v8;
	v9 =	vsel vm0, v9, v7  }
0xb0: {  	v7 =	vadd.s32 v9, v8  }
0xb1: {  	v10 =	vshrl.u32 v7, $0x1  }
0xb2: {  	[tilespmem:$0x14A0] =	vst v10  }
0xb3: {  	[tilespmem:s8], [sflag:$0x9] =	stream.indirect.gather [hbm4b:s4+s6], $0x1, s17, s6, $0xb8;
	[tilespmem:$0x114B0] =	vst v63  }
0xb4: {  	_ =	swait.ge [sflag:s18], $0x10  }
0xb5: {  	[sflag:s18] =	ssyncset.done $0x0  }
0xb6: {  	[sflag:s18] =	ssyncadd.s32 $0xFFFFFFF0  }
0xb7: {  	v7 =	vld [tilespmem:$0x1490];
	_ =	sdelay $0x4  }
0xb8: {  	vm0 =	vlt.u32 v8, v9;
	vm14 =	vlt.s32 v7, v1;
	vm15 =	vge.s32 v7, v1  }
0xb9: {  	v7 =	vadd.s32 $0x1, v10;
	vm1 =	vmand vm0, vm14;
	vm0 =	vmand vm0, vm15  }
0xba: {  	v7 =	vsel vm1, v7, v8;
	v9 =	vsel vm0, v10, v9  }
0xbb: {  	v8 =	vadd.s32 v9, v7  }
0xbc: {  	v8 =	vshrl.u32 v8, $0x1  }
0xbd: {  	[tilespmem:$0x14A0] =	vst v8  }
0xbe: {  	[tilespmem:s8], [sflag:$0x9] =	stream.indirect.gather [hbm4b:s4+s6], $0x1, s17, s6, $0xb8;
	[tilespmem:$0x114B0] =	vst v63  }
0xbf: {  	_ =	swait.ge [sflag:s18], $0x10  }
0xc0: {  	[sflag:s18] =	ssyncset.done $0x0  }
0xc1: {  	[sflag:s18] =	ssyncadd.s32 $0xFFFFFFF0  }
0xc2: {  	s7 =	simm.s32 $0x40;
	s6 =	simm.s32 $0x0;
	v10 =	vld [tilespmem:$0x1490]  }
.LBB2_2:
0xc3: {  	p0 =	sne.s32 s7, $0x31C0;
	[tilespmem:s6+$0x0] =	vst v2;
	s6 =	smov.u32 s7;
	s7 =	sadd.s32 $0x40, s7  }
.Ltmp0:
0xc4: {  	(pc) =	sbr.rel @p0 .LBB2_2-.Ltmp0, $2  }
0xc5: {  	_ =	sdelay $0x2  }
0xc6: {  	s6 =	sshra.s32 s6, $0x2  }
0xc7: {  	vm0 =	vlt.u32 v7, v9;
	vm1 =	vlt.s32 v10, v1  }
0xc8: {  	v8 =	vadd.s32 $0x1, v8;
	vm0 =	vmand vm0, vm1  }
0xc9: {  	v8 =	vsel vm0, v8, v7  }
0xca: {  	(v2sf) =	vpush v8, $0x0;
	_ =	sdelay $0x3  }
0xcb: {  	(v2sf) =	vpush v8, $0x1;
	_ =	sdelay $0xa  }
0xcc: {  	s7 =	spop (v2sf)  }
0xcd: {  	s8 =	sshra.s32 s7, $0x1F  }
0xce: {  	s8 =	sshrl.u32 s8, $0x1D  }
0xcf: {  	s7 =	sadd.s32 s8, s7  }
0xd0: {  	s17 =	spop (v2sf);
	s15 =	sand.u32 $0xFFFFFFF8, s7  }
0xd1: {  	s7 =	ssub.s32 s17, s15  }
0xd2: {  	s7 =	sadd.s32 $0x7FF, s7  }
0xd3: {  	p0 =	slt.s32 s7, $0x800  }
.Ltmp1:
0xd4: {  	_ = 	snop;
	(pc) =	sbr.rel @p0 .LBB2_8-.Ltmp1, $2  }
0xd5: {  	_ =	sdelay $0x2  }
0xd6: {  	[tilespmem:s6+$0x0] =	vst v2  }
0xd7: {  	s6 =	sshra.s32 s7, $0x1F  }
0xd8: {  	s6 =	sshrl.u32 s6, $0x15  }
0xd9: {  	s9 =	simm.s32 $0x0;
	s6 =	sadd.s32 s6, s7  }
0xda: {  	v7 =	vbroadcast v8, $0x0;
	v8 =	vbroadcast v8, $0x1;
	s10 =	smov.u32 s15;
	s8 =	sshra.s32 s6, $0xB;
	s6 =	simm.s32 $0x0  }
.LBB2_5:
0xdb: {  	s7 =	sshll.u32 s6, $0xB  }
0xdc: {  	s7 =	sadd.s32 s15, s7  }
0xdd: {  	s7 =	sshrl.u32 s7, $0x3  }
0xde: {  	s7 =	sadd.s32 s4, s7  }
0xdf: {  	[tilespmem:s19], [sflag:$0xA] =	stream.linear.gather [hbm4b:s7+s9], $0x810, $0x38;
	[tilespmem:$0x114B0] =	vst v63  }
0xe0: {  	_ =	swait.ge [sflag:s20], $0x810  }
0xe1: {  	[sflag:s20] =	ssyncset.done $0x0  }
0xe2: {  	s17 =	simm.s32 $0x0;
	[sflag:s20] =	ssyncadd.s32 $0xFFFFF7F0  }
0xe3: {  	v9 =	vld [tilespmem:s17+$0xC81]  }
0xe4: {  	v10 =	vld [tilespmem:s17+$0xC80];
	_ =	sdelay $0x2  }
0xe5: {  	v11 =	vadd.s32 s10, v6  }
0xe6: {  	vm0 =	vge.s32 v11, v7;
	vm1 =	vlt.s32 v11, v8  }
0xe7: {  	vm0 =	vmand vm0, vm1;
	vm15 =	vne.s32 v10, v9  }
0xe8: {  	v9 =	vsub.s32 v10, v0;
	vm0 =	vmand vm0, vm15  }
0xe9: {  	v9 =	vnsel vm0, $0x0, v9;
	_ =	sdelay $0x4  }
0xea: {  	s17 =	simm.s32 $0x10;
	[tilespmem:v9+s2+$0x0] =	vst.idx.msk vm0, v11  }
0xeb: {  	s16 =	simm.s32 $0x80;
	s7 =	smov.u32 s10;
	v9 =	vld [tilespmem:s17+$0xC81]  }
.LBB2_6:
0xec: {  	p0 =	sne.s32 s16, $0x1FC0;
	v10 =	vld [tilespmem:s17+$0xC80];
	_ =	sdelay $0x1  }
0xed: {  	s7 =	sadd.s32 $0x10, s7  }
0xee: {  	v11 =	vadd.s32 s7, v6  }
0xef: {  	vm0 =	vge.s32 v11, v7;
	vm1 =	vlt.s32 v11, v8  }
0xf0: {  	vm0 =	vmand vm0, vm1;
	vm1 =	vne.s32 v10, v9  }
0xf1: {  	v9 =	vsub.s32 v10, v0;
	vm0 =	vmand vm0, vm1  }
0xf2: {  	v9 =	vnsel vm0, $0x0, v9;
	_ =	sdelay $0x1  }
.Ltmp2:
0xf3: {  	(pc) =	sbr.rel @p0 .LBB2_6-.Ltmp2, $3  }
0xf4: {  	_ =	sdelay $0x1  }
0xf5: {  	s17 =	sshra.s32 s16, $0x2;
	[tilespmem:v9+s2+$0x0] =	vst.idx.msk vm0, v11  }
0xf6: {  	s16 =	sadd.s32 $0x40, s16;
	v9 =	vld [tilespmem:s17+$0xC81]  }
0xf7: {  	v10 =	vld [tilespmem:s17+$0xC80];
	_ =	sdelay $0x1  }
0xf8: {  	s7 =	sadd.s32 $0x10, s7  }
0xf9: {  	v11 =	vadd.s32 s7, v6  }
0xfa: {  	vm0 =	vge.s32 v11, v7;
	vm1 =	vlt.s32 v11, v8  }
0xfb: {  	vm0 =	vmand vm0, vm1;
	vm15 =	vne.s32 v10, v9  }
0xfc: {  	s6 =	sadd.s32 $0x1, s6;
	v9 =	vsub.s32 v10, v0;
	vm0 =	vmand vm0, vm15  }
0xfd: {  	p0 =	sne.s32 s6, s8;
	v9 =	vnsel vm0, $0x0, v9  }
.Ltmp3:
0xfe: {  	_ = 	snop;
	(pc) =	sbr.rel @p0 .LBB2_5-.Ltmp3, $2  }
0xff: {  	_ =	sdelay $0x2  }
0x100: {  	s10 =	sadd.s32 $0x800, s10;
	[tilespmem:v9+s2+$0x0] =	vst.idx.msk vm0, v11  }
.LBB2_8:
0x101: {  	s6 =	simm.s32 $0x0  }
0x102: {  	[tilespmem:s22], [sflag:$0x1] =	stream.indirect.gather [hbm4b:s3+s21], $0x80, s6, s21, $0xb8;
	[tilespmem:$0x114B0] =	vst v63  }
0x103: {  	_ = 	snop  }
0x104: {  	[tilespmem:s23], [sflag:$0x2] =	stream.indirect.gather [hbm4b:s3+s21], $0x80, s21, s21, $0xb8;
	[tilespmem:$0x114B0] =	vst v63  }
0x105: {  	s16 =	simm.s32 $0x100  }
0x106: {  	[tilespmem:s25], [sflag:$0x3] =	stream.indirect.gather [hbm4b:s3+s21], $0x80, s16, s21, $0xb8;
	[tilespmem:$0x114B0] =	vst v63  }
0x107: {  	s17 =	simm.s32 $0x180  }
0x108: {  	[tilespmem:s28], [sflag:$0x4] =	stream.indirect.gather [hbm4b:s3+s21], $0x80, s17, s21, $0xb8;
	[tilespmem:$0x114B0] =	vst v63  }
0x109: {  	_ =	swait.ge [sflag:s29], $0x4000  }
0x10a: {  	[sflag:s29] =	ssyncset.done $0x0  }
0x10b: {  	s7 =	sadd.s32 $0x0, s14;
	[sflag:s29] =	ssyncadd.s32 $0xFFFFC000  }
0x10c: {  	[hbm4b:s7+s2] =	stream.linear.scatter [tilespmem:s22], [sflag:$0x5], $0x4000, $0x38;
	[tilespmem:$0x114B0] =	vst v63  }
0x10d: {  	_ =	swait.ge [sflag:s30], $0x4000  }
0x10e: {  	[sflag:s30] =	ssyncset.done $0x0  }
0x10f: {  	s8 =	sadd.s32 $0x0, s13;
	[sflag:s30] =	ssyncadd.s32 $0xFFFFC000  }
0x110: {  	[hbm4b:s8+s2] =	stream.linear.scatter [tilespmem:s23], [sflag:$0x6], $0x4000, $0x38;
	[tilespmem:$0x114B0] =	vst v63  }
0x111: {  	_ =	swait.ge [sflag:s31], $0x4000  }
0x112: {  	[sflag:s31] =	ssyncset.done $0x0  }
0x113: {  	s9 =	sadd.s32 $0x0, s12;
	[sflag:s31] =	ssyncadd.s32 $0xFFFFC000  }
0x114: {  	[hbm4b:s9+s2] =	stream.linear.scatter [tilespmem:s25], [sflag:$0x7], $0x4000, $0x38;
	[tilespmem:$0x114B0] =	vst v63  }
0x115: {  	_ =	swait.ge [sflag:s0], $0x4000  }
0x116: {  	[sflag:s0] =	ssyncset.done $0x0  }
0x117: {  	s10 =	sadd.s32 $0x0, s11;
	[sflag:s0] =	ssyncadd.s32 $0xFFFFC000  }
0x118: {  	[hbm4b:s10+s2] =	stream.linear.scatter [tilespmem:s28], [sflag:$0x8], $0x4000, $0x38;
	[tilespmem:$0x114B0] =	vst v63  }
0x119: {  	_ =	swait.ge [sflag:s1], $0x4000  }
0x11a: {  	[sflag:s1] =	ssyncset.done $0x0  }
0x11b: {  	s15 =	simm.s32 $0x200;
	[sflag:s1] =	ssyncadd.s32 $0xFFFFC000  }
0x11c: {  	[tilespmem:s22], [sflag:$0x1] =	stream.indirect.gather [hbm4b:s3+s21], $0x80, s15, s21, $0xb8;
	[tilespmem:$0x114B0] =	vst v63  }
0x11d: {  	_ =	swait.ge [sflag:s24], $0x4000  }
0x11e: {  	[sflag:s24] =	ssyncset.done $0x0  }
0x11f: {  	s16 =	simm.s32 $0x280;
	[sflag:s24] =	ssyncadd.s32 $0xFFFFC000  }
0x120: {  	[tilespmem:s23], [sflag:$0x2] =	stream.indirect.gather [hbm4b:s3+s21], $0x80, s16, s21, $0xb8;
	[tilespmem:$0x114B0] =	vst v63  }
0x121: {  	_ =	swait.ge [sflag:s26], $0x4000  }
0x122: {  	[sflag:s26] =	ssyncset.done $0x0  }
0x123: {  	s17 =	simm.s32 $0x300;
	[sflag:s26] =	ssyncadd.s32 $0xFFFFC000  }
0x124: {  	[tilespmem:s25], [sflag:$0x3] =	stream.indirect.gather [hbm4b:s3+s21], $0x80, s17, s21, $0xb8;
	[tilespmem:$0x114B0] =	vst v63  }
0x125: {  	_ =	swait.ge [sflag:s5], $0x4000  }
0x126: {  	s7 =	simm.s32 $0x380;
	[sflag:s5] =	ssyncset.done $0x0  }
0x127: {  	s8 =	simm.s32 $0x2000;
	s9 =	simm.s32 $0x580;
	[sflag:s5] =	ssyncadd.s32 $0xFFFFC000  }
.LBB2_9:
0x128: {  	[tilespmem:s28], [sflag:$0x4] =	stream.indirect.gather [hbm4b:s3+s21], $0x80, s7, s21, $0xb8;
	[tilespmem:$0x114B0] =	vst v63  }
0x129: {  	s6 =	smov.u32 s8;
	s7 =	smov.u32 s9  }
0x12a: {  	p0 =	sne.s32 s8, $0x8000;
	s8 =	sadd.s32 $0x2000, s8;
	_ =	swait.ge [sflag:s29], $0x4000  }
0x12b: {  	[sflag:s29] =	ssyncset.done $0x0  }
0x12c: {  	s10 =	sadd.s32 s6, s14;
	[sflag:s29] =	ssyncadd.s32 $0xFFFFC000  }
0x12d: {  	[hbm4b:s10+s2] =	stream.linear.scatter [tilespmem:s22], [sflag:$0x5], $0x4000, $0x38;
	[tilespmem:$0x114B0] =	vst v63  }
0x12e: {  	_ =	swait.ge [sflag:s30], $0x4000  }
0x12f: {  	[sflag:s30] =	ssyncset.done $0x0  }
0x130: {  	s10 =	sadd.s32 s6, s13;
	[sflag:s30] =	ssyncadd.s32 $0xFFFFC000  }
0x131: {  	[hbm4b:s10+s2] =	stream.linear.scatter [tilespmem:s23], [sflag:$0x6], $0x4000, $0x38;
	[tilespmem:$0x114B0] =	vst v63  }
0x132: {  	_ =	swait.ge [sflag:s31], $0x4000  }
0x133: {  	[sflag:s31] =	ssyncset.done $0x0  }
0x134: {  	s10 =	sadd.s32 s6, s12;
	[sflag:s31] =	ssyncadd.s32 $0xFFFFC000  }
0x135: {  	[hbm4b:s10+s2] =	stream.linear.scatter [tilespmem:s25], [sflag:$0x7], $0x4000, $0x38;
	[tilespmem:$0x114B0] =	vst v63  }
0x136: {  	_ =	swait.ge [sflag:s0], $0x4000  }
0x137: {  	[sflag:s0] =	ssyncset.done $0x0  }
0x138: {  	s6 =	sadd.s32 s6, s11;
	[sflag:s0] =	ssyncadd.s32 $0xFFFFC000  }
0x139: {  	[hbm4b:s6+s2] =	stream.linear.scatter [tilespmem:s28], [sflag:$0x8], $0x4000, $0x38;
	[tilespmem:$0x114B0] =	vst v63  }
0x13a: {  	_ =	swait.ge [sflag:s1], $0x4000  }
0x13b: {  	[sflag:s1] =	ssyncset.done $0x0  }
0x13c: {  	s6 =	sadd.s32 $0xFFFFFE80, s9;
	[sflag:s1] =	ssyncadd.s32 $0xFFFFC000  }
0x13d: {  	[tilespmem:s22], [sflag:$0x1] =	stream.indirect.gather [hbm4b:s3+s21], $0x80, s6, s21, $0xb8;
	[tilespmem:$0x114B0] =	vst v63  }
0x13e: {  	_ =	swait.ge [sflag:s24], $0x4000  }
0x13f: {  	[sflag:s24] =	ssyncset.done $0x0  }
0x140: {  	s6 =	sadd.s32 $0xFFFFFF00, s9;
	[sflag:s24] =	ssyncadd.s32 $0xFFFFC000  }
0x141: {  	[tilespmem:s23], [sflag:$0x2] =	stream.indirect.gather [hbm4b:s3+s21], $0x80, s6, s21, $0xb8;
	[tilespmem:$0x114B0] =	vst v63  }
0x142: {  	_ =	swait.ge [sflag:s26], $0x4000  }
0x143: {  	[sflag:s26] =	ssyncset.done $0x0  }
.Ltmp4:
0x144: {  	s6 =	sadd.s32 $0xFFFFFF80, s9;
	[sflag:s26] =	ssyncadd.s32 $0xFFFFC000;
	(pc) =	sbr.rel @p0 .LBB2_9-.Ltmp4, $4  }
0x145: {  	[tilespmem:s25], [sflag:$0x3] =	stream.indirect.gather [hbm4b:s3+s21], $0x80, s6, s21, $0xb8;
	[tilespmem:$0x114B0] =	vst v63  }
0x146: {  	_ =	swait.ge [sflag:s5], $0x4000  }
0x147: {  	[sflag:s5] =	ssyncset.done $0x0  }
0x148: {  	s9 =	sadd.s32 $0x200, s9;
	[sflag:s5] =	ssyncadd.s32 $0xFFFFC000  }
0x149: {  	[tilespmem:s28], [sflag:$0x4] =	stream.indirect.gather [hbm4b:s3+s21], $0x80, s7, s21, $0xb8;
	[tilespmem:$0x114B0] =	vst v63  }
0x14a: {  	_ =	swait.ge [sflag:s29], $0x4000  }
0x14b: {  	[sflag:s29] =	ssyncset.done $0x0  }
0x14c: {  	s6 =	rddreg [dreg:$0x5];
	[sflag:s29] =	ssyncadd.s32 $0xFFFFC000  }
0x14d: {  	[hbm4b:s6+s2] =	stream.linear.scatter [tilespmem:s22], [sflag:$0x5], $0x4000, $0x38;
	[tilespmem:$0x114B0] =	vst v63  }
0x14e: {  	_ =	swait.ge [sflag:s30], $0x4000  }
0x14f: {  	[sflag:s30] =	ssyncset.done $0x0  }
0x150: {  	s7 =	rddreg [dreg:$0x6];
	[sflag:s30] =	ssyncadd.s32 $0xFFFFC000  }
0x151: {  	[hbm4b:s7+s2] =	stream.linear.scatter [tilespmem:s23], [sflag:$0x6], $0x4000, $0x38;
	[tilespmem:$0x114B0] =	vst v63  }
0x152: {  	_ =	swait.ge [sflag:s31], $0x4000  }
0x153: {  	[sflag:s31] =	ssyncset.done $0x0  }
0x154: {  	s8 =	rddreg [dreg:$0x7];
	[sflag:s31] =	ssyncadd.s32 $0xFFFFC000  }
0x155: {  	[hbm4b:s8+s2] =	stream.linear.scatter [tilespmem:s25], [sflag:$0x7], $0x4000, $0x38;
	[tilespmem:$0x114B0] =	vst v63  }
0x156: {  	_ =	swait.ge [sflag:s0], $0x4000  }
0x157: {  	[sflag:s0] =	ssyncset.done $0x0  }
0x158: {  	s9 =	rddreg [dreg:$0x8];
	[sflag:s0] =	ssyncadd.s32 $0xFFFFC000  }
0x159: {  	[hbm4b:s9+s2] =	stream.linear.scatter [tilespmem:s28], [sflag:$0x8], $0x4000, $0x38;
	[tilespmem:$0x114B0] =	vst v63  }
0x15a: {  	_ =	swait.ge [sflag:s1], $0x4000  }
0x15b: {  	[sflag:s1] =	ssyncset.done $0x0  }
0x15c: {  	[sflag:s1] =	ssyncadd.s32 $0xFFFFC000  }
0x15d: {  	_ =	swait.ge [sflag:s24], $0x4000  }
0x15e: {  	[sflag:s24] =	ssyncset.done $0x0  }
0x15f: {  	[sflag:s24] =	ssyncadd.s32 $0xFFFFC000  }
0x160: {  	_ =	swait.ge [sflag:s26], $0x4000  }
0x161: {  	[sflag:s26] =	ssyncset.done $0x0  }
0x162: {  	[sflag:s26] =	ssyncadd.s32 $0xFFFFC000  }
0x163: {  	_ =	swait.ge [sflag:s5], $0x4000  }
0x164: {  	[sflag:s5] =	ssyncset.done $0x0  }
0x165: {  	s10 =	simm.s32 $0xC00;
	[sflag:s5] =	ssyncadd.s32 $0xFFFFC000  }
0x166: {  	[tilespmem:s22], [sflag:$0x1] =	stream.indirect.gather [hbm4b:s3+s21], $0x80, s10, s21, $0xb8;
	[tilespmem:$0x114B0] =	vst v63  }
0x167: {  	_ =	swait.ge [sflag:s29], $0x4000  }
0x168: {  	[sflag:s29] =	ssyncset.done $0x0  }
0x169: {  	s15 =	rddreg [dreg:$0x3];
	[sflag:s29] =	ssyncadd.s32 $0xFFFFC000  }
0x16a: {  	[hbm4b:s15+s2] =	stream.linear.scatter [tilespmem:s22], [sflag:$0xA], $0x1A80, $0x38;
	[tilespmem:$0x114B0] =	vst v63  }
0x16b: {  	_ =	swait.ge [sflag:s20], $0x1A80  }
0x16c: {  	s16 =	rddreg [dreg:$0x9]  }
0x16d: {  	s17 =	rddreg [dreg:$0x4];
	s7 =	sadd.s32 $0x1, s16  }
0x16e: {  	p0 =	sne.s32 s7, s17  }
.Ltmp5:
0x16f: {  	_ = 	snop;
	(pc) =	sbr.rel @p0 .LBB2_1-.Ltmp5, $3  }
0x170: {  	_ =	sdelay $0x1  }
0x171: {  	[sflag:s20] =	ssyncset.done $0x0  }
0x172: {  	[sflag:s20] =	ssyncadd.s32 $0xFFFFE580  }
0x173: {  	_ =	sfence.sel $0x180000  }
0x174: {  	[bflag:$0x0] =	sbarrier.arrive $0xFFFF  }
0x175: {  	_ =	strace $0x9000004A  }
0x176: {  	s0 =	stileid.u32;
	[bflag:$0x2] =	sbarrier.arrive $0xFFFF  }
0x177: {  	p0 =	sne.s32 s0, $0x0;
	s0 =	rddreg [dreg:$0x2]  }
0x178: {  	s0 =	sadd.s32 @!p0 $0x100000, s0  }
0x179: {  	[sflag:s0] =	ssyncadd.tile.s32 @!p0 $0x1;
	_ =	shalt  }
.Lfunc_end2:
_tile_overlayer_lowered:
.L_overlay_start_2:
0x17a: {  	(tag) =	ssettag $0x2  }
0x17b: {  	s0 =	rddreg [dreg:$0x0];
	s2 =	stileid.u32  }
0x17c: {  	s1 =	rddreg [dreg:$0x1];
	p0 =	sne.s32 s2, $0x0  }
0x17d: {  	s3 =	rddreg [dreg:$0x2];
	[bflag:$0x3] =	sbarrier.arrive $0xFFFF;
	s2 =	simm.s32 @!p0 $0x1C0A  }
0x17e: {  	[timem:s3], [sflag:s2] =	dma.local @!p0 [hbm:s0], s1  }
0x17f: {  	s0 =	simm.s32 @!p0 $0xA  }
0x180: {  	_ =	swait.ge @!p0 [sflag:s0], s1  }
0x181: {  	s1 =	ssub.s32 @!p0 $0x0, s1;
	[sflag:s0] =	ssyncset.done @!p0 $0x0  }
0x182: {  	[sflag:s0] =	ssyncadd.s32 @!p0 s1  }
0x183: {  	[bflag:$0x3] =	sbarrier.arrive $0xFFFF  }
0x184: {  	_ =	shalt  }

// kernel: kernel.7.cloned.1.call-start
scs
__scs_entry_jumppad:
0x0: {  	(pc) =	sbr.rel $0x88, $3  }
0x1: {  	(tag) =	ssettag $0x0;
	lr =	simm.s32 $0x1  }
0x2: {  	[smem:$0x3F9D] =	sst lr;
	_ =	strace $0xD0000000  }
0x3: {  	_ = 	snop  }
0x4: {  	_ = 	snop  }
0x5: {  	_ = 	snop  }
0x6: {  	_ = 	snop  }
0x7: {  	_ = 	snop  }
__scs_overlays_trampoline_lowered:
0x8: {  	[smem:$0x3FAC] =	sst s0  }
0x9: {  	[smem:$0x3FAD] =	sst s1  }
0xa: {  	[smem:$0x3FAE] =	sst s2  }
0xb: {  	[smem:$0x3FAF] =	sst s3  }
0xc: {  	[smem:$0x3FB0] =	sst s4  }
0xd: {  	[smem:$0x3FB1] =	sst s5  }
0xe: {  	[smem:$0x3FB2] =	sst s6  }
0xf: {  	[smem:$0x3FB3] =	sst s7  }
0x10: {  	[smem:$0x3FB4] =	sst s8  }
0x11: {  	[smem:$0x3FB5] =	sst s9;
	s0 =	simm.s32 @!p0 $0x0  }
0x12: {  	s1 =	sld [smem:$0x3F9B];
	s0 =	simm.s32 @p0 $0x1  }
0x13: {  	[smem:$0x3FB6] =	sst s0;
	s0 =	simm.s32 @!p1 $0x0  }
0x14: {  	s2 =	sld [smem:$0x3F9A];
	s0 =	simm.s32 @p1 $0x1  }
0x15: {  	[smem:$0x3FB7] =	sst s0;
	s0 =	simm.s32 @!p2 $0x0  }
0x16: {  	s3 =	sld [smem:$0x3FDB];
	s0 =	simm.s32 @p2 $0x1  }
0x17: {  	s4 =	simm.s32 $0x1BF5;
	[smem:$0x3FB9] =	sst s0  }
0x18: {  	s0 =	sld [smem:$0x3F9C];
	_ =	swait.ge [sflag:s4], $0x0  }
0x19: {  	s7 =	sld [smem:$0x3F9D]  }
0x1a: {  	s8 =	sadd.s32 $0xFFFFE003, lr  }
0x1b: {  	s9 =	sadd.s32 $0xFFFFFEF7, lr;
	s5 =	simm.s32 $0xFFFFFFFF;
	p2 =	slt.u32 s8, $0xFFFFF086  }
0x1c: {  	p1 =	slt.u32 s9, $0xF7A;
	s5 =	simm.s32 @!p2 $0x0  }
0x1d: {  	s5 =	simm.s32 @p1 $0x1;
	p0 =	seq.s32 s7, s2  }
0x1e: {  	s7 =	smul.u32 @!p0 $0xF7A, s2;
	p2 =	seq.s32 @!p0 s5, $0x0  }
0x1f: {  	s9 =	smul.u32 $0xF7A, s1;
	s8 =	simm.s32 @!p0 $0x1BF5;
	p2 =	por !p2, p0  }
0x20: {  	[sflag:s8] =	ssyncset.s32 @!p0 $0xFFFFF086;
	s6 =	sadd.s32 @!p0 s3, s7;
	s7 =	simm.s32 @!p0 $0x108  }
0x21: {  	s3 =	sadd.s32 s3, s9;
	s6 =	sadd.s32 @!p0 $0x88, s6;
	s7 =	simm.s32 @p2 $0x1082  }
0x22: {  	[simem:s7], [sflag:s8] =	dma.local @!p0 [hbm:s6], $0xF7A  }
0x23: {  	s9 =	sor.u32 $0xD0000000, s2;
	s6 =	simm.s32 $0x108;
	_ =	swait.ge @!p0 [sflag:s8], $0x0  }
0x24: {  	s3 =	sadd.s32 $0x88, s3;
	s6 =	simm.s32 @!p1 $0x1082;
	[sflag:s4] =	ssyncset.s32 $0xFFFFF086  }
0x25: {  	[simem:s6], [sflag:s4] =	dma.local [hbm:s3], $0xF7A  }
0x26: {  	[smem:$0x3F9D] =	sst s1;
	(tag) =	ssettag s2;
	_ =	strace s9  }
0x27: {  	s1 =	sld [smem:$0x3FAD]  }
0x28: {  	s2 =	sld [smem:$0x3FAE]  }
0x29: {  	s4 =	sld [smem:$0x3FB0]  }
0x2a: {  	p0 =	seq.s32 s5, $0x0;
	s5 =	sld [smem:$0x3FB1]  }
0x2b: {  	s6 =	sld [smem:$0x3FB2]  }
0x2c: {  	s7 =	sld [smem:$0x3FB3]  }
0x2d: {  	s3 =	simm.s32 $0x108;
	s8 =	sld [smem:$0x3FB4]  }
0x2e: {  	s3 =	simm.s32 @!p0 $0x1082;
	s9 =	sld [smem:$0x3FB5]  }
0x2f: {  	lr =	sadd.s32 s0, s3;
	s0 =	sld [smem:$0x3FAC]  }
0x30: {  	s3 =	sld [smem:$0x3FAF]  }
0x31: {  	[smem:$0x3FB8] =	sst s10  }
0x32: {  	s10 =	sld [smem:$0x3FB6];
	_ =	sdelay $0x3  }
0x33: {  	p0 =	seq.s32 s10, $0x1;
	s10 =	sld [smem:$0x3FB8];
	_ =	sdelay $0x3  }
0x34: {  	[smem:$0x3FB8] =	sst s10  }
0x35: {  	s10 =	sld [smem:$0x3FB7];
	_ =	sdelay $0x3  }
0x36: {  	p1 =	seq.s32 s10, $0x1;
	s10 =	sld [smem:$0x3FB8];
	_ =	sdelay $0x3  }
0x37: {  	[smem:$0x3FB8] =	sst s10  }
0x38: {  	s10 =	sld [smem:$0x3FB9]  }
0x39: {  	_ = 	snop;
	(pc) =	sbr.ind lr, $3  }
0x3a: {  	_ = 	snop  }
0x3b: {  	_ = 	snop  }
0x3c: {  	p2 =	seq.s32 s10, $0x1;
	s10 =	sld [smem:$0x3FB8]  }
0x3d: {  	_ =	shalt  }
0x3e: {  	_ =	shalt  }
0x3f: {  	_ =	shalt  }
0x40: {  	_ =	shalt  }
0x41: {  	_ =	shalt  }
0x42: {  	_ =	shalt  }
0x43: {  	_ =	shalt  }
0x44: {  	_ =	shalt  }
0x45: {  	_ =	shalt  }
0x46: {  	_ =	shalt  }
0x47: {  	_ =	shalt  }
0x48: {  	_ =	shalt  }
0x49: {  	_ =	shalt  }
0x4a: {  	_ =	shalt  }
0x4b: {  	_ =	shalt  }
0x4c: {  	_ =	shalt  }
0x4d: {  	_ =	shalt  }
0x4e: {  	_ =	shalt  }
0x4f: {  	_ =	shalt  }
0x50: {  	_ =	shalt  }
0x51: {  	_ =	shalt  }
0x52: {  	_ =	shalt  }
0x53: {  	_ =	shalt  }
0x54: {  	_ =	shalt  }
0x55: {  	_ =	shalt  }
0x56: {  	_ =	shalt  }
0x57: {  	_ =	shalt  }
0x58: {  	_ =	shalt  }
0x59: {  	_ =	shalt  }
0x5a: {  	_ =	shalt  }
0x5b: {  	_ =	shalt  }
0x5c: {  	_ =	shalt  }
0x5d: {  	_ =	shalt  }
0x5e: {  	_ =	shalt  }
0x5f: {  	_ =	shalt  }
0x60: {  	_ =	shalt  }
0x61: {  	_ =	shalt  }
0x62: {  	_ =	shalt  }
0x63: {  	_ =	shalt  }
0x64: {  	_ =	shalt  }
0x65: {  	_ =	shalt  }
0x66: {  	_ =	shalt  }
0x67: {  	_ =	shalt  }
0x68: {  	_ =	shalt  }
0x69: {  	_ =	shalt  }
0x6a: {  	_ =	shalt  }
0x6b: {  	_ =	shalt  }
0x6c: {  	_ =	shalt  }
0x6d: {  	_ =	shalt  }
0x6e: {  	_ =	shalt  }
0x6f: {  	_ =	shalt  }
0x70: {  	_ =	shalt  }
0x71: {  	_ =	shalt  }
0x72: {  	_ =	shalt  }
0x73: {  	_ =	shalt  }
0x74: {  	_ =	shalt  }
0x75: {  	_ =	shalt  }
0x76: {  	_ =	shalt  }
0x77: {  	_ =	shalt  }
0x78: {  	_ =	shalt  }
0x79: {  	_ =	shalt  }
0x7a: {  	_ =	shalt  }
0x7b: {  	_ =	shalt  }
0x7c: {  	_ =	shalt  }
0x7d: {  	_ =	shalt  }
0x7e: {  	_ =	shalt  }
0x7f: {  	_ =	shalt  }
0x80: {  	_ =	shalt  }
0x81: {  	_ =	shalt  }
0x82: {  	_ =	shalt  }
0x83: {  	_ =	shalt  }
0x84: {  	_ =	shalt  }
0x85: {  	_ =	shalt  }
0x86: {  	_ =	shalt  }
0x87: {  	_ =	shalt  }
.Lfunc_end0:
.L_simem_size_0:
called_computation.2_lowered:
.L_overlay_start_0:
0x88: {  	s2 =	sld [smem:$0x3FD9]  }
0x89: {  	s3 =	sld [smem:$0x3FFE];
	_ =	sdelay $0x1  }
0x8a: {  	s1 =	srdreg.scid  }
0x8b: {  	s0 =	sand.u32 $0x1, s1  }
0x8c: {  	s14 =	sshll.u32 s0, $0xA;
	s2 =	sadd.s32 s3, s2  }
0x8d: {  	s2 =	sadd.s32 s2, s14  }
0x8e: {  	[smem:$0x3FC4] =	sst s2  }
0x8f: {  	_ = 	snop  }
0x90: {  	s2 =	sld [smem:$0x3FD0];
	_ =	sdelay $0x2  }
0x91: {  	s15 =	simm.s32 $0xB;
	s4 =	simm.s32 $0x10  }
0x92: {  	[smem:s4], [sflag:s15] =	dma.local [hbm:s2], $0x1  }
0x93: {  	_ =	swait.eq [sflag:s15], $0x1  }
0x94: {  	[sflag:s15] =	ssyncset.done $0x0  }
0x95: {  	[sflag:s15] =	ssyncadd.s32 $0xFFFFFFFF  }
0x96: {  	s16 =	sld [smem:$0x11];
	(tm) =	ssettm $0x1  }
0x97: {  	s17 =	sld [smem:$0x3FFB];
	_ =	sdelay $0x3  }
0x98: {  	_ =	strace s17  }
0x99: {  	s3 =	sld [smem:$0x3FFC];
	_ =	sdelay $0x3  }
0x9a: {  	_ =	strace s3  }
0x9b: {  	s3 =	sld [smem:$0x3FFD];
	_ =	sdelay $0x3  }
0x9c: {  	_ =	strace s3  }
0x9d: {  	_ =	strace $0x8FFFFFFF  }
0x9e: {  	s18 =	sld [smem:$0x3FDB];
	_ =	sdelay $0x1  }
0x9f: {  	s19 =	simm.s32 $_scs_section_size  }
0xa0: {  	s5 =	simm.s32 $_size__tile_overlayer_lowered;
	s6 =	simm.s32 $_tile_overlayer_lowered  }
0xa1: {  	s22 =	simm.s32 $0x1BFF;
	s21 =	sshll.u32 s6, $0x1;
	s3 =	sadd.s32 s19, s18  }
0xa2: {  	s7 =	simm.s32 $0x0;
	s20 =	sshll.u32 s5, $0x1;
	s5 =	sadd.s32 s21, s3  }
0xa3: {  	[timem:s7], [sflag:s22] =	dma.local [hbm:s5], s20  }
0xa4: {  	_ =	swait.ge [sflag:s22], s20  }
0xa5: {  	s4 =	ssub.s32 $0x0, s20;
	[sflag:s22] =	ssyncset.done $0x0  }
0xa6: {  	[sflag:s22] =	ssyncadd.s32 s4;
	_ =	sdelay $0x1  }
0xa7: {  	s23 =	simm.s32 $0x1B8B  }
0xa8: {  	_ =	swait.ge [sflag:s23], $0x1  }
0xa9: {  	[sflag:s23] =	ssyncset.done $0x0  }
0xaa: {  	s25 =	simm.s32 $0x1B8E;
	s24 =	sld [smem:$0x3FFE];
	[sflag:s23] =	ssyncadd.s32 $0xFFFFFFFF  }
0xab: {  	s26 =	simm.s32 $execute0_lowered;
	[smem:$0x3FD2] =	sst s25  }
0xac: {  	s5 =	sshll.u32 s26, $0x1;
	_ =	strace $0x80000046;
	[dreg:$0x1] =	wrdreg $0xFFFFFFFF  }
0xad: {  	s28 =	simm.s32 $_size_execute0_lowered;
	s3 =	sadd.s32 s3, s5;
	[dreg:$0x0] =	wrdreg $0x0  }
0xae: {  	s5 =	sshll.u32 s28, $0x1;
	[dreg:$0x2] =	wrdreg s3  }
0xaf: {  	[dreg:$0x3] =	wrdreg s5  }
0xb0: {  	[dreg:$0x4] =	wrdreg $0xC0  }
0xb1: {  	_ =	task [dreg:s7], $0x5FFFF  }
0xb2: {  	[dreg:$0x1] =	wrdreg $0xFFFFFFFF  }
0xb3: {  	[dreg:$0x0] =	wrdreg $0x60  }
0xb4: {  	[dreg:$0x2] =	wrdreg s24  }
0xb5: {  	[dreg:$0x3] =	wrdreg s16  }
0xb6: {  	[dreg:$0x4] =	wrdreg $0xA  }
0xb7: {  	_ =	task.clear_ibuf [dreg:s7], $0x5FFFF;
	_ =	strace $0x90000046  }
0xb8: {  	s29 =	simm.s32 $0xA;
	_ =	strace $0x80000048  }
0xb9: {  	_ =	swait.ge [sflag:s29], $0x1  }
0xba: {  	[sflag:s29] =	ssyncadd.s32 $0xFFFFFFFF  }
0xbb: {  	_ =	strace $0x90000048  }
0xbc: {  	_ =	sfence  }
0xbd: {  	s30 =	sld [smem:$0x0];
	_ =	sdelay $0x2  }
0xbe: {  	s31 =	sshll.u32 s1, $0xD;
	s1 =	sshrl.u32 s1, $0x2  }
0xbf: {  	s3 =	sand.u32 $0x4000, s31;
	s1 =	sadd.s32 s1, s30  }
0xc0: {  	s0 =	sor.u32 s3, s0;
	s1 =	sshll.u32 s1, $0x11  }
0xc1: {  	s0 =	sor.u32 s1, s0  }
0xc2: {  	s0 =	sadd.s32 $0x8F2B, s0  }
0xc3: {  	[sflag:s0] =	ssyncadd.remote.s32 $0x1  }
0xc4: {  	_ =	sfence.sel $0xFFFF  }
0xc5: {  	[dreg:$0x0] =	wrdreg $0xFFFFFFFF;
	(pc) =	sbr.abs _section_cstart, $3  }
0xc6: {  	[dreg:$0x1] =	wrdreg $0xFFFFFFFF  }
0xc7: {  	_ =	task.clear_ibuf [dreg:s7], $0x2FFFF;
	_ =	strace $0x9FFFFFFF  }
0xc8: {  	(tm) =	ssettm $0x7FFFFFFF  }
0xc9: {  	_ =	shalt  }
tec
execute0_lowered:
.L_overlay_start_1:
0x0: {  	(tag) =	ssettag $0x1  }
0x1: {  	s0 =	rddreg [dreg:$0x0]  }
0x2: {  	s1 =	srdreg.scid;
	s12 =	stileid.u32  }
0x3: {  	s5 =	rddreg [dreg:$0x1];
	s2 =	simm.s32 $0x0;
	s19 =	simm.s32 $0x80  }
0x4: {  	s20 =	simm.s32 $0xD3B0;
	s21 =	simm.s32 $0xDBB0;
	s23 =	simm.s32 $0xE3B0  }
0x5: {  	s28 =	simm.s32 $0xF3B0;
	s30 =	simm.s32 $0xFBB0;
	s31 =	simm.s32 $0x1  }
0x6: {  	s22 =	simm.s32 $0x4;
	s29 =	simm.s32 $0x7;
	s13 =	simm.s32 $0xB  }
0x7: {  	s14 =	simm.s32 $0xC;
	s1 =	sand.u32 $0x1, s1;
	s10 =	smul.u32 $0x186A0, s12  }
0x8: {  	s3 =	sshll.u32 s12, $0x1;
	[smem:$0x7FF] =	sst s2;
	s26 =	smul.u32 $0x30D40, s12  }
0x9: {  	s4 =	sadd.s32 $0x189C00, s0;
	s6 =	sor.u32 s1, s3;
	s11 =	smul.u32 $0xC350, s1  }
0xa: {  	_ =	strace $0x80000047;
	s9 =	ssub.s32 $0x2, s1;
	s1 =	smul.u32 $0x186A0, s1  }
0xb: {  	s3 =	sadd.s32 $0x1200, s0;
	s7 =	smul.u32 $0xC350, s6;
	s16 =	sshrl.u32 s9, $0x1  }
0xc: {  	s8 =	smul.u32 $0xC3500, s6;
	s6 =	sshll.u32 s6, $0x7;
	s0 =	ssub.s32 s9, s16  }
0xd: {  	s10 =	sadd.s32 s11, s10;
	s6 =	sadd.s32 $0xC3500, s6;
	s9 =	simm.s32 $0x0  }
0xe: {  	s17 =	sadd.s32 $0xC350, s7;
	s8 =	sshrl.u32 s8, $0x3;
	s24 =	sshll.u32 s10, $0x1  }
0xf: {  	s0 =	smax.u32 s0, $0x1;
	v2 =	vmov s6;
	s6 =	simm.s32 $0x9;
	s8 =	sadd.s32 s5, s8  }
0x10: {  	[dreg:$0x4] =	wrdreg s0;
	s25 =	sadd.s32 s5, s24;
	s5 =	sadd.s32 s26, s5  }
0x11: {  	s0 =	simm.s32 $0x3;
	s24 =	simm.s32 $0x5;
	s8 =	sadd.s32 $0x18600, s8  }
0x12: {  	s26 =	simm.s32 $0x6;
	s10 =	sadd.s32 $0x500, s25;
	[dreg:$0x3] =	wrdreg s8  }
.Ltmp0:
0x13: {  	s11 =	sadd.s32 $0x400, s25;
	[dreg:$0x5] =	wrdreg s10;
	(pc) =	sbr.rel .LBB2_1-.Ltmp0, $4  }
0x14: {  	v1 =	vmov s17;
	s17 =	simm.s32 $0xA;
	s15 =	sadd.s32 $0x300, s25;
	[dreg:$0x6] =	wrdreg s11  }
0x15: {  	vm0 =	vmmov $0x1;
	s16 =	sadd.s32 $0x200, s25;
	s18 =	sadd.s32 $0x100, s25;
	[dreg:$0x7] =	wrdreg s15  }
0x16: {  	v3 =	vimm.s32 $0x61A80;
	v4 =	vimm.s32 $0x0;
	v5 =	vimm.s32 $0x30D40;
	s12 =	sadd.s32 s1, s5;
	s25 =	simm.s32 $0xEBB0;
	[dreg:$0x8] =	wrdreg s16  }
0x17: {  	v6 =	vlaneseq.u32;
	v0 =	vmov s7;
	s1 =	simm.s32 $0x2;
	s5 =	simm.s32 $0x8;
	v1 =	vsel vm0, s7, v1;
	[dreg:$0x9] =	wrdreg s18  }
.LBB2_11:
0x18: {  	_ =	swait.ge [sflag:s5], $0x800  }
0x19: {  	[sflag:s5] =	ssyncset.done $0x0  }
0x1a: {  	[sflag:s5] =	ssyncadd.s32 $0xFFFFF800  }
0x1b: {  	_ =	swait.ge [sflag:s6], $0x800  }
0x1c: {  	[sflag:s6] =	ssyncset.done $0x0  }
0x1d: {  	[sflag:s6] =	ssyncadd.s32 $0xFFFFF800  }
0x1e: {  	_ =	swait.ge [sflag:s17], $0x800  }
0x1f: {  	[sflag:s17] =	ssyncset.done $0x0  }
0x20: {  	[sflag:s17] =	ssyncadd.s32 $0xFFFFF800  }
0x21: {  	_ =	swait.ge [sflag:s13], $0x800  }
0x22: {  	[sflag:s13] =	ssyncset.done $0x0  }
0x23: {  	[sflag:s13] =	ssyncadd.s32 $0xFFFFF800  }
0x24: {  	_ =	swait.ge [sflag:s14], $0x800  }
0x25: {  	[sflag:s14] =	ssyncset.done $0x0  }
0x26: {  	s7 =	simm.s32 $0xC300;
	[sflag:s14] =	ssyncadd.s32 $0xFFFFF800  }
0x27: {  	[tilespmem:s20], [sflag:$0x1] =	stream.indirect.gather [hbm4b:s3+s19], $0x10, s7, s19, $0xb8;
	[tilespmem:$0x103B0] =	vst v63  }
0x28: {  	_ =	swait.ge [sflag:s31], $0x800  }
0x29: {  	[sflag:s31] =	ssyncset.done $0x0  }
0x2a: {  	s8 =	simm.s32 $0xE;
	s16 =	rddreg [dreg:$0x3];
	[sflag:s31] =	ssyncadd.s32 $0xFFFFF800  }
0x2b: {  	[hbm4b:s16+s2] =	stream.linear.scatter [tilespmem:s20], [sflag:$0xE], $0x500, $0x38;
	[tilespmem:$0x103B0] =	vst v63  }
0x2c: {  	_ =	swait.ge [sflag:s8], $0x500  }
0x2d: {  	s9 =	rddreg [dreg:$0xa]  }
0x2e: {  	s18 =	rddreg [dreg:$0x4];
	s9 =	sadd.s32 $0x1, s9  }
0x2f: {  	p0 =	sne.s32 s9, s18  }
.Ltmp1:
0x30: {  	_ = 	snop;
	(pc) =	sbr.rel @!p0 .LBB2_12-.Ltmp1, $3  }
0x31: {  	_ =	sdelay $0x1  }
0x32: {  	[sflag:s8] =	ssyncset.done $0x0  }
0x33: {  	[sflag:s8] =	ssyncadd.s32 $0xFFFFFB00  }
.LBB2_1:
0x34: {  	[dreg:$0xa] =	wrdreg s9;
	s7 =	simm.s32 $0x10  }
0x35: {  	[tilespmem:$0xD3A0] =	vst v3;
	s8 =	simm.s32 $0xD3A0;
	s18 =	simm.s32 $0xD390;
	s10 =	simm.s32 $0xD  }
0x36: {  	[tilespmem:s18], [sflag:$0xD] =	stream.indirect.gather [hbm4b:s4+s7], $0x1, s8, s7, $0xb8;
	[tilespmem:$0x103B0] =	vst v63  }
0x37: {  	_ =	swait.ge [sflag:s10], $0x10  }
0x38: {  	[sflag:s10] =	ssyncset.done $0x0  }
0x39: {  	[sflag:s10] =	ssyncadd.s32 $0xFFFFFFF0  }
0x3a: {  	v7 =	vld [tilespmem:$0xD390];
	_ =	sdelay $0x4  }
0x3b: {  	vm0 =	vlt.s32 v7, v1  }
0x3c: {  	v7 =	vsel vm0, $0x927C0, v5  }
0x3d: {  	[tilespmem:$0xD3A0] =	vst v7  }
0x3e: {  	[tilespmem:s18], [sflag:$0xD] =	stream.indirect.gather [hbm4b:s4+s7], $0x1, s8, s7, $0xb8;
	[tilespmem:$0x103B0] =	vst v63  }
0x3f: {  	_ =	swait.ge [sflag:s10], $0x10  }
0x40: {  	[sflag:s10] =	ssyncset.done $0x0  }
0x41: {  	[sflag:s10] =	ssyncadd.s32 $0xFFFFFFF0  }
0x42: {  	v8 =	vld [tilespmem:$0xD390];
	_ =	sdelay $0x4  }
0x43: {  	v9 =	vsel vm0, $0xC3500, v3;
	vm1 =	vlt.s32 v8, v1  }
0x44: {  	v10 =	vor.u32 $0x1, v7;
	v8 =	vsel vm0, $0x61A81, v4;
	v7 =	vsel vm1, v9, v7  }
0x45: {  	v8 =	vsel vm1, v10, v8;
	v9 =	vadd.s32 $0xFFFFFFFF, v7  }
0x46: {  	v10 =	vxor.u32 v9, v8  }
0x47: {  	v9 =	vor.u32 v9, v8;
	v10 =	vshrl.u32 v10, $0x1  }
0x48: {  	v9 =	vsub.s32 v9, v10  }
0x49: {  	[tilespmem:$0xD3A0] =	vst v9  }
0x4a: {  	[tilespmem:s18], [sflag:$0xD] =	stream.indirect.gather [hbm4b:s4+s7], $0x1, s8, s7, $0xb8;
	[tilespmem:$0x103B0] =	vst v63  }
0x4b: {  	_ =	swait.ge [sflag:s10], $0x10  }
0x4c: {  	[sflag:s10] =	ssyncset.done $0x0  }
0x4d: {  	[sflag:s10] =	ssyncadd.s32 $0xFFFFFFF0  }
0x4e: {  	v10 =	vld [tilespmem:$0xD390];
	_ =	sdelay $0x4  }
0x4f: {  	vm6 =	vlt.u32 v8, v7;
	vm7 =	vlt.s32 v10, v1;
	vm2 =	vge.s32 v10, v1  }
0x50: {  	v10 =	vor.u32 $0x1, v9;
	vm1 =	vmand vm6, vm7;
	vm0 =	vmand vm6, vm2  }
0x51: {  	v8 =	vsel vm1, v10, v8;
	v7 =	vsel vm0, v9, v7  }
0x52: {  	v9 =	vxor.u32 v7, v8  }
0x53: {  	v10 =	vand.u32 v7, v8;
	v9 =	vshrl.u32 v9, $0x1  }
0x54: {  	v9 =	vadd.s32 v9, v10  }
0x55: {  	[tilespmem:$0xD3A0] =	vst v9  }
0x56: {  	[tilespmem:s18], [sflag:$0xD] =	stream.indirect.gather [hbm4b:s4+s7], $0x1, s8, s7, $0xb8;
	[tilespmem:$0x103B0] =	vst v63  }
0x57: {  	_ =	swait.ge [sflag:s10], $0x10  }
0x58: {  	[sflag:s10] =	ssyncset.done $0x0  }
0x59: {  	[sflag:s10] =	ssyncadd.s32 $0xFFFFFFF0  }
0x5a: {  	v10 =	vld [tilespmem:$0xD390];
	_ =	sdelay $0x4  }
0x5b: {  	vm0 =	vlt.u32 v8, v7;
	vm8 =	vlt.s32 v10, v1;
	vm9 =	vge.s32 v10, v1  }
0x5c: {  	v10 =	vadd.s32 $0x1, v9;
	vm1 =	vmand vm0, vm8;
	vm0 =	vmand vm0, vm9  }
0x5d: {  	v8 =	vsel vm1, v10, v8;
	v7 =	vsel vm0, v9, v7  }
0x5e: {  	v9 =	vadd.s32 v7, v8  }
0x5f: {  	v9 =	vshrl.u32 v9, $0x1  }
0x60: {  	[tilespmem:$0xD3A0] =	vst v9  }
0x61: {  	[tilespmem:s18], [sflag:$0xD] =	stream.indirect.gather [hbm4b:s4+s7], $0x1, s8, s7, $0xb8;
	[tilespmem:$0x103B0] =	vst v63  }
0x62: {  	_ =	swait.ge [sflag:s10], $0x10  }
0x63: {  	[sflag:s10] =	ssyncset.done $0x0  }
0x64: {  	[sflag:s10] =	ssyncadd.s32 $0xFFFFFFF0  }
0x65: {  	v10 =	vld [tilespmem:$0xD390];
	_ =	sdelay $0x4  }
0x66: {  	vm0 =	vlt.u32 v8, v7;
	vm10 =	vlt.s32 v10, v1;
	vm11 =	vge.s32 v10, v1  }
0x67: {  	v10 =	vadd.s32 $0x1, v9;
	vm1 =	vmand vm0, vm10;
	vm0 =	vmand vm0, vm11  }
0x68: {  	v8 =	vsel vm1, v10, v8;
	v7 =	vsel vm0, v9, v7  }
0x69: {  	v9 =	vadd.s32 v7, v8  }
0x6a: {  	v9 =	vshrl.u32 v9, $0x1  }
0x6b: {  	[tilespmem:$0xD3A0] =	vst v9  }
0x6c: {  	[tilespmem:s18], [sflag:$0xD] =	stream.indirect.gather [hbm4b:s4+s7], $0x1, s8, s7, $0xb8;
	[tilespmem:$0x103B0] =	vst v63  }
0x6d: {  	_ =	swait.ge [sflag:s10], $0x10  }
0x6e: {  	[sflag:s10] =	ssyncset.done $0x0  }
0x6f: {  	[sflag:s10] =	ssyncadd.s32 $0xFFFFFFF0  }
0x70: {  	v10 =	vld [tilespmem:$0xD390];
	_ =	sdelay $0x4  }
0x71: {  	vm0 =	vlt.u32 v8, v7;
	vm12 =	vlt.s32 v10, v1;
	vm13 =	vge.s32 v10, v1  }
0x72: {  	v10 =	vadd.s32 $0x1, v9;
	vm1 =	vmand vm0, vm12;
	vm0 =	vmand vm0, vm13  }
0x73: {  	v8 =	vsel vm1, v10, v8;
	v7 =	vsel vm0, v9, v7  }
0x74: {  	v9 =	vadd.s32 v7, v8  }
0x75: {  	v9 =	vshrl.u32 v9, $0x1  }
0x76: {  	[tilespmem:$0xD3A0] =	vst v9  }
0x77: {  	[tilespmem:s18], [sflag:$0xD] =	stream.indirect.gather [hbm4b:s4+s7], $0x1, s8, s7, $0xb8;
	[tilespmem:$0x103B0] =	vst v63  }
0x78: {  	_ =	swait.ge [sflag:s10], $0x10  }
0x79: {  	[sflag:s10] =	ssyncset.done $0x0  }
0x7a: {  	[sflag:s10] =	ssyncadd.s32 $0xFFFFFFF0  }
0x7b: {  	v10 =	vld [tilespmem:$0xD390];
	_ =	sdelay $0x4  }
0x7c: {  	vm0 =	vlt.u32 v8, v7;
	vm14 =	vlt.s32 v10, v1;
	vm15 =	vge.s32 v10, v1  }
0x7d: {  	v10 =	vadd.s32 $0x1, v9;
	vm1 =	vmand vm0, vm14;
	vm0 =	vmand vm0, vm15  }
0x7e: {  	v8 =	vsel vm1, v10, v8;
	v7 =	vsel vm0, v9, v7  }
0x7f: {  	v9 =	vadd.s32 v7, v8  }
0x80: {  	v9 =	vshrl.u32 v9, $0x1  }
0x81: {  	[tilespmem:$0xD3A0] =	vst v9  }
0x82: {  	[tilespmem:s18], [sflag:$0xD] =	stream.indirect.gather [hbm4b:s4+s7], $0x1, s8, s7, $0xb8;
	[tilespmem:$0x103B0] =	vst v63  }
0x83: {  	_ =	swait.ge [sflag:s10], $0x10  }
0x84: {  	[sflag:s10] =	ssyncset.done $0x0  }
0x85: {  	[sflag:s10] =	ssyncadd.s32 $0xFFFFFFF0  }
0x86: {  	v10 =	vld [tilespmem:$0xD390];
	_ =	sdelay $0x4  }
0x87: {  	vm0 =	vlt.u32 v8, v7;
	vm4 =	vlt.s32 v10, v1;
	vm5 =	vge.s32 v10, v1  }
0x88: {  	v10 =	vadd.s32 $0x1, v9;
	vm1 =	vmand vm0, vm4;
	vm0 =	vmand vm0, vm5  }
0x89: {  	v8 =	vsel vm1, v10, v8;
	v7 =	vsel vm0, v9, v7  }
0x8a: {  	v9 =	vadd.s32 v7, v8  }
0x8b: {  	v9 =	vshrl.u32 v9, $0x1  }
0x8c: {  	[tilespmem:$0xD3A0] =	vst v9  }
0x8d: {  	[tilespmem:s18], [sflag:$0xD] =	stream.indirect.gather [hbm4b:s4+s7], $0x1, s8, s7, $0xb8;
	[tilespmem:$0x103B0] =	vst v63  }
0x8e: {  	_ =	swait.ge [sflag:s10], $0x10  }
0x8f: {  	[sflag:s10] =	ssyncset.done $0x0  }
0x90: {  	[sflag:s10] =	ssyncadd.s32 $0xFFFFFFF0  }
0x91: {  	v10 =	vld [tilespmem:$0xD390];
	_ =	sdelay $0x4  }
0x92: {  	vm0 =	vlt.u32 v8, v7;
	vm6 =	vlt.s32 v10, v1;
	vm7 =	vge.s32 v10, v1  }
0x93: {  	v10 =	vadd.s32 $0x1, v9;
	vm1 =	vmand vm0, vm6;
	vm0 =	vmand vm0, vm7  }
0x94: {  	v8 =	vsel vm1, v10, v8;
	v7 =	vsel vm0, v9, v7  }
0x95: {  	v9 =	vadd.s32 v7, v8  }
0x96: {  	v9 =	vshrl.u32 v9, $0x1  }
0x97: {  	[tilespmem:$0xD3A0] =	vst v9  }
0x98: {  	[tilespmem:s18], [sflag:$0xD] =	stream.indirect.gather [hbm4b:s4+s7], $0x1, s8, s7, $0xb8;
	[tilespmem:$0x103B0] =	vst v63  }
0x99: {  	_ =	swait.ge [sflag:s10], $0x10  }
0x9a: {  	[sflag:s10] =	ssyncset.done $0x0  }
0x9b: {  	[sflag:s10] =	ssyncadd.s32 $0xFFFFFFF0  }
0x9c: {  	v10 =	vld [tilespmem:$0xD390];
	_ =	sdelay $0x4  }
0x9d: {  	vm0 =	vlt.u32 v8, v7;
	vm8 =	vlt.s32 v10, v1;
	vm9 =	vge.s32 v10, v1  }
0x9e: {  	v10 =	vadd.s32 $0x1, v9;
	vm1 =	vmand vm0, vm8;
	vm0 =	vmand vm0, vm9  }
0x9f: {  	v8 =	vsel vm1, v10, v8;
	v7 =	vsel vm0, v9, v7  }
0xa0: {  	v9 =	vadd.s32 v7, v8  }
0xa1: {  	v9 =	vshrl.u32 v9, $0x1  }
0xa2: {  	[tilespmem:$0xD3A0] =	vst v9  }
0xa3: {  	[tilespmem:s18], [sflag:$0xD] =	stream.indirect.gather [hbm4b:s4+s7], $0x1, s8, s7, $0xb8;
	[tilespmem:$0x103B0] =	vst v63  }
0xa4: {  	_ =	swait.ge [sflag:s10], $0x10  }
0xa5: {  	[sflag:s10] =	ssyncset.done $0x0  }
0xa6: {  	[sflag:s10] =	ssyncadd.s32 $0xFFFFFFF0  }
0xa7: {  	v10 =	vld [tilespmem:$0xD390];
	_ =	sdelay $0x4  }
0xa8: {  	vm0 =	vlt.u32 v8, v7;
	vm10 =	vlt.s32 v10, v1;
	vm11 =	vge.s32 v10, v1  }
0xa9: {  	v10 =	vadd.s32 $0x1, v9;
	vm1 =	vmand vm0, vm10;
	vm0 =	vmand vm0, vm11  }
0xaa: {  	v8 =	vsel vm1, v10, v8;
	v7 =	vsel vm0, v9, v7  }
0xab: {  	v9 =	vadd.s32 v7, v8  }
0xac: {  	v9 =	vshrl.u32 v9, $0x1  }
0xad: {  	[tilespmem:$0xD3A0] =	vst v9  }
0xae: {  	[tilespmem:s18], [sflag:$0xD] =	stream.indirect.gather [hbm4b:s4+s7], $0x1, s8, s7, $0xb8;
	[tilespmem:$0x103B0] =	vst v63  }
0xaf: {  	_ =	swait.ge [sflag:s10], $0x10  }
0xb0: {  	[sflag:s10] =	ssyncset.done $0x0  }
0xb1: {  	[sflag:s10] =	ssyncadd.s32 $0xFFFFFFF0  }
0xb2: {  	v10 =	vld [tilespmem:$0xD390];
	_ =	sdelay $0x4  }
0xb3: {  	vm0 =	vlt.u32 v8, v7;
	vm12 =	vlt.s32 v10, v1;
	vm13 =	vge.s32 v10, v1  }
0xb4: {  	v10 =	vadd.s32 $0x1, v9;
	vm1 =	vmand vm0, vm12;
	vm0 =	vmand vm0, vm13  }
0xb5: {  	v8 =	vsel vm1, v10, v8;
	v7 =	vsel vm0, v9, v7  }
0xb6: {  	v9 =	vadd.s32 v7, v8  }
0xb7: {  	v9 =	vshrl.u32 v9, $0x1  }
0xb8: {  	[tilespmem:$0xD3A0] =	vst v9  }
0xb9: {  	[tilespmem:s18], [sflag:$0xD] =	stream.indirect.gather [hbm4b:s4+s7], $0x1, s8, s7, $0xb8;
	[tilespmem:$0x103B0] =	vst v63  }
0xba: {  	_ =	swait.ge [sflag:s10], $0x10  }
0xbb: {  	[sflag:s10] =	ssyncset.done $0x0  }
0xbc: {  	[sflag:s10] =	ssyncadd.s32 $0xFFFFFFF0  }
0xbd: {  	v10 =	vld [tilespmem:$0xD390];
	_ =	sdelay $0x4  }
0xbe: {  	vm0 =	vlt.u32 v8, v7;
	vm14 =	vlt.s32 v10, v1;
	vm15 =	vge.s32 v10, v1  }
0xbf: {  	v10 =	vadd.s32 $0x1, v9;
	vm1 =	vmand vm0, vm14;
	vm0 =	vmand vm0, vm15  }
0xc0: {  	v8 =	vsel vm1, v10, v8;
	v7 =	vsel vm0, v9, v7  }
0xc1: {  	v9 =	vadd.s32 v7, v8  }
0xc2: {  	v9 =	vshrl.u32 v9, $0x1  }
0xc3: {  	[tilespmem:$0xD3A0] =	vst v9  }
0xc4: {  	[tilespmem:s18], [sflag:$0xD] =	stream.indirect.gather [hbm4b:s4+s7], $0x1, s8, s7, $0xb8;
	[tilespmem:$0x103B0] =	vst v63  }
0xc5: {  	_ =	swait.ge [sflag:s10], $0x10  }
0xc6: {  	[sflag:s10] =	ssyncset.done $0x0  }
0xc7: {  	[sflag:s10] =	ssyncadd.s32 $0xFFFFFFF0  }
0xc8: {  	v10 =	vld [tilespmem:$0xD390];
	_ =	sdelay $0x4  }
0xc9: {  	vm0 =	vlt.u32 v8, v7;
	vm4 =	vlt.s32 v10, v1;
	vm5 =	vge.s32 v10, v1  }
0xca: {  	v10 =	vadd.s32 $0x1, v9;
	vm1 =	vmand vm0, vm4;
	vm0 =	vmand vm0, vm5  }
0xcb: {  	v8 =	vsel vm1, v10, v8;
	v7 =	vsel vm0, v9, v7  }
0xcc: {  	v9 =	vadd.s32 v7, v8  }
0xcd: {  	v9 =	vshrl.u32 v9, $0x1  }
0xce: {  	[tilespmem:$0xD3A0] =	vst v9  }
0xcf: {  	[tilespmem:s18], [sflag:$0xD] =	stream.indirect.gather [hbm4b:s4+s7], $0x1, s8, s7, $0xb8;
	[tilespmem:$0x103B0] =	vst v63  }
0xd0: {  	_ =	swait.ge [sflag:s10], $0x10  }
0xd1: {  	[sflag:s10] =	ssyncset.done $0x0  }
0xd2: {  	[sflag:s10] =	ssyncadd.s32 $0xFFFFFFF0  }
0xd3: {  	v10 =	vld [tilespmem:$0xD390];
	_ =	sdelay $0x4  }
0xd4: {  	vm0 =	vlt.u32 v8, v7;
	vm6 =	vlt.s32 v10, v1;
	vm7 =	vge.s32 v10, v1  }
0xd5: {  	v10 =	vadd.s32 $0x1, v9;
	vm1 =	vmand vm0, vm6;
	vm0 =	vmand vm0, vm7  }
0xd6: {  	v8 =	vsel vm1, v10, v8;
	v7 =	vsel vm0, v9, v7  }
0xd7: {  	v9 =	vadd.s32 v7, v8  }
0xd8: {  	v9 =	vshrl.u32 v9, $0x1  }
0xd9: {  	[tilespmem:$0xD3A0] =	vst v9  }
0xda: {  	[tilespmem:s18], [sflag:$0xD] =	stream.indirect.gather [hbm4b:s4+s7], $0x1, s8, s7, $0xb8;
	[tilespmem:$0x103B0] =	vst v63  }
0xdb: {  	_ =	swait.ge [sflag:s10], $0x10  }
0xdc: {  	[sflag:s10] =	ssyncset.done $0x0  }
0xdd: {  	[sflag:s10] =	ssyncadd.s32 $0xFFFFFFF0  }
0xde: {  	v10 =	vld [tilespmem:$0xD390];
	_ =	sdelay $0x4  }
0xdf: {  	vm0 =	vlt.u32 v8, v7;
	vm8 =	vlt.s32 v10, v1;
	vm9 =	vge.s32 v10, v1  }
0xe0: {  	v10 =	vadd.s32 $0x1, v9;
	vm1 =	vmand vm0, vm8;
	vm0 =	vmand vm0, vm9  }
0xe1: {  	v8 =	vsel vm1, v10, v8;
	v7 =	vsel vm0, v9, v7  }
0xe2: {  	v9 =	vadd.s32 v7, v8  }
0xe3: {  	v9 =	vshrl.u32 v9, $0x1  }
0xe4: {  	[tilespmem:$0xD3A0] =	vst v9  }
0xe5: {  	[tilespmem:s18], [sflag:$0xD] =	stream.indirect.gather [hbm4b:s4+s7], $0x1, s8, s7, $0xb8;
	[tilespmem:$0x103B0] =	vst v63  }
0xe6: {  	_ =	swait.ge [sflag:s10], $0x10  }
0xe7: {  	[sflag:s10] =	ssyncset.done $0x0  }
0xe8: {  	[sflag:s10] =	ssyncadd.s32 $0xFFFFFFF0  }
0xe9: {  	v10 =	vld [tilespmem:$0xD390];
	_ =	sdelay $0x4  }
0xea: {  	vm0 =	vlt.u32 v8, v7;
	vm10 =	vlt.s32 v10, v1;
	vm11 =	vge.s32 v10, v1  }
0xeb: {  	v10 =	vadd.s32 $0x1, v9;
	vm1 =	vmand vm0, vm10;
	vm0 =	vmand vm0, vm11  }
0xec: {  	v8 =	vsel vm1, v10, v8;
	v7 =	vsel vm0, v9, v7  }
0xed: {  	v9 =	vadd.s32 v7, v8  }
0xee: {  	v9 =	vshrl.u32 v9, $0x1  }
0xef: {  	[tilespmem:$0xD3A0] =	vst v9  }
0xf0: {  	[tilespmem:s18], [sflag:$0xD] =	stream.indirect.gather [hbm4b:s4+s7], $0x1, s8, s7, $0xb8;
	[tilespmem:$0x103B0] =	vst v63  }
0xf1: {  	_ =	swait.ge [sflag:s10], $0x10  }
0xf2: {  	[sflag:s10] =	ssyncset.done $0x0  }
0xf3: {  	[sflag:s10] =	ssyncadd.s32 $0xFFFFFFF0  }
0xf4: {  	v10 =	vld [tilespmem:$0xD390];
	_ =	sdelay $0x4  }
0xf5: {  	vm0 =	vlt.u32 v8, v7;
	vm12 =	vlt.s32 v10, v1;
	vm13 =	vge.s32 v10, v1  }
0xf6: {  	v10 =	vadd.s32 $0x1, v9;
	vm1 =	vmand vm0, vm12;
	vm0 =	vmand vm0, vm13  }
0xf7: {  	v8 =	vsel vm1, v10, v8;
	v9 =	vsel vm0, v9, v7  }
0xf8: {  	v7 =	vadd.s32 v9, v8  }
0xf9: {  	v10 =	vshrl.u32 v7, $0x1  }
0xfa: {  	[tilespmem:$0xD3A0] =	vst v10  }
0xfb: {  	[tilespmem:s18], [sflag:$0xD] =	stream.indirect.gather [hbm4b:s4+s7], $0x1, s8, s7, $0xb8;
	[tilespmem:$0x103B0] =	vst v63  }
0xfc: {  	_ =	swait.ge [sflag:s10], $0x10  }
0xfd: {  	[sflag:s10] =	ssyncset.done $0x0  }
0xfe: {  	[sflag:s10] =	ssyncadd.s32 $0xFFFFFFF0  }
0xff: {  	v7 =	vld [tilespmem:$0xD390];
	_ =	sdelay $0x4  }
0x100: {  	vm0 =	vlt.u32 v8, v9;
	vm14 =	vlt.s32 v7, v1;
	vm15 =	vge.s32 v7, v1  }
0x101: {  	v7 =	vadd.s32 $0x1, v10;
	vm1 =	vmand vm0, vm14;
	vm0 =	vmand vm0, vm15  }
0x102: {  	v7 =	vsel vm1, v7, v8;
	v9 =	vsel vm0, v10, v9  }
0x103: {  	v8 =	vadd.s32 v9, v7  }
0x104: {  	v8 =	vshrl.u32 v8, $0x1  }
0x105: {  	[tilespmem:$0xD3A0] =	vst v8  }
0x106: {  	[tilespmem:s18], [sflag:$0xD] =	stream.indirect.gather [hbm4b:s4+s7], $0x1, s8, s7, $0xb8;
	[tilespmem:$0x103B0] =	vst v63  }
0x107: {  	_ =	swait.ge [sflag:s10], $0x10  }
0x108: {  	[sflag:s10] =	ssyncset.done $0x0  }
0x109: {  	[sflag:s10] =	ssyncadd.s32 $0xFFFFFFF0  }
0x10a: {  	s8 =	simm.s32 $0x40;
	s7 =	simm.s32 $0x0;
	v10 =	vld [tilespmem:$0xD390]  }
.LBB2_2:
0x10b: {  	p0 =	sne.s32 s8, $0x30DC0;
	[tilespmem:s7+$0x0] =	vst v2;
	s7 =	smov.u32 s8;
	s8 =	sadd.s32 $0x40, s8  }
.Ltmp2:
0x10c: {  	(pc) =	sbr.rel @p0 .LBB2_2-.Ltmp2, $2  }
0x10d: {  	_ =	sdelay $0x2  }
0x10e: {  	s7 =	sshra.s32 s7, $0x2  }
0x10f: {  	vm0 =	vlt.u32 v7, v9;
	vm1 =	vlt.s32 v10, v1  }
0x110: {  	v8 =	vadd.s32 $0x1, v8;
	vm0 =	vmand vm0, vm1  }
0x111: {  	v8 =	vsel vm0, v8, v7  }
0x112: {  	(v2sf) =	vpush v8, $0x0;
	_ =	sdelay $0x3  }
0x113: {  	(v2sf) =	vpush v8, $0x1;
	_ =	sdelay $0xa  }
0x114: {  	s8 =	spop (v2sf)  }
0x115: {  	s9 =	sshra.s32 s8, $0x1F  }
0x116: {  	s9 =	sshrl.u32 s9, $0x1D  }
0x117: {  	s8 =	sadd.s32 s9, s8  }
0x118: {  	s10 =	spop (v2sf);
	s9 =	sand.u32 $0xFFFFFFF8, s8  }
0x119: {  	s8 =	ssub.s32 s10, s9  }
0x11a: {  	s8 =	sadd.s32 $0xFFF, s8  }
0x11b: {  	p0 =	slt.s32 s8, $0x1000  }
.Ltmp3:
0x11c: {  	_ = 	snop;
	(pc) =	sbr.rel @p0 .LBB2_8-.Ltmp3, $2  }
0x11d: {  	_ =	sdelay $0x2  }
0x11e: {  	[tilespmem:s7+$0x0] =	vst v2  }
0x11f: {  	s7 =	sshra.s32 s8, $0x1F  }
0x120: {  	s7 =	sshrl.u32 s7, $0x14  }
0x121: {  	s16 =	simm.s32 $0x0;
	s7 =	sadd.s32 s7, s8  }
0x122: {  	v7 =	vbroadcast v8, $0x0;
	v8 =	vbroadcast v8, $0x1;
	s8 =	simm.s32 $0x0;
	s18 =	sshra.s32 s7, $0xC;
	s7 =	smov.u32 s9  }
.LBB2_5:
0x123: {  	s10 =	sshll.u32 s8, $0xC  }
0x124: {  	s10 =	sadd.s32 s9, s10  }
0x125: {  	s10 =	sshrl.u32 s10, $0x3  }
0x126: {  	s11 =	simm.s32 $0xC380;
	s10 =	sadd.s32 s4, s10  }
0x127: {  	[tilespmem:s11], [sflag:$0xE] =	stream.linear.gather [hbm4b:s10+s16], $0x1010, $0x38;
	[tilespmem:$0x103B0] =	vst v63  }
0x128: {  	s11 =	simm.s32 $0xE  }
0x129: {  	_ =	swait.ge [sflag:s11], $0x1010  }
0x12a: {  	[sflag:s11] =	ssyncset.done $0x0  }
0x12b: {  	s15 =	simm.s32 $0x0;
	[sflag:s11] =	ssyncadd.s32 $0xFFFFEFF0  }
0x12c: {  	v9 =	vld [tilespmem:s15+$0xC381]  }
0x12d: {  	v10 =	vld [tilespmem:s15+$0xC380];
	_ =	sdelay $0x2  }
0x12e: {  	v11 =	vadd.s32 s7, v6  }
0x12f: {  	vm0 =	vge.s32 v11, v7;
	vm1 =	vlt.s32 v11, v8  }
0x130: {  	vm0 =	vmand vm0, vm1;
	vm15 =	vne.s32 v10, v9  }
0x131: {  	v9 =	vsub.s32 v10, v0;
	vm0 =	vmand vm0, vm15  }
0x132: {  	v9 =	vnsel vm0, $0x0, v9;
	_ =	sdelay $0x4  }
0x133: {  	s11 =	simm.s32 $0x10;
	[tilespmem:v9+s2+$0x0] =	vst.idx.msk vm0, v11  }
0x134: {  	s10 =	simm.s32 $0x80;
	s15 =	smov.u32 s7;
	v9 =	vld [tilespmem:s11+$0xC381]  }
.LBB2_6:
0x135: {  	p0 =	sne.s32 s10, $0x3FC0;
	v10 =	vld [tilespmem:s11+$0xC380];
	_ =	sdelay $0x1  }
0x136: {  	s15 =	sadd.s32 $0x10, s15  }
0x137: {  	v11 =	vadd.s32 s15, v6  }
0x138: {  	vm0 =	vge.s32 v11, v7;
	vm1 =	vlt.s32 v11, v8  }
0x139: {  	vm0 =	vmand vm0, vm1;
	vm1 =	vne.s32 v10, v9  }
0x13a: {  	v9 =	vsub.s32 v10, v0;
	vm0 =	vmand vm0, vm1  }
0x13b: {  	v9 =	vnsel vm0, $0x0, v9;
	_ =	sdelay $0x1  }
.Ltmp4:
0x13c: {  	(pc) =	sbr.rel @p0 .LBB2_6-.Ltmp4, $3  }
0x13d: {  	_ =	sdelay $0x1  }
0x13e: {  	s11 =	sshra.s32 s10, $0x2;
	[tilespmem:v9+s2+$0x0] =	vst.idx.msk vm0, v11  }
0x13f: {  	s10 =	sadd.s32 $0x40, s10;
	v9 =	vld [tilespmem:s11+$0xC381]  }
0x140: {  	v10 =	vld [tilespmem:s11+$0xC380];
	_ =	sdelay $0x1  }
0x141: {  	s10 =	sadd.s32 $0x10, s15  }
0x142: {  	v11 =	vadd.s32 s10, v6  }
0x143: {  	vm0 =	vge.s32 v11, v7;
	vm1 =	vlt.s32 v11, v8  }
0x144: {  	vm0 =	vmand vm0, vm1;
	vm15 =	vne.s32 v10, v9  }
0x145: {  	s8 =	sadd.s32 $0x1, s8;
	v9 =	vsub.s32 v10, v0;
	vm0 =	vmand vm0, vm15  }
0x146: {  	p0 =	sne.s32 s8, s18;
	v9 =	vnsel vm0, $0x0, v9  }
.Ltmp5:
0x147: {  	_ = 	snop;
	(pc) =	sbr.rel @p0 .LBB2_5-.Ltmp5, $2  }
0x148: {  	_ =	sdelay $0x2  }
0x149: {  	s7 =	sadd.s32 $0x1000, s7;
	[tilespmem:v9+s2+$0x0] =	vst.idx.msk vm0, v11  }
.LBB2_8:
0x14a: {  	s7 =	simm.s32 $0x0  }
0x14b: {  	[tilespmem:s20], [sflag:$0x1] =	stream.indirect.gather [hbm4b:s3+s19], $0x10, s7, s19, $0xb8;
	[tilespmem:$0x103B0] =	vst v63  }
0x14c: {  	_ = 	snop  }
0x14d: {  	[tilespmem:s21], [sflag:$0x2] =	stream.indirect.gather [hbm4b:s3+s19], $0x10, s19, s19, $0xb8;
	[tilespmem:$0x103B0] =	vst v63  }
0x14e: {  	s8 =	simm.s32 $0x100;
	s10 =	rddreg [dreg:$0x5]  }
0x14f: {  	[tilespmem:s23], [sflag:$0x3] =	stream.indirect.gather [hbm4b:s3+s19], $0x10, s8, s19, $0xb8;
	[tilespmem:$0x103B0] =	vst v63  }
0x150: {  	s15 =	simm.s32 $0x180;
	s11 =	rddreg [dreg:$0x6]  }
0x151: {  	[tilespmem:s25], [sflag:$0x4] =	stream.indirect.gather [hbm4b:s3+s19], $0x10, s15, s19, $0xb8;
	[tilespmem:$0x103B0] =	vst v63  }
0x152: {  	s16 =	simm.s32 $0x200;
	s15 =	rddreg [dreg:$0x7]  }
0x153: {  	[tilespmem:s28], [sflag:$0x5] =	stream.indirect.gather [hbm4b:s3+s19], $0x10, s16, s19, $0xb8;
	[tilespmem:$0x103B0] =	vst v63  }
0x154: {  	s18 =	simm.s32 $0x280;
	s16 =	rddreg [dreg:$0x8]  }
0x155: {  	[tilespmem:s30], [sflag:$0x6] =	stream.indirect.gather [hbm4b:s3+s19], $0x10, s18, s19, $0xb8;
	[tilespmem:$0x103B0] =	vst v63  }
0x156: {  	s8 =	simm.s32 $0x580;
	s18 =	rddreg [dreg:$0x9]  }
.LBB2_9:
0x157: {  	_ =	swait.ge [sflag:s31], $0x800  }
0x158: {  	[sflag:s31] =	ssyncset.done $0x0  }
0x159: {  	s9 =	sadd.s32 s7, s12;
	[sflag:s31] =	ssyncadd.s32 $0xFFFFF800  }
0x15a: {  	[hbm4b:s9+s2] =	stream.linear.scatter [tilespmem:s20], [sflag:$0x7], $0x800, $0x38;
	[tilespmem:$0x103B0] =	vst v63  }
0x15b: {  	_ =	swait.ge [sflag:s1], $0x800  }
0x15c: {  	[sflag:s1] =	ssyncset.done $0x0  }
0x15d: {  	s9 =	sadd.s32 s7, s18;
	[sflag:s1] =	ssyncadd.s32 $0xFFFFF800  }
0x15e: {  	[hbm4b:s9+s2] =	stream.linear.scatter [tilespmem:s21], [sflag:$0x8], $0x800, $0x38;
	[tilespmem:$0x103B0] =	vst v63  }
0x15f: {  	_ =	swait.ge [sflag:s0], $0x800  }
0x160: {  	[sflag:s0] =	ssyncset.done $0x0  }
0x161: {  	s9 =	sadd.s32 s7, s16;
	[sflag:s0] =	ssyncadd.s32 $0xFFFFF800  }
0x162: {  	[hbm4b:s9+s2] =	stream.linear.scatter [tilespmem:s23], [sflag:$0x9], $0x800, $0x38;
	[tilespmem:$0x103B0] =	vst v63  }
0x163: {  	_ =	swait.ge [sflag:s22], $0x800  }
0x164: {  	[sflag:s22] =	ssyncset.done $0x0  }
0x165: {  	s9 =	sadd.s32 s7, s15;
	[sflag:s22] =	ssyncadd.s32 $0xFFFFF800  }
0x166: {  	[hbm4b:s9+s2] =	stream.linear.scatter [tilespmem:s25], [sflag:$0xA], $0x800, $0x38;
	[tilespmem:$0x103B0] =	vst v63  }
0x167: {  	_ =	swait.ge [sflag:s24], $0x800  }
0x168: {  	[sflag:s24] =	ssyncset.done $0x0  }
0x169: {  	s9 =	sadd.s32 s7, s11;
	[sflag:s24] =	ssyncadd.s32 $0xFFFFF800  }
0x16a: {  	[hbm4b:s9+s2] =	stream.linear.scatter [tilespmem:s28], [sflag:$0xB], $0x800, $0x38;
	[tilespmem:$0x103B0] =	vst v63  }
0x16b: {  	_ =	swait.ge [sflag:s26], $0x800  }
0x16c: {  	p0 =	seq.s32 s7, $0x18000;
	[sflag:s26] =	ssyncset.done $0x0  }
.Ltmp6:
0x16d: {  	s9 =	sadd.s32 s7, s10;
	[sflag:s26] =	ssyncadd.s32 $0xFFFFF800;
	(pc) =	sbr.rel @p0 .LBB2_11-.Ltmp6, $4  }
0x16e: {  	[hbm4b:s9+s2] =	stream.linear.scatter [tilespmem:s30], [sflag:$0xC], $0x800, $0x38;
	[tilespmem:$0x103B0] =	vst v63  }
0x16f: {  	_ =	swait.ge [sflag:s29], $0x800  }
0x170: {  	[sflag:s29] =	ssyncset.done $0x0  }
0x171: {  	[sflag:s29] =	ssyncadd.s32 $0xFFFFF800  }
0x172: {  	s9 =	sadd.s32 $0xFFFFFD80, s8  }
0x173: {  	[tilespmem:s20], [sflag:$0x1] =	stream.indirect.gather [hbm4b:s3+s19], $0x10, s9, s19, $0xb8;
	[tilespmem:$0x103B0] =	vst v63  }
0x174: {  	_ =	swait.ge [sflag:s5], $0x800  }
0x175: {  	[sflag:s5] =	ssyncset.done $0x0  }
0x176: {  	s9 =	sadd.s32 $0xFFFFFE00, s8;
	[sflag:s5] =	ssyncadd.s32 $0xFFFFF800  }
0x177: {  	[tilespmem:s21], [sflag:$0x2] =	stream.indirect.gather [hbm4b:s3+s19], $0x10, s9, s19, $0xb8;
	[tilespmem:$0x103B0] =	vst v63  }
0x178: {  	_ =	swait.ge [sflag:s6], $0x800  }
0x179: {  	[sflag:s6] =	ssyncset.done $0x0  }
0x17a: {  	s9 =	sadd.s32 $0xFFFFFE80, s8;
	[sflag:s6] =	ssyncadd.s32 $0xFFFFF800  }
0x17b: {  	[tilespmem:s23], [sflag:$0x3] =	stream.indirect.gather [hbm4b:s3+s19], $0x10, s9, s19, $0xb8;
	[tilespmem:$0x103B0] =	vst v63  }
0x17c: {  	_ =	swait.ge [sflag:s17], $0x800  }
0x17d: {  	[sflag:s17] =	ssyncset.done $0x0  }
0x17e: {  	s9 =	sadd.s32 $0xFFFFFF00, s8;
	[sflag:s17] =	ssyncadd.s32 $0xFFFFF800  }
0x17f: {  	[tilespmem:s25], [sflag:$0x4] =	stream.indirect.gather [hbm4b:s3+s19], $0x10, s9, s19, $0xb8;
	[tilespmem:$0x103B0] =	vst v63  }
0x180: {  	_ =	swait.ge [sflag:s13], $0x800  }
0x181: {  	[sflag:s13] =	ssyncset.done $0x0  }
0x182: {  	s9 =	sadd.s32 $0xFFFFFF80, s8;
	[sflag:s13] =	ssyncadd.s32 $0xFFFFF800  }
0x183: {  	[tilespmem:s28], [sflag:$0x5] =	stream.indirect.gather [hbm4b:s3+s19], $0x10, s9, s19, $0xb8;
	[tilespmem:$0x103B0] =	vst v63  }
.Ltmp7:
0x184: {  	_ =	swait.ge [sflag:s14], $0x800;
	(pc) =	sbr.rel .LBB2_9-.Ltmp7, $4  }
0x185: {  	[sflag:s14] =	ssyncset.done $0x0  }
0x186: {  	[sflag:s14] =	ssyncadd.s32 $0xFFFFF800  }
0x187: {  	[tilespmem:s30], [sflag:$0x6] =	stream.indirect.gather [hbm4b:s3+s19], $0x10, s8, s19, $0xb8;
	[tilespmem:$0x103B0] =	vst v63  }
0x188: {  	s7 =	sadd.s32 $0x600, s7;
	s8 =	sadd.s32 $0x300, s8  }
.LBB2_12:
0x189: {  	_ =	sfence.sel $0x180000  }
0x18a: {  	[bflag:$0x0] =	sbarrier.arrive $0xFFFF  }
0x18b: {  	_ =	strace $0x90000047  }
0x18c: {  	s0 =	stileid.u32;
	[bflag:$0x2] =	sbarrier.arrive $0xFFFF  }
0x18d: {  	p0 =	sne.s32 s0, $0x0;
	s0 =	rddreg [dreg:$0x2]  }
0x18e: {  	s0 =	sadd.s32 @!p0 $0x100000, s0  }
0x18f: {  	[sflag:s0] =	ssyncadd.tile.s32 @!p0 $0x1;
	_ =	shalt  }
.Lfunc_end2:
_tile_overlayer_lowered:
.L_overlay_start_2:
0x190: {  	(tag) =	ssettag $0x2  }
0x191: {  	s0 =	rddreg [dreg:$0x0];
	s2 =	stileid.u32  }
0x192: {  	s1 =	rddreg [dreg:$0x1];
	p0 =	sne.s32 s2, $0x0  }
0x193: {  	s3 =	rddreg [dreg:$0x2];
	[bflag:$0x3] =	sbarrier.arrive $0xFFFF;
	s2 =	simm.s32 @!p0 $0x1C0E  }
0x194: {  	[timem:s3], [sflag:s2] =	dma.local @!p0 [hbm:s0], s1  }
0x195: {  	s0 =	simm.s32 @!p0 $0xE  }
0x196: {  	_ =	swait.ge @!p0 [sflag:s0], s1  }
0x197: {  	s1 =	ssub.s32 @!p0 $0x0, s1;
	[sflag:s0] =	ssyncset.done @!p0 $0x0  }
0x198: {  	[sflag:s0] =	ssyncadd.s32 @!p0 s1  }
0x199: {  	[bflag:$0x3] =	sbarrier.arrive $0xFFFF  }
0x19a: {  	_ =	shalt  }

// kernel: sparse-core-data-format-call.cloned.1.call-start
scs
called_computation_lowered:
.L_overlay_start_0:
0x0: {  	s2 =	sld [smem:$0x3FD9]  }
0x1: {  	s3 =	sld [smem:$0x3FFE];
	_ =	sdelay $0x1  }
0x2: {  	s1 =	srdreg.scid  }
0x3: {  	s0 =	sand.u32 $0x1, s1  }
0x4: {  	s16 =	sshll.u32 s0, $0xA;
	s2 =	sadd.s32 s3, s2  }
0x5: {  	s2 =	sadd.s32 s2, s16  }
0x6: {  	[smem:$0x3FC4] =	sst s2  }
0x7: {  	_ = 	snop  }
0x8: {  	s2 =	sld [smem:$0x3FD0];
	_ =	sdelay $0x2  }
0x9: {  	s17 =	simm.s32 $0xB;
	s4 =	simm.s32 $0x10  }
0xa: {  	[smem:s4], [sflag:s17] =	dma.local [hbm:s2], $0x1  }
0xb: {  	_ =	swait.eq [sflag:s17], $0x1  }
0xc: {  	[sflag:s17] =	ssyncset.done $0x0  }
0xd: {  	[sflag:s17] =	ssyncadd.s32 $0xFFFFFFFF  }
0xe: {  	s18 =	sld [smem:$0x11];
	(tm) =	ssettm $0x1  }
0xf: {  	s19 =	sld [smem:$0x3FFB];
	_ =	sdelay $0x3  }
0x10: {  	_ =	strace s19  }
0x11: {  	s2 =	sld [smem:$0x3FFC];
	_ =	sdelay $0x3  }
0x12: {  	_ =	strace s2  }
0x13: {  	s2 =	sld [smem:$0x3FFD];
	_ =	sdelay $0x3  }
0x14: {  	_ =	strace s2  }
0x15: {  	_ =	strace $0x8FFFFFFF  }
0x16: {  	s20 =	sld [smem:$0x3FDB];
	_ =	sdelay $0x1  }
0x17: {  	s21 =	simm.s32 $_scs_section_size  }
0x18: {  	s5 =	simm.s32 $_size__tile_overlayer_lowered;
	s6 =	simm.s32 $_tile_overlayer_lowered  }
0x19: {  	s7 =	simm.s32 $0x1BFF;
	s22 =	sshll.u32 s6, $0x1;
	s4 =	sadd.s32 s21, s20  }
0x1a: {  	s23 =	simm.s32 $0x0;
	s5 =	sshll.u32 s5, $0x1;
	s6 =	sadd.s32 s22, s4  }
0x1b: {  	[timem:s23], [sflag:s7] =	dma.local [hbm:s6], s5  }
0x1c: {  	_ =	swait.ge [sflag:s7], s5  }
0x1d: {  	s5 =	ssub.s32 $0x0, s5;
	[sflag:s7] =	ssyncset.done $0x0  }
0x1e: {  	[sflag:s7] =	ssyncadd.s32 s5;
	_ =	sdelay $0x1  }
0x1f: {  	s24 =	simm.s32 $0x1B8B  }
0x20: {  	_ =	swait.ge [sflag:s24], $0x1  }
0x21: {  	[sflag:s24] =	ssyncset.done $0x0  }
0x22: {  	[sflag:s24] =	ssyncadd.s32 $0xFFFFFFFF  }
0x23: {  	s5 =	sld [smem:$0x0]  }
0x24: {  	s6 =	sand.u32 $0xFFFFFFFE, s1  }
0x25: {  	p0 =	sne.s32 s1, s6  }
0x26: {  	s6 =	sshll.u32 @p0 s6, $0xE  }
0x27: {  	s6 =	sadd.s32 @p0 $0x11B8D, s6;
	s7 =	sshll.u32 @p0 s5, $0x11  }
0x28: {  	s6 =	sor.u32 @p0 s7, s6  }
0x29: {  	[sflag:s6] =	ssyncadd.remote.s32 @p0 $0x1;
	_ =	sdelay $0x1  }
0x2a: {  	s6 =	simm.s32 @p0 $0x1B8D  }
0x2b: {  	_ =	swait.eq @p0 [sflag:s6], $0x1  }
0x2c: {  	[sflag:s6] =	ssyncadd.s32 @p0 $0xFFFFFFFF  }
0x2d: {  	s7 =	sshll.u32 @!p0 s1, $0xE  }
0x2e: {  	s7 =	sor.u32 @!p0 $0x4000, s7;
	s6 =	simm.s32 @!p0 $0x1B8D  }
0x2f: {  	s5 =	sshll.u32 @!p0 s5, $0x11;
	s7 =	sadd.s32 @!p0 $0x11B8D, s7;
	_ =	swait.eq @!p0 [sflag:s6], $0x1  }
0x30: {  	s5 =	sor.u32 @!p0 s5, s7;
	[sflag:s6] =	ssyncadd.s32 @!p0 $0xFFFFFFFF  }
0x31: {  	s26 =	simm.s32 $0x1B8E;
	s25 =	sld [smem:$0x3FFE];
	[sflag:s5] =	ssyncadd.remote.s32 @!p0 $0x1  }
0x32: {  	s27 =	simm.s32 $execute0_lowered;
	[smem:$0x3FD2] =	sst s26  }
0x33: {  	s6 =	sshll.u32 s27, $0x1;
	_ =	strace $0x8000004C;
	[dreg:$0x1] =	wrdreg $0xFFFFFFFF  }
0x34: {  	s28 =	simm.s32 $_size_execute0_lowered;
	s4 =	sadd.s32 s4, s6;
	[dreg:$0x0] =	wrdreg $0x0  }
0x35: {  	s6 =	sshll.u32 s28, $0x1;
	[dreg:$0x2] =	wrdreg s4  }
0x36: {  	[dreg:$0x3] =	wrdreg s6  }
0x37: {  	[dreg:$0x4] =	wrdreg $0xC0  }
0x38: {  	_ =	task [dreg:s23], $0x5FFFF  }
0x39: {  	[dreg:$0x1] =	wrdreg $0xFFFFFFFF  }
0x3a: {  	[dreg:$0x0] =	wrdreg $0x60  }
0x3b: {  	[dreg:$0x2] =	wrdreg s25  }
0x3c: {  	[dreg:$0x3] =	wrdreg s18  }
0x3d: {  	[dreg:$0x4] =	wrdreg $0xA  }
0x3e: {  	_ =	task.clear_ibuf [dreg:s23], $0x5FFFF;
	_ =	strace $0x9000004C  }
0x3f: {  	s29 =	simm.s32 $0xA;
	_ =	strace $0x8000004E  }
0x40: {  	_ =	swait.ge [sflag:s29], $0x1  }
0x41: {  	[sflag:s29] =	ssyncadd.s32 $0xFFFFFFFF  }
0x42: {  	_ =	strace $0x9000004E  }
0x43: {  	_ =	sfence  }
0x44: {  	s30 =	sld [smem:$0x0];
	_ =	sdelay $0x2  }
0x45: {  	s31 =	sshll.u32 s1, $0xD;
	s1 =	sshrl.u32 s1, $0x2  }
0x46: {  	s4 =	sand.u32 $0x4000, s31;
	s1 =	sadd.s32 s1, s30  }
0x47: {  	s0 =	sor.u32 s4, s0;
	s1 =	sshll.u32 s1, $0x11  }
0x48: {  	s0 =	sor.u32 s1, s0  }
0x49: {  	s0 =	sadd.s32 $0x8F2B, s0  }
0x4a: {  	[sflag:s0] =	ssyncadd.remote.s32 $0x1  }
0x4b: {  	_ =	sfence.sel $0xFFFF  }
0x4c: {  	[dreg:$0x0] =	wrdreg $0xFFFFFFFF;
	(pc) =	sbr.abs _section_cstart, $3  }
0x4d: {  	[dreg:$0x1] =	wrdreg $0xFFFFFFFF  }
0x4e: {  	_ =	task.clear_ibuf [dreg:s23], $0x2FFFF;
	_ =	strace $0x9FFFFFFF  }
0x4f: {  	(tm) =	ssettm $0x7FFFFFFF  }
tec
execute0_lowered:
.L_overlay_start_1:
0x0: {  	(tag) =	ssettag $0x1  }
0x1: {  	s0 =	srdreg.scid  }
0x2: {  	s1 =	sshll.u32 s0, $0x4  }
0x3: {  	s4 =	rddreg [dreg:$0x0];
	s0 =	stileid.u32;
	s1 =	sand.u32 $0x10, s1  }
0x4: {  	s2 =	rddreg [dreg:$0x1];
	s7 =	simm.s32 $0x1;
	s1 =	sor.u32 s0, s1  }
0x5: {  	s8 =	simm.s32 $0x2;
	s11 =	simm.s32 $0x0;
	s3 =	sshll.u32 s1, $0x7  }
0x6: {  	s10 =	simm.s32 $0x0;
	s4 =	sadd.s32 $0x26B600, s4;
	s6 =	ssub.s32 $0x186A00, s3  }
.Ltmp0:
0x7: {  	s1 =	rddreg [dreg:$0x2];
	s5 =	sand.u32 $0xF80, s6;
	(pc) =	sbr.rel .LBB1_1-.Ltmp0, $4  }
0x8: {  	_ =	strace $0x8000004D;
	s9 =	smov.u32 s3;
	p0 =	sne.s32 s5, $0x0  }
0x9: {  	s6 =	sshrl.u32 s6, $0xC;
	s5 =	simm.s32 $0x1;
	s7 =	simm.s32 @!p0 $0x0  }
0xa: {  	[sflag:s5] =	ssyncpa.u1 $0x0;
	p0 =	por $0x0, $0x0;
	s6 =	sadd.s32 s7, s6  }
0xb: {  	[sflag:s8] =	ssyncpa.u1 $0x0;
	s8 =	simm.s32 $0xC35000;
	s7 =	sadd.s32 $0x1, s6  }
.LBB1_4:
0xc: {  	s14 =	sshll.u32 s11, $0x3  }
0xd: {  	s14 =	sand.u32 $0xFFFFFC00, s14  }
0xe: {  	s15 =	sshrl.u32 s14, $0x9  }
0xf: {  	s15 =	smulhi.u32 $0xA7C5AD, s15;
	_ =	sdelay $0x1  }
0x10: {  	s15 =	sshrl.u32 s15, $0x3  }
0x11: {  	s28 =	sand.u32 $0x7F, s11;
	s16 =	smul.u32 $0x186A00, s15  }
0x12: {  	[tilespmem:s12+$0xFFFFFFFC ss:$0x81] =	vst.msk $0xffff, v0;
	s11 =	sor.u32 s28, s14  }
0x13: {  	[tilespmem:s12+$0xFFFFFFFD ss:$0x81] =	vst.msk $0xffff, v3;
	s29 =	sand.u32 $0xF, s15;
	s11 =	ssub.s32 s11, s16  }
0x14: {  	[tilespmem:s12+$0xFFFFFFFE ss:$0x81] =	vst.msk $0xffff, v1;
	s14 =	smul.u32 $0x30D40, s29;
	s30 =	sshrl.u32 s11, $0x3;
	s11 =	sand.u32 $0x7, s11  }
0x15: {  	[tilespmem:s12+$0xFFFFFFFF ss:$0x81] =	vst.msk $0xffff, v4;
	s15 =	sadd.s32 s2, s30;
	s11 =	sshll.u32 s11, $0x12  }
0x16: {  	[tilespmem:s12+$0xFFFFFFF9 ss:$0x81] =	vst.msk $0xffff, v2;
	s31 =	sadd.s32 s14, s15;
	s11 =	sor.u32 $0x400, s11  }
0x17: {  	[hbm4b:s31+s11] =	stream.strided.scatter [tilespmem:s13], [sflag:$0x2], $0x800, s8, s11, $0x20;
	[tilespmem:$0x2020] =	vst v63  }
.LBB1_5:
0x18: {  	s13 =	sadd.s32 $0x1000, s9  }
0x19: {  	p2 =	sgt.s32 s13, $0x1869FF  }
0x1a: {  	s13 =	smov.u32 @p2 s3;
	p2 =	sne.s32 s10, s7  }
.Ltmp1:
0x1b: {  	p1 =	slt.u32 s10, $0x2;
	(pc) =	sbr.rel @!p2 .LBB1_6-.Ltmp1, $4  }
0x1c: {  	s12 =	simm.s32 @!p1 $0x2  }
0x1d: {  	s14 =	sadd.s32 $0x1, s10;
	_ =	swait.ge @!p1 [sflag:s12], $0x800  }
0x1e: {  	s11 =	smov.u32 s9;
	p0 =	por !p0, !p0;
	[sflag:s12] =	ssyncset.done @!p1 $0x0  }
0x1f: {  	s10 =	smov.u32 s14;
	s9 =	smov.u32 s13;
	[sflag:s12] =	ssyncadd.s32 @!p1 $0xFFFFF800  }
.LBB1_1:
0x20: {  	p1 =	sge.u32 s10, s6  }
0x21: {  	s12 =	sand.u32 @!p1 $0x1FFFFFF, s9  }
0x22: {  	s13 =	smulhi.u32 @!p1 $0x14F8B59, s12;
	_ =	sdelay $0x1  }
0x23: {  	s13 =	sshrl.u32 @!p1 s13, $0xD  }
0x24: {  	s13 =	smul.u32 @!p1 $0x186A00, s13;
	_ =	sdelay $0x1  }
0x25: {  	s31 =	sadd.s32 $0xFFFFFFFF, s10;
	s14 =	sxor.u32 @!p1 $0xFFFFFFFF, s10;
	s12 =	ssub.s32 @!p1 s12, s13  }
0x26: {  	s15 =	simm.s32 @!p1 $0x80;
	s14 =	sshll.u32 @!p1 s14, $0xB;
	s12 =	sshll.u32 @!p1 s12, $0x4  }
0x27: {  	s13 =	sand.u32 @!p1 $0x800, s14;
	s14 =	simm.s32 @!p1 $0x10;
	s12 =	sadd.s32 @!p1 s4, s12  }
0x28: {  	[tilespmem:s13], [sflag:$0x1] =	stream.strided.gather @!p1 [hbm4b:s12+s14], $0x800, s15, s14, $0x38;
	[tilespmem:$0x2020] =	vst v63  }
0x29: {  	p1 =	sge.u32 s31, s6  }
.Ltmp2:
0x2a: {  	_ = 	snop;
	(pc) =	sbr.rel @p1 .LBB1_5-.Ltmp2, $1  }
0x2b: {  	_ =	sdelay $0x3  }
0x2c: {  	s12 =	simm.s32 $0x1  }
0x2d: {  	_ =	swait.ge [sflag:s5], $0x800;
	s12 =	simm.s32 @!p0 $0x0  }
0x2e: {  	[sflag:s5] =	ssyncset.done $0x0;
	s13 =	sshll.u32 s12, $0xB  }
0x2f: {  	[sflag:s5] =	ssyncadd.s32 $0xFFFFF800;
	s15 =	sor.u32 $0x40, s13  }
0x30: {  	v2 =	vld [tilespmem:s15+$0x30]  }
0x31: {  	s12 =	smul.u32 $0x2040, s12;
	v4 =	vld [tilespmem:s15+$0xFFFFFFD0]  }
0x32: {  	v5 =	vld [tilespmem:s15+$0xFFFFFFE0]  }
0x33: {  	s31 =	sand.u32 $0x1, s10;
	s12 =	sshrl.u32 s12, $0x2;
	v0 =	vld [tilespmem:s15+$0xFFFFFFF0]  }
0x34: {  	s13 =	smul.u32 $0x2040, s31;
	v3 =	vld [tilespmem:s15+$0x0];
	s12 =	sor.u32 $0x1007, s12  }
0x35: {  	v1 =	vld [tilespmem:s15+$0x10];
	[tilespmem:s12+$0x0 ss:$0x81] =	vst.msk $0xffff, v2  }
0x36: {  	s13 =	sshrl.u32 s13, $0x2;
	[tilespmem:s12+$0xFFFFFFFA ss:$0x81] =	vst.msk $0xffff, v4;
	v4 =	vld [tilespmem:s15+$0x20]  }
0x37: {  	s14 =	simm.s32 $0x0;
	s13 =	sor.u32 $0x1000, s13;
	v2 =	vld [tilespmem:s15+$0xFFFFFFC0];
	[tilespmem:s12+$0xFFFFFFFB ss:$0x81] =	vst.msk $0xffff, v5;
	s15 =	sadd.s32 $0x80, s15  }
.LBB1_3:
0x38: {  	v5 =	vld [tilespmem:s15+$0x30];
	s14 =	sadd.s32 $0x8, s14;
	[tilespmem:s12+$0xFFFFFFFC ss:$0x81] =	vst.msk $0xffff, v0  }
0x39: {  	v6 =	vld [tilespmem:s15+$0xFFFFFFD0];
	p1 =	slt.u32 s14, $0x78;
	[tilespmem:s12+$0xFFFFFFFD ss:$0x81] =	vst.msk $0xffff, v3  }
0x3a: {  	v7 =	vld [tilespmem:s15+$0xFFFFFFE0];
	[tilespmem:s12+$0xFFFFFFFE ss:$0x81] =	vst.msk $0xffff, v1  }
.Ltmp3:
0x3b: {  	v0 =	vld [tilespmem:s15+$0xFFFFFFF0];
	[tilespmem:s12+$0xFFFFFFFF ss:$0x81] =	vst.msk $0xffff, v4;
	(pc) =	sbr.rel @p1 .LBB1_3-.Ltmp3, $4  }
0x3c: {  	v3 =	vld [tilespmem:s15+$0x0];
	[tilespmem:s12+$0xFFFFFFF9 ss:$0x81] =	vst.msk $0xffff, v2;
	s12 =	sadd.s32 $0x8, s12  }
0x3d: {  	v1 =	vld [tilespmem:s15+$0x10];
	[tilespmem:s12+$0x0 ss:$0x81] =	vst.msk $0xffff, v5  }
0x3e: {  	[tilespmem:s12+$0xFFFFFFFA ss:$0x81] =	vst.msk $0xffff, v6;
	v4 =	vld [tilespmem:s15+$0x20]  }
0x3f: {  	v2 =	vld [tilespmem:s15+$0xFFFFFFC0];
	[tilespmem:s12+$0xFFFFFFFB ss:$0x81] =	vst.msk $0xffff, v7;
	s15 =	sadd.s32 $0x80, s15  }
.Ltmp4:
0x40: {  	_ = 	snop;
	(pc) =	sbr.rel .LBB1_4-.Ltmp4, $1  }
0x41: {  	_ =	sdelay $0x3  }
.LBB1_6:
0x42: {  	_ =	sfence.sel $0x180000  }
0x43: {  	s2 =	simm.s32 $0x1;
	[bflag:$0x0] =	sbarrier.arrive $0xFFFF  }
0x44: {  	s31 =	simm.s32 $0x2;
	[sflag:s2] =	ssyncpa.u1 $0x1  }
0x45: {  	[sflag:s31] =	ssyncpa.u1 $0x1  }
0x46: {  	p0 =	sne.s32 s0, $0x0;
	_ =	strace $0x9000004D  }
0x47: {  	s0 =	sadd.s32 @!p0 $0x100000, s1;
	[bflag:$0x2] =	sbarrier.arrive $0xFFFF  }
0x48: {  	[sflag:s0] =	ssyncadd.tile.s32 @!p0 $0x1;
	_ =	shalt  }
.Lfunc_end1:
_tile_overlayer_lowered:
.L_overlay_start_2:
0x49: {  	(tag) =	ssettag $0x2  }
0x4a: {  	s0 =	rddreg [dreg:$0x0];
	s2 =	stileid.u32  }
0x4b: {  	s1 =	rddreg [dreg:$0x1];
	p0 =	sne.s32 s2, $0x0  }
0x4c: {  	s3 =	rddreg [dreg:$0x2];
	[bflag:$0x3] =	sbarrier.arrive $0xFFFF;
	s2 =	simm.s32 @!p0 $0x1C01  }
0x4d: {  	[timem:s3], [sflag:s2] =	dma.local @!p0 [hbm:s0], s1  }
0x4e: {  	s0 =	simm.s32 @!p0 $0x1  }
0x4f: {  	_ =	swait.ge @!p0 [sflag:s0], s1  }
0x50: {  	s1 =	ssub.s32 @!p0 $0x0, s1;
	[sflag:s0] =	ssyncset.done @!p0 $0x0  }
0x51: {  	[sflag:s0] =	ssyncadd.s32 @!p0 s1  }
0x52: {  	[bflag:$0x3] =	sbarrier.arrive $0xFFFF  }
0x53: {  	_ =	shalt  }

</sc_bundles>
